<compile_context>
chip_gen: v7x
topology: tpu7x:2x2x1
jax: 0.10.2.dev20260603
libtpu: 0.0.44.dev20260713+nightly
codegen_flags: <defaults>
</compile_context>

<pallas_src>
import functools

import jax
import jax.numpy as jnp
from jax import lax
from jax.experimental import pallas as pl
from jax.experimental.pallas import tpu as pltpu
from jax.experimental.pallas import tpu_sc as plsc

H = 1024
FF = 512
NE = 64
NS = 1
NR = NE - NS
TOPK = 2
T = 2048

BM = 64
MAX_RBLK = 128
SH_BLK = T // BM
NBLK = MAX_RBLK + SH_BLK
RPAD = MAX_RBLK * BM
NROWS = RPAD + T


def _router_body(x_ref, wrt_ref, br_ref, wr_ref, s_out, i_out, z_out):
    i = pl.program_id(0)
    xb = x_ref[...]
    logits = jnp.dot(xb, wrt_ref[...],
                     preferred_element_type=jnp.float32)
    logits = logits + br_ref[0:1, :NE]
    col = lax.broadcasted_iota(jnp.int32, logits.shape, 1)
    valid = col < NR
    probs = jnp.where(valid, jax.nn.sigmoid(logits), -1.0)
    m1 = jnp.max(probs, axis=1, keepdims=True)
    i1 = jnp.min(jnp.where(probs == m1, col, NE), axis=1, keepdims=True)
    probs2 = jnp.where(col == i1, -1.0, probs)
    m2 = jnp.max(probs2, axis=1, keepdims=True)
    i2 = jnp.min(jnp.where(probs2 == m2, col, NE), axis=1, keepdims=True)
    den = m1 + m2
    s1 = m1 / den
    s2 = m2 / den
    c128 = lax.broadcasted_iota(jnp.int32, (xb.shape[0], 128), 1)
    zf = jnp.zeros_like(c128, dtype=jnp.float32)
    zi = jnp.zeros_like(c128)
    s_out[...] = jnp.where(c128 == 0, s1, jnp.where(c128 == 1, s2, zf))
    i_out[...] = jnp.where(c128 == 0, i1, jnp.where(c128 == 1, i2, zi))

    @pl.when(i == 0)
    def _():
        w = wr_ref[...]
        lg = jnp.log(jnp.sum(jnp.exp(w), axis=1, keepdims=True))
        rio = lax.broadcasted_iota(jnp.int32, lg.shape, 0)
        tot = jnp.sum(jnp.where(rio < NR, lg, 0.0))
        z_out[...] = jnp.full((8, 128), 0.001 * tot / NR)


def _router(x2, Wr, br):
    TB = 256
    wr_pad = jnp.zeros((NE, H), jnp.float32).at[:NR].set(Wr)
    wrt = wr_pad.T
    br_pad = jnp.zeros((8, 128), jnp.float32).at[0, :NR].set(br)
    s_out, i_out, z_out = pl.pallas_call(
        _router_body,
        grid=(T // TB,),
        in_specs=[
            pl.BlockSpec((TB, H), lambda i: (i, 0)),
            pl.BlockSpec((H, NE), lambda i: (0, 0)),
            pl.BlockSpec((8, 128), lambda i: (0, 0)),
            pl.BlockSpec((NE, H), lambda i: (0, 0)),
        ],
        out_specs=[
            pl.BlockSpec((TB, 128), lambda i: (i, 0)),
            pl.BlockSpec((TB, 128), lambda i: (i, 0)),
            pl.BlockSpec((8, 128), lambda i: (0, 0)),
        ],
        out_shape=[
            jax.ShapeDtypeStruct((T, 128), jnp.float32),
            jax.ShapeDtypeStruct((T, 128), jnp.int32),
            jax.ShapeDtypeStruct((8, 128), jnp.float32),
        ],
    )(x2, wrt, br_pad, wr_pad)
    return s_out[:, :TOPK], i_out[:, :TOPK], z_out[0, 0]


def _gemm_body(th, s_ref, xg_ref, x2_ref, wg_ref, wu_ref, wd_ref, sc_ref,
               out_ref):
    i = pl.program_id(0)
    xb = jnp.where(i >= th, x2_ref[...], xg_ref[...])
    dn = (((1,), (1,)), ((), ()))
    xbb = xb.astype(jnp.bfloat16)
    g = lax.dot_general(xbb, wg_ref[0].astype(jnp.bfloat16), dn,
                        preferred_element_type=jnp.float32)
    u = lax.dot_general(xbb, wu_ref[0].astype(jnp.bfloat16), dn,
                        preferred_element_type=jnp.float32)
    h = (g * jax.nn.sigmoid(g)) * u
    y = lax.dot_general(h.astype(jnp.bfloat16),
                        wd_ref[0].astype(jnp.bfloat16), dn,
                        preferred_element_type=jnp.float32)
    s = sc_ref[0, 0, :BM]
    out_ref[...] = y * s[:, None]


def _grouped_gemm(xg, x2, Wg_all, Wu_all, Wd_all, scores_blk, blk_expert,
                  shared_start):
    nblk = blk_expert.shape[0]
    nxg = xg.shape[0] // BM
    grid_spec = pltpu.PrefetchScalarGridSpec(
        num_scalar_prefetch=1,
        grid=(nblk,),
        in_specs=[
            pl.BlockSpec((BM, H),
                         lambda i, s: (jnp.minimum(i, nxg - 1), 0)),
            pl.BlockSpec((BM, H),
                         lambda i, s: (jnp.maximum(i - shared_start, 0), 0)),
            pl.BlockSpec((1, FF, H), lambda i, s: (s[i], 0, 0)),
            pl.BlockSpec((1, FF, H), lambda i, s: (s[i], 0, 0)),
            pl.BlockSpec((1, H, FF), lambda i, s: (s[i], 0, 0)),
            pl.BlockSpec((1, 1, 128), lambda i, s: (i, 0, 0)),
        ],
        out_specs=pl.BlockSpec((BM, H), lambda i, s: (i, 0)),
    )
    return pl.pallas_call(
        functools.partial(_gemm_body, shared_start),
        grid_spec=grid_spec,
        out_shape=jax.ShapeDtypeStruct((nblk * BM, H), jnp.float32),
    )(blk_expert, xg, x2, Wg_all, Wu_all, Wd_all, scores_blk)


NW = 32


def _sc_mesh():
    return plsc.VectorSubcoreMesh(core_axis_name="c", subcore_axis_name="s")


def _sc_gather(x2, idx_part):
    RP = idx_part.shape[0]
    rows_per_w = RP // NW
    CH = 32
    nch = rows_per_w // CH
    NB = 3

    @functools.partial(
        pl.kernel,
        out_type=jax.ShapeDtypeStruct((RP, H), jnp.float32),
        mesh=_sc_mesh(),
        scratch_types=(
            [pltpu.VMEM((rows_per_w,), jnp.int32)]
            + [pltpu.VMEM((CH, H), jnp.float32) for _ in range(NB)]
            + [pltpu.SemaphoreType.DMA for _ in range(2 * NB)]
        ),
    )
    def gk(x2_hbm, idx_hbm, out_hbm, *bufs):
        idx_full = bufs[0]
        rows = bufs[1:1 + NB]
        gsem = bufs[1 + NB:1 + 2 * NB]
        ssem = bufs[1 + 2 * NB:1 + 3 * NB]
        wid = lax.axis_index("s") * 2 + lax.axis_index("c")
        base0 = wid * rows_per_w
        pltpu.sync_copy(idx_hbm.at[pl.ds(base0, rows_per_w)], idx_full)

        def idx_sl(c):
            return idx_full.at[pl.ds(c * CH, CH)]

        def start_gather(c, k):
            pltpu.async_copy(x2_hbm.at[idx_sl(c)], rows[k], gsem[k])

        def wait_store(c, k):
            pltpu.make_async_copy(
                rows[k], out_hbm.at[pl.ds(base0 + c * CH, CH)],
                ssem[k]).wait()

        for k in range(min(NB, nch)):
            start_gather(k, k)
        for c in range(nch):
            k = c % NB
            if c >= 1 and (c - 1) + NB < nch:
                kk = (c - 1) % NB
                wait_store(c - 1, kk)
                start_gather(c - 1 + NB, kk)
            pltpu.make_async_copy(x2_hbm.at[idx_sl(c)], rows[k],
                                  gsem[k]).wait()
            pltpu.async_copy(rows[k], out_hbm.at[pl.ds(base0 + c * CH, CH)],
                             ssem[k])
        for c in range(max(nch - NB, 0), nch):
            wait_store(c, c % NB)

    return gk(x2, idx_part)


def _sc_combine(out_all, p0, p1):
    tok_per_w = T // NW
    CH = 32
    nch = tok_per_w // CH

    @functools.partial(
        pl.kernel,
        out_type=jax.ShapeDtypeStruct((T, H), jnp.float32),
        mesh=_sc_mesh(),
        scratch_types=[
            pltpu.VMEM((CH,), jnp.int32),
            pltpu.VMEM((CH,), jnp.int32),
            pltpu.VMEM((CH, H), jnp.float32),
            pltpu.VMEM((CH, H), jnp.float32),
            pltpu.VMEM((CH, H), jnp.float32),
            pltpu.SemaphoreType.DMA,
        ],
    )
    def ck(out_hbm, p0_hbm, p1_hbm, fin_hbm,
           i0_v, i1_v, acc_v, b0_v, b1_v, sem):
        wid = lax.axis_index("s") * 2 + lax.axis_index("c")
        for c in range(nch):
            base = wid * tok_per_w + c * CH
            pltpu.sync_copy(p0_hbm.at[pl.ds(base, CH)], i0_v)
            pltpu.sync_copy(p1_hbm.at[pl.ds(base, CH)], i1_v)
            cp0 = pltpu.async_copy(out_hbm.at[i0_v], b0_v, sem)
            cp1 = pltpu.async_copy(out_hbm.at[i1_v], b1_v, sem)
            pltpu.sync_copy(out_hbm.at[pl.ds(RPAD + base, CH)], acc_v)
            cp0.wait()
            cp1.wait()

            def row_body(r, _):
                def col_body(cc, _):
                    sl = pl.ds(cc * 16, 16)
                    acc_v[r, sl] = acc_v[r, sl] + b0_v[r, sl] + b1_v[r, sl]
                    return 0
                return lax.fori_loop(0, H // 16, col_body, 0)

            lax.fori_loop(0, CH, row_body, 0)
            pltpu.sync_copy(acc_v, fin_hbm.at[pl.ds(base, CH)])

    return ck(out_all, p0, p1)


def kernel(x, shared_Wg, shared_Wu, shared_Wd, Wg, Wu, Wd, Wr, br):
    Bx, Tx, C = x.shape
    x2 = x.reshape(Tx, C)

    scores2, idx2, zloss = _router(x2, Wr, br)

    e_flat = idx2.reshape(-1)
    s_flat = scores2.reshape(-1)
    order = jnp.argsort(e_flat)
    e_sorted = e_flat[order]
    tok_sorted = (order // TOPK).astype(jnp.int32)
    s_sorted = s_flat[order]
    gsz = jnp.bincount(e_sorted, length=NR)
    blocks = (gsz + BM - 1) // BM
    cum_blocks = jnp.cumsum(blocks)
    off = (cum_blocks - blocks) * BM
    gstart = jnp.cumsum(gsz) - gsz
    rank = jnp.arange(T * TOPK, dtype=jnp.int32) - gstart[e_sorted]
    pos = (off[e_sorted] + rank).astype(jnp.int32)
    idx_all = jnp.zeros((RPAD,), jnp.int32).at[pos].set(tok_sorted)
    scores_all = jnp.zeros((NROWS,), jnp.float32).at[pos].set(s_sorted)
    scores_all = scores_all.at[RPAD:].set(1.0)
    inv = jnp.zeros((T * TOPK,), jnp.int32).at[order].set(pos)
    p0 = inv[0::2]
    p1 = inv[1::2]
    blk_expert = jnp.searchsorted(
        cum_blocks, jnp.arange(MAX_RBLK, dtype=jnp.int32), side='right'
    ).astype(jnp.int32)
    blk_expert = jnp.concatenate(
        [blk_expert, jnp.full((SH_BLK,), NR, jnp.int32)])
    scores_blk = jnp.zeros((NBLK, 1, 128), jnp.float32).at[:, 0, :BM].set(
        scores_all.reshape(NBLK, BM))

    Wg_all = jnp.concatenate([Wg, shared_Wg], axis=0)
    Wu_all = jnp.concatenate([Wu, shared_Wu], axis=0)
    Wd_all = jnp.concatenate([Wd, shared_Wd], axis=0)

    xg = _sc_gather(x2, idx_all)

    out_all = _grouped_gemm(xg, x2, Wg_all, Wu_all, Wd_all,
                            scores_blk, blk_expert, MAX_RBLK)

    final2 = _sc_combine(out_all, p0, p1)
    return final2.reshape(Bx, Tx, C), zloss

# --- scband reference (transcript-rebuilt; emitter-appended) ---
"""Pipeline reference for scband-deep-seek-moe-31284541784330 (READ-ONLY COPY).

The authoritative reference and input builder live on the scoring server;
editing this copy changes nothing except your own understanding.
"""

import jax, jax.numpy as jnp
import numpy as np

H = 1024
FF = 512
NE = 64
NS = 1
NR = NE - NS
TOPK = 2
B, T = 1, 2048


def silu(v):
    return v * jax.nn.sigmoid(v)


def expert_fwd(x, Wg, Wu, Wd):
    # nn.Linear: y = x @ W.T (no bias)
    return (silu(x @ Wg.T) * (x @ Wu.T)) @ Wd.T


def setup_inputs(seed: int = 0) -> dict:
    key = jax.random.key(seed)
    ks = jax.random.split(key, 9)
    s = 0.02
    x = jax.random.normal(ks[0], (B, T, H), dtype=jnp.float32)
    shared_Wg = jax.random.normal(ks[1], (NS, FF, H), dtype=jnp.float32) * s
    shared_Wu = jax.random.normal(ks[2], (NS, FF, H), dtype=jnp.float32) * s
    shared_Wd = jax.random.normal(ks[3], (NS, H, FF), dtype=jnp.float32) * s
    Wg = jax.random.normal(ks[4], (NR, FF, H), dtype=jnp.float32) * s
    Wu = jax.random.normal(ks[5], (NR, FF, H), dtype=jnp.float32) * s
    Wd = jax.random.normal(ks[6], (NR, H, FF), dtype=jnp.float32) * s
    Wr = jax.random.normal(ks[7], (NR, H), dtype=jnp.float32) * s
    br = jnp.zeros((NR,), dtype=jnp.float32)
    return {"x": x, "shared_Wg": shared_Wg, "shared_Wu": shared_Wu,
            "shared_Wd": shared_Wd, "Wg": Wg, "Wu": Wu, "Wd": Wd,
            "Wr": Wr, "br": br}


def reference(x, shared_Wg, shared_Wu, shared_Wd, Wg, Wu, Wd, Wr, br):
    Bx, Tx, C = x.shape
    x2 = x.reshape(Bx * Tx, C)

    # shared experts
    shared_out = jnp.zeros_like(x2)
    for s_ in range(NS):
        shared_out = shared_out + expert_fwd(x2, shared_Wg[s_], shared_Wu[s_], shared_Wd[s_])
    if NS > 1:
        shared_out = shared_out / NS

    # routing
    logits = x2 @ Wr.T + br
    probs = jax.nn.sigmoid(logits)
    scores, indices = jax.lax.top_k(probs, TOPK)
    scores = scores / jnp.sum(scores, axis=-1, keepdims=True)

    combined = jnp.zeros_like(x2)
    for j in range(NR):
        w = jnp.zeros((x2.shape[0],), dtype=x2.dtype)
        for i in range(TOPK):
            w = w + jnp.where(indices[:, i] == j, scores[:, i], jnp.zeros((), dtype=x2.dtype))
        out = expert_fwd(x2, Wg[j], Wu[j], Wd[j])
        combined = combined + w[:, None] * out

    final = (shared_out + combined).reshape(Bx, Tx, C)
    router_z_loss = 0.001 * jnp.mean(jnp.log(jnp.sum(jnp.exp(Wr), axis=-1)))
    return final, router_z_loss

if __name__ == "__main__":
    import jax
    _d = setup_inputs()
    print(jax.jit(kernel)(*tuple(_d.values())))

</pallas_src>

<mosaic_0001>
#map = affine_map<(d0, d1) -> (0, 0)>
#map1 = affine_map<(d0, d1) -> (0)>
module attributes {stable_mosaic.version = 14 : i64} {
  func.func @gk(%arg0: i32, %arg1: i32, %arg2: memref<2048x1024xf32, #tpu.memory_space<hbm>>, %arg3: memref<8192xi32, #tpu.memory_space<hbm>>, %arg4: memref<8192x1024xf32, #tpu.memory_space<hbm>>, %arg5: memref<256xi32, #tpu.memory_space<vmem>>, %arg6: memref<32x1024xf32, #tpu.memory_space<vmem>>, %arg7: memref<32x1024xf32, #tpu.memory_space<vmem>>, %arg8: memref<32x1024xf32, #tpu.memory_space<vmem>>, %arg9: memref<!tpu.dma_semaphore, #tpu.memory_space<semaphore_mem>>, %arg10: memref<!tpu.dma_semaphore, #tpu.memory_space<semaphore_mem>>, %arg11: memref<!tpu.dma_semaphore, #tpu.memory_space<semaphore_mem>>, %arg12: memref<!tpu.dma_semaphore, #tpu.memory_space<semaphore_mem>>, %arg13: memref<!tpu.dma_semaphore, #tpu.memory_space<semaphore_mem>>, %arg14: memref<!tpu.dma_semaphore, #tpu.memory_space<semaphore_mem>>) attributes {dimension_semantics = [#tpu.dimension_semantics<core_parallel>, #tpu.dimension_semantics<subcore_parallel>], iteration_bounds = array<i64: 2, 16>, scalar_prefetch = 0 : i64, scratch_operands = 10 : i64, tpu.core_type = #tpu.core_type<sc_vector_subcore>, window_params = [{transform_indices = #map}, {transform_indices = #map1}, {transform_indices = #map}]} {
    %mul3A = arith.constant 2 : i32
    %mul3A_0 = arith.muli %arg1, %mul3A : i32
    %add3A = arith.addi %mul3A_0, %arg0 : i32
    %mul3A_1 = arith.constant 256 : i32
    %mul3A_2 = arith.muli %add3A, %mul3A_1 : i32
    "tpu.region"() ({
      %run_scoped3A = tpu.sem_alloc : memref<!tpu.dma_semaphore, #tpu.memory_space<semaphore_mem>>
      %dma_start3A_177 = tpu.memref_slice %arg3[%mul3A_2] : memref<8192xi32, #tpu.memory_space<hbm>> -> memref<256xi32, #tpu.memory_space<hbm>>
      %dma_start3A_178 = tpu.memref_slice %arg3[%mul3A_2] : memref<8192xi32, #tpu.memory_space<hbm>> -> memref<256xi32, #tpu.memory_space<hbm>>
      tpu.enqueue_dma source(%dma_start3A_178 : memref<256xi32, #tpu.memory_space<hbm>>) target(%arg5 : memref<256xi32, #tpu.memory_space<vmem>>) target_semaphore(%run_scoped3A : memref<!tpu.dma_semaphore, #tpu.memory_space<semaphore_mem>>)
      %dma_wait3A_179 = tpu.memref_slice %arg3[%mul3A_2] : memref<8192xi32, #tpu.memory_space<hbm>> -> memref<256xi32, #tpu.memory_space<hbm>>
      %dma_wait3A_180 = tpu.memref_slice %arg3[%mul3A_2] : memref<8192xi32, #tpu.memory_space<hbm>> -> memref<256xi32, #tpu.memory_space<hbm>>
      tpu.wait_dma2 semaphore(%run_scoped3A : memref<!tpu.dma_semaphore, #tpu.memory_space<semaphore_mem>>) src(%dma_wait3A_180 : memref<256xi32, #tpu.memory_space<hbm>>) dst(%arg5 : memref<256xi32, #tpu.memory_space<vmem>>)
      tpu.yield
    }) : () -> ()
    %dma_start3A = arith.constant 0 : i32
    %dma_start3A_3 = tpu.memref_slice %arg5[%dma_start3A] : memref<256xi32, #tpu.memory_space<vmem>> -> memref<32xi32, #tpu.memory_space<vmem>>
    %dma_start3A_4 = arith.constant 0 : i32
    %dma_start3A_5 = arith.constant 0 : i32
    %dma_start3A_6 = tpu.memref_slice %arg2[%dma_start3A_4, %dma_start3A_5] : memref<2048x1024xf32, #tpu.memory_space<hbm>> -> memref<2048x1024xf32, #tpu.memory_space<hbm>>
    tpu.enqueue_indirect_dma source(%dma_start3A_6 : memref<2048x1024xf32, #tpu.memory_space<hbm>>) target(%arg6 : memref<32x1024xf32, #tpu.memory_space<vmem>>) offsets(%dma_start3A_3 : memref<32xi32, #tpu.memory_space<vmem>>) semaphore(%arg9 : memref<!tpu.dma_semaphore, #tpu.memory_space<semaphore_mem>>)
    %dma_start3A_7 = arith.constant 32 : i32
    %dma_start3A_8 = tpu.memref_slice %arg5[%dma_start3A_7] : memref<256xi32, #tpu.memory_space<vmem>> -> memref<32xi32, #tpu.memory_space<vmem>>
    %dma_start3A_9 = arith.constant 0 : i32
    %dma_start3A_10 = arith.constant 0 : i32
    %dma_start3A_11 = tpu.memref_slice %arg2[%dma_start3A_9, %dma_start3A_10] : memref<2048x1024xf32, #tpu.memory_space<hbm>> -> memref<2048x1024xf32, #tpu.memory_space<hbm>>
    tpu.enqueue_indirect_dma source(%dma_start3A_11 : memref<2048x1024xf32, #tpu.memory_space<hbm>>) target(%arg7 : memref<32x1024xf32, #tpu.memory_space<vmem>>) offsets(%dma_start3A_8 : memref<32xi32, #tpu.memory_space<vmem>>) semaphore(%arg10 : memref<!tpu.dma_semaphore, #tpu.memory_space<semaphore_mem>>)
    %dma_start3A_12 = arith.constant 64 : i32
    %dma_start3A_13 = tpu.memref_slice %arg5[%dma_start3A_12] : memref<256xi32, #tpu.memory_space<vmem>> -> memref<32xi32, #tpu.memory_space<vmem>>
    %dma_start3A_14 = arith.constant 0 : i32
    %dma_start3A_15 = arith.constant 0 : i32
    %dma_start3A_16 = tpu.memref_slice %arg2[%dma_start3A_14, %dma_start3A_15] : memref<2048x1024xf32, #tpu.memory_space<hbm>> -> memref<2048x1024xf32, #tpu.memory_space<hbm>>
    tpu.enqueue_indirect_dma source(%dma_start3A_16 : memref<2048x1024xf32, #tpu.memory_space<hbm>>) target(%arg8 : memref<32x1024xf32, #tpu.memory_space<vmem>>) offsets(%dma_start3A_13 : memref<32xi32, #tpu.memory_space<vmem>>) semaphore(%arg11 : memref<!tpu.dma_semaphore, #tpu.memory_space<semaphore_mem>>)
    %dma_wait3A = arith.constant 0 : i32
    %dma_wait3A_17 = tpu.memref_slice %arg5[%dma_wait3A] : memref<256xi32, #tpu.memory_space<vmem>> -> memref<32xi32, #tpu.memory_space<vmem>>
    %dma_wait3A_18 = arith.constant 0 : i32
    %dma_wait3A_19 = arith.constant 0 : i32
    %dma_wait3A_20 = tpu.memref_slice %arg2[%dma_wait3A_18, %dma_wait3A_19] : memref<2048x1024xf32, #tpu.memory_space<hbm>> -> memref<2048x1024xf32, #tpu.memory_space<hbm>>
    tpu.wait_indirect_dma semaphore(%arg9 : memref<!tpu.dma_semaphore, #tpu.memory_space<semaphore_mem>>) src(%dma_wait3A_20 : memref<2048x1024xf32, #tpu.memory_space<hbm>>) dst(%arg6 : memref<32x1024xf32, #tpu.memory_space<vmem>>)
    %add3A_21 = arith.constant 0 : i32
    %add3A_22 = arith.addi %mul3A_2, %add3A_21 : i32
    %dma_start3A_23 = arith.constant 0 : i32
    %dma_start3A_24 = tpu.memref_slice %arg4[%add3A_22, %dma_start3A_23] : memref<8192x1024xf32, #tpu.memory_space<hbm>> -> memref<32x1024xf32, #tpu.memory_space<hbm>>
    %dma_start3A_25 = arith.constant 0 : i32
    %dma_start3A_26 = tpu.memref_slice %arg4[%add3A_22, %dma_start3A_25] : memref<8192x1024xf32, #tpu.memory_space<hbm>> -> memref<32x1024xf32, #tpu.memory_space<hbm>>
    tpu.enqueue_dma source(%arg6 : memref<32x1024xf32, #tpu.memory_space<vmem>>) target(%dma_start3A_26 : memref<32x1024xf32, #tpu.memory_space<hbm>>) target_semaphore(%arg12 : memref<!tpu.dma_semaphore, #tpu.memory_space<semaphore_mem>>)
    %add3A_27 = arith.constant 0 : i32
    %add3A_28 = arith.addi %mul3A_2, %add3A_27 : i32
    %dma_wait3A_29 = arith.constant 0 : i32
    %dma_wait3A_30 = tpu.memref_slice %arg4[%add3A_28, %dma_wait3A_29] : memref<8192x1024xf32, #tpu.memory_space<hbm>> -> memref<32x1024xf32, #tpu.memory_space<hbm>>
    %dma_wait3A_31 = arith.constant 0 : i32
    %dma_wait3A_32 = tpu.memref_slice %arg4[%add3A_28, %dma_wait3A_31] : memref<8192x1024xf32, #tpu.memory_space<hbm>> -> memref<32x1024xf32, #tpu.memory_space<hbm>>
    tpu.wait_dma2 semaphore(%arg12 : memref<!tpu.dma_semaphore, #tpu.memory_space<semaphore_mem>>) src(%arg6 : memref<32x1024xf32, #tpu.memory_space<vmem>>) dst(%dma_wait3A_32 : memref<32x1024xf32, #tpu.memory_space<hbm>>)
    %dma_start3A_33 = arith.constant 96 : i32
    %dma_start3A_34 = tpu.memref_slice %arg5[%dma_start3A_33] : memref<256xi32, #tpu.memory_space<vmem>> -> memref<32xi32, #tpu.memory_space<vmem>>
    %dma_start3A_35 = arith.constant 0 : i32
    %dma_start3A_36 = arith.constant 0 : i32
    %dma_start3A_37 = tpu.memref_slice %arg2[%dma_start3A_35, %dma_start3A_36] : memref<2048x1024xf32, #tpu.memory_space<hbm>> -> memref<2048x1024xf32, #tpu.memory_space<hbm>>
    tpu.enqueue_indirect_dma source(%dma_start3A_37 : memref<2048x1024xf32, #tpu.memory_space<hbm>>) target(%arg6 : memref<32x1024xf32, #tpu.memory_space<vmem>>) offsets(%dma_start3A_34 : memref<32xi32, #tpu.memory_space<vmem>>) semaphore(%arg9 : memref<!tpu.dma_semaphore, #tpu.memory_space<semaphore_mem>>)
    %dma_wait3A_38 = arith.constant 32 : i32
    %dma_wait3A_39 = tpu.memref_slice %arg5[%dma_wait3A_38] : memref<256xi32, #tpu.memory_space<vmem>> -> memref<32xi32, #tpu.memory_space<vmem>>
    %dma_wait3A_40 = arith.constant 0 : i32
    %dma_wait3A_41 = arith.constant 0 : i32
    %dma_wait3A_42 = tpu.memref_slice %arg2[%dma_wait3A_40, %dma_wait3A_41] : memref<2048x1024xf32, #tpu.memory_space<hbm>> -> memref<2048x1024xf32, #tpu.memory_space<hbm>>
    tpu.wait_indirect_dma semaphore(%arg10 : memref<!tpu.dma_semaphore, #tpu.memory_space<semaphore_mem>>) src(%dma_wait3A_42 : memref<2048x1024xf32, #tpu.memory_space<hbm>>) dst(%arg7 : memref<32x1024xf32, #tpu.memory_space<vmem>>)
    %add3A_43 = arith.constant 32 : i32
    %add3A_44 = arith.addi %mul3A_2, %add3A_43 : i32
    %dma_start3A_45 = arith.constant 0 : i32
    %dma_start3A_46 = tpu.memref_slice %arg4[%add3A_44, %dma_start3A_45] : memref<8192x1024xf32, #tpu.memory_space<hbm>> -> memref<32x1024xf32, #tpu.memory_space<hbm>>
    %dma_start3A_47 = arith.constant 0 : i32
    %dma_start3A_48 = tpu.memref_slice %arg4[%add3A_44, %dma_start3A_47] : memref<8192x1024xf32, #tpu.memory_space<hbm>> -> memref<32x1024xf32, #tpu.memory_space<hbm>>
    tpu.enqueue_dma source(%arg7 : memref<32x1024xf32, #tpu.memory_space<vmem>>) target(%dma_start3A_48 : memref<32x1024xf32, #tpu.memory_space<hbm>>) target_semaphore(%arg13 : memref<!tpu.dma_semaphore, #tpu.memory_space<semaphore_mem>>)
    %add3A_49 = arith.constant 32 : i32
    %add3A_50 = arith.addi %mul3A_2, %add3A_49 : i32
    %dma_wait3A_51 = arith.constant 0 : i32
    %dma_wait3A_52 = tpu.memref_slice %arg4[%add3A_50, %dma_wait3A_51] : memref<8192x1024xf32, #tpu.memory_space<hbm>> -> memref<32x1024xf32, #tpu.memory_space<hbm>>
    %dma_wait3A_53 = arith.constant 0 : i32
    %dma_wait3A_54 = tpu.memref_slice %arg4[%add3A_50, %dma_wait3A_53] : memref<8192x1024xf32, #tpu.memory_space<hbm>> -> memref<32x1024xf32, #tpu.memory_space<hbm>>
    tpu.wait_dma2 semaphore(%arg13 : memref<!tpu.dma_semaphore, #tpu.memory_space<semaphore_mem>>) src(%arg7 : memref<32x1024xf32, #tpu.memory_space<vmem>>) dst(%dma_wait3A_54 : memref<32x1024xf32, #tpu.memory_space<hbm>>)
    %dma_start3A_55 = arith.constant 128 : i32
    %dma_start3A_56 = tpu.memref_slice %arg5[%dma_start3A_55] : memref<256xi32, #tpu.memory_space<vmem>> -> memref<32xi32, #tpu.memory_space<vmem>>
    %dma_start3A_57 = arith.constant 0 : i32
    %dma_start3A_58 = arith.constant 0 : i32
    %dma_start3A_59 = tpu.memref_slice %arg2[%dma_start3A_57, %dma_start3A_58] : memref<2048x1024xf32, #tpu.memory_space<hbm>> -> memref<2048x1024xf32, #tpu.memory_space<hbm>>
    tpu.enqueue_indirect_dma source(%dma_start3A_59 : memref<2048x1024xf32, #tpu.memory_space<hbm>>) target(%arg7 : memref<32x1024xf32, #tpu.memory_space<vmem>>) offsets(%dma_start3A_56 : memref<32xi32, #tpu.memory_space<vmem>>) semaphore(%arg10 : memref<!tpu.dma_semaphore, #tpu.memory_space<semaphore_mem>>)
    %dma_wait3A_60 = arith.constant 64 : i32
    %dma_wait3A_61 = tpu.memref_slice %arg5[%dma_wait3A_60] : memref<256xi32, #tpu.memory_space<vmem>> -> memref<32xi32, #tpu.memory_space<vmem>>
    %dma_wait3A_62 = arith.constant 0 : i32
    %dma_wait3A_63 = arith.constant 0 : i32
    %dma_wait3A_64 = tpu.memref_slice %arg2[%dma_wait3A_62, %dma_wait3A_63] : memref<2048x1024xf32, #tpu.memory_space<hbm>> -> memref<2048x1024xf32, #tpu.memory_space<hbm>>
    tpu.wait_indirect_dma semaphore(%arg11 : memref<!tpu.dma_semaphore, #tpu.memory_space<semaphore_mem>>) src(%dma_wait3A_64 : memref<2048x1024xf32, #tpu.memory_space<hbm>>) dst(%arg8 : memref<32x1024xf32, #tpu.memory_space<vmem>>)
    %add3A_65 = arith.constant 64 : i32
    %add3A_66 = arith.addi %mul3A_2, %add3A_65 : i32
    %dma_start3A_67 = arith.constant 0 : i32
    %dma_start3A_68 = tpu.memref_slice %arg4[%add3A_66, %dma_start3A_67] : memref<8192x1024xf32, #tpu.memory_space<hbm>> -> memref<32x1024xf32, #tpu.memory_space<hbm>>
    %dma_start3A_69 = arith.constant 0 : i32
    %dma_start3A_70 = tpu.memref_slice %arg4[%add3A_66, %dma_start3A_69] : memref<8192x1024xf32, #tpu.memory_space<hbm>> -> memref<32x1024xf32, #tpu.memory_space<hbm>>
    tpu.enqueue_dma source(%arg8 : memref<32x1024xf32, #tpu.memory_space<vmem>>) target(%dma_start3A_70 : memref<32x1024xf32, #tpu.memory_space<hbm>>) target_semaphore(%arg14 : memref<!tpu.dma_semaphore, #tpu.memory_space<semaphore_mem>>)
    %add3A_71 = arith.constant 64 : i32
    %add3A_72 = arith.addi %mul3A_2, %add3A_71 : i32
    %dma_wait3A_73 = arith.constant 0 : i32
    %dma_wait3A_74 = tpu.memref_slice %arg4[%add3A_72, %dma_wait3A_73] : memref<8192x1024xf32, #tpu.memory_space<hbm>> -> memref<32x1024xf32, #tpu.memory_space<hbm>>
    %dma_wait3A_75 = arith.constant 0 : i32
    %dma_wait3A_76 = tpu.memref_slice %arg4[%add3A_72, %dma_wait3A_75] : memref<8192x1024xf32, #tpu.memory_space<hbm>> -> memref<32x1024xf32, #tpu.memory_space<hbm>>
    tpu.wait_dma2 semaphore(%arg14 : memref<!tpu.dma_semaphore, #tpu.memory_space<semaphore_mem>>) src(%arg8 : memref<32x1024xf32, #tpu.memory_space<vmem>>) dst(%dma_wait3A_76 : memref<32x1024xf32, #tpu.memory_space<hbm>>)
    %dma_start3A_77 = arith.constant 160 : i32
    %dma_start3A_78 = tpu.memref_slice %arg5[%dma_start3A_77] : memref<256xi32, #tpu.memory_space<vmem>> -> memref<32xi32, #tpu.memory_space<vmem>>
    %dma_start3A_79 = arith.constant 0 : i32
    %dma_start3A_80 = arith.constant 0 : i32
    %dma_start3A_81 = tpu.memref_slice %arg2[%dma_start3A_79, %dma_start3A_80] : memref<2048x1024xf32, #tpu.memory_space<hbm>> -> memref<2048x1024xf32, #tpu.memory_space<hbm>>
    tpu.enqueue_indirect_dma source(%dma_start3A_81 : memref<2048x1024xf32, #tpu.memory_space<hbm>>) target(%arg8 : memref<32x1024xf32, #tpu.memory_space<vmem>>) offsets(%dma_start3A_78 : memref<32xi32, #tpu.memory_space<vmem>>) semaphore(%arg11 : memref<!tpu.dma_semaphore, #tpu.memory_space<semaphore_mem>>)
    %dma_wait3A_82 = arith.constant 96 : i32
    %dma_wait3A_83 = tpu.memref_slice %arg5[%dma_wait3A_82] : memref<256xi32, #tpu.memory_space<vmem>> -> memref<32xi32, #tpu.memory_space<vmem>>
    %dma_wait3A_84 = arith.constant 0 : i32
    %dma_wait3A_85 = arith.constant 0 : i32
    %dma_wait3A_86 = tpu.memref_slice %arg2[%dma_wait3A_84, %dma_wait3A_85] : memref<2048x1024xf32, #tpu.memory_space<hbm>> -> memref<2048x1024xf32, #tpu.memory_space<hbm>>
    tpu.wait_indirect_dma semaphore(%arg9 : memref<!tpu.dma_semaphore, #tpu.memory_space<semaphore_mem>>) src(%dma_wait3A_86 : memref<2048x1024xf32, #tpu.memory_space<hbm>>) dst(%arg6 : memref<32x1024xf32, #tpu.memory_space<vmem>>)
    %add3A_87 = arith.constant 96 : i32
    %add3A_88 = arith.addi %mul3A_2, %add3A_87 : i32
    %dma_start3A_89 = arith.constant 0 : i32
    %dma_start3A_90 = tpu.memref_slice %arg4[%add3A_88, %dma_start3A_89] : memref<8192x1024xf32, #tpu.memory_space<hbm>> -> memref<32x1024xf32, #tpu.memory_space<hbm>>
    %dma_start3A_91 = arith.constant 0 : i32
    %dma_start3A_92 = tpu.memref_slice %arg4[%add3A_88, %dma_start3A_91] : memref<8192x1024xf32, #tpu.memory_space<hbm>> -> memref<32x1024xf32, #tpu.memory_space<hbm>>
    tpu.enqueue_dma source(%arg6 : memref<32x1024xf32, #tpu.memory_space<vmem>>) target(%dma_start3A_92 : memref<32x1024xf32, #tpu.memory_space<hbm>>) target_semaphore(%arg12 : memref<!tpu.dma_semaphore, #tpu.memory_space<semaphore_mem>>)
    %add3A_93 = arith.constant 96 : i32
    %add3A_94 = arith.addi %mul3A_2, %add3A_93 : i32
    %dma_wait3A_95 = arith.constant 0 : i32
    %dma_wait3A_96 = tpu.memref_slice %arg4[%add3A_94, %dma_wait3A_95] : memref<8192x1024xf32, #tpu.memory_space<hbm>> -> memref<32x1024xf32, #tpu.memory_space<hbm>>
    %dma_wait3A_97 = arith.constant 0 : i32
    %dma_wait3A_98 = tpu.memref_slice %arg4[%add3A_94, %dma_wait3A_97] : memref<8192x1024xf32, #tpu.memory_space<hbm>> -> memref<32x1024xf32, #tpu.memory_space<hbm>>
    tpu.wait_dma2 semaphore(%arg12 : memref<!tpu.dma_semaphore, #tpu.memory_space<semaphore_mem>>) src(%arg6 : memref<32x1024xf32, #tpu.memory_space<vmem>>) dst(%dma_wait3A_98 : memref<32x1024xf32, #tpu.memory_space<hbm>>)
    %dma_start3A_99 = arith.constant 192 : i32
    %dma_start3A_100 = tpu.memref_slice %arg5[%dma_start3A_99] : memref<256xi32, #tpu.memory_space<vmem>> -> memref<32xi32, #tpu.memory_space<vmem>>
    %dma_start3A_101 = arith.constant 0 : i32
    %dma_start3A_102 = arith.constant 0 : i32
    %dma_start3A_103 = tpu.memref_slice %arg2[%dma_start3A_101, %dma_start3A_102] : memref<2048x1024xf32, #tpu.memory_space<hbm>> -> memref<2048x1024xf32, #tpu.memory_space<hbm>>
    tpu.enqueue_indirect_dma source(%dma_start3A_103 : memref<2048x1024xf32, #tpu.memory_space<hbm>>) target(%arg6 : memref<32x1024xf32, #tpu.memory_space<vmem>>) offsets(%dma_start3A_100 : memref<32xi32, #tpu.memory_space<vmem>>) semaphore(%arg9 : memref<!tpu.dma_semaphore, #tpu.memory_space<semaphore_mem>>)
    %dma_wait3A_104 = arith.constant 128 : i32
    %dma_wait3A_105 = tpu.memref_slice %arg5[%dma_wait3A_104] : memref<256xi32, #tpu.memory_space<vmem>> -> memref<32xi32, #tpu.memory_space<vmem>>
    %dma_wait3A_106 = arith.constant 0 : i32
    %dma_wait3A_107 = arith.constant 0 : i32
    %dma_wait3A_108 = tpu.memref_slice %arg2[%dma_wait3A_106, %dma_wait3A_107] : memref<2048x1024xf32, #tpu.memory_space<hbm>> -> memref<2048x1024xf32, #tpu.memory_space<hbm>>
    tpu.wait_indirect_dma semaphore(%arg10 : memref<!tpu.dma_semaphore, #tpu.memory_space<semaphore_mem>>) src(%dma_wait3A_108 : memref<2048x1024xf32, #tpu.memory_space<hbm>>) dst(%arg7 : memref<32x1024xf32, #tpu.memory_space<vmem>>)
    %add3A_109 = arith.constant 128 : i32
    %add3A_110 = arith.addi %mul3A_2, %add3A_109 : i32
    %dma_start3A_111 = arith.constant 0 : i32
    %dma_start3A_112 = tpu.memref_slice %arg4[%add3A_110, %dma_start3A_111] : memref<8192x1024xf32, #tpu.memory_space<hbm>> -> memref<32x1024xf32, #tpu.memory_space<hbm>>
    %dma_start3A_113 = arith.constant 0 : i32
    %dma_start3A_114 = tpu.memref_slice %arg4[%add3A_110, %dma_start3A_113] : memref<8192x1024xf32, #tpu.memory_space<hbm>> -> memref<32x1024xf32, #tpu.memory_space<hbm>>
    tpu.enqueue_dma source(%arg7 : memref<32x1024xf32, #tpu.memory_space<vmem>>) target(%dma_start3A_114 : memref<32x1024xf32, #tpu.memory_space<hbm>>) target_semaphore(%arg13 : memref<!tpu.dma_semaphore, #tpu.memory_space<semaphore_mem>>)
    %add3A_115 = arith.constant 128 : i32
    %add3A_116 = arith.addi %mul3A_2, %add3A_115 : i32
    %dma_wait3A_117 = arith.constant 0 : i32
    %dma_wait3A_118 = tpu.memref_slice %arg4[%add3A_116, %dma_wait3A_117] : memref<8192x1024xf32, #tpu.memory_space<hbm>> -> memref<32x1024xf32, #tpu.memory_space<hbm>>
    %dma_wait3A_119 = arith.constant 0 : i32
    %dma_wait3A_120 = tpu.memref_slice %arg4[%add3A_116, %dma_wait3A_119] : memref<8192x1024xf32, #tpu.memory_space<hbm>> -> memref<32x1024xf32, #tpu.memory_space<hbm>>
    tpu.wait_dma2 semaphore(%arg13 : memref<!tpu.dma_semaphore, #tpu.memory_space<semaphore_mem>>) src(%arg7 : memref<32x1024xf32, #tpu.memory_space<vmem>>) dst(%dma_wait3A_120 : memref<32x1024xf32, #tpu.memory_space<hbm>>)
    %dma_start3A_121 = arith.constant 224 : i32
    %dma_start3A_122 = tpu.memref_slice %arg5[%dma_start3A_121] : memref<256xi32, #tpu.memory_space<vmem>> -> memref<32xi32, #tpu.memory_space<vmem>>
    %dma_start3A_123 = arith.constant 0 : i32
    %dma_start3A_124 = arith.constant 0 : i32
    %dma_start3A_125 = tpu.memref_slice %arg2[%dma_start3A_123, %dma_start3A_124] : memref<2048x1024xf32, #tpu.memory_space<hbm>> -> memref<2048x1024xf32, #tpu.memory_space<hbm>>
    tpu.enqueue_indirect_dma source(%dma_start3A_125 : memref<2048x1024xf32, #tpu.memory_space<hbm>>) target(%arg7 : memref<32x1024xf32, #tpu.memory_space<vmem>>) offsets(%dma_start3A_122 : memref<32xi32, #tpu.memory_space<vmem>>) semaphore(%arg10 : memref<!tpu.dma_semaphore, #tpu.memory_space<semaphore_mem>>)
    %dma_wait3A_126 = arith.constant 160 : i32
    %dma_wait3A_127 = tpu.memref_slice %arg5[%dma_wait3A_126] : memref<256xi32, #tpu.memory_space<vmem>> -> memref<32xi32, #tpu.memory_space<vmem>>
    %dma_wait3A_128 = arith.constant 0 : i32
    %dma_wait3A_129 = arith.constant 0 : i32
    %dma_wait3A_130 = tpu.memref_slice %arg2[%dma_wait3A_128, %dma_wait3A_129] : memref<2048x1024xf32, #tpu.memory_space<hbm>> -> memref<2048x1024xf32, #tpu.memory_space<hbm>>
    tpu.wait_indirect_dma semaphore(%arg11 : memref<!tpu.dma_semaphore, #tpu.memory_space<semaphore_mem>>) src(%dma_wait3A_130 : memref<2048x1024xf32, #tpu.memory_space<hbm>>) dst(%arg8 : memref<32x1024xf32, #tpu.memory_space<vmem>>)
    %add3A_131 = arith.constant 160 : i32
    %add3A_132 = arith.addi %mul3A_2, %add3A_131 : i32
    %dma_start3A_133 = arith.constant 0 : i32
    %dma_start3A_134 = tpu.memref_slice %arg4[%add3A_132, %dma_start3A_133] : memref<8192x1024xf32, #tpu.memory_space<hbm>> -> memref<32x1024xf32, #tpu.memory_space<hbm>>
    %dma_start3A_135 = arith.constant 0 : i32
    %dma_start3A_136 = tpu.memref_slice %arg4[%add3A_132, %dma_start3A_135] : memref<8192x1024xf32, #tpu.memory_space<hbm>> -> memref<32x1024xf32, #tpu.memory_space<hbm>>
    tpu.enqueue_dma source(%arg8 : memref<32x1024xf32, #tpu.memory_space<vmem>>) target(%dma_start3A_136 : memref<32x1024xf32, #tpu.memory_space<hbm>>) target_semaphore(%arg14 : memref<!tpu.dma_semaphore, #tpu.memory_space<semaphore_mem>>)
    %dma_wait3A_137 = arith.constant 192 : i32
    %dma_wait3A_138 = tpu.memref_slice %arg5[%dma_wait3A_137] : memref<256xi32, #tpu.memory_space<vmem>> -> memref<32xi32, #tpu.memory_space<vmem>>
    %dma_wait3A_139 = arith.constant 0 : i32
    %dma_wait3A_140 = arith.constant 0 : i32
    %dma_wait3A_141 = tpu.memref_slice %arg2[%dma_wait3A_139, %dma_wait3A_140] : memref<2048x1024xf32, #tpu.memory_space<hbm>> -> memref<2048x1024xf32, #tpu.memory_space<hbm>>
    tpu.wait_indirect_dma semaphore(%arg9 : memref<!tpu.dma_semaphore, #tpu.memory_space<semaphore_mem>>) src(%dma_wait3A_141 : memref<2048x1024xf32, #tpu.memory_space<hbm>>) dst(%arg6 : memref<32x1024xf32, #tpu.memory_space<vmem>>)
    %add3A_142 = arith.constant 192 : i32
    %add3A_143 = arith.addi %mul3A_2, %add3A_142 : i32
    %dma_start3A_144 = arith.constant 0 : i32
    %dma_start3A_145 = tpu.memref_slice %arg4[%add3A_143, %dma_start3A_144] : memref<8192x1024xf32, #tpu.memory_space<hbm>> -> memref<32x1024xf32, #tpu.memory_space<hbm>>
    %dma_start3A_146 = arith.constant 0 : i32
    %dma_start3A_147 = tpu.memref_slice %arg4[%add3A_143, %dma_start3A_146] : memref<8192x1024xf32, #tpu.memory_space<hbm>> -> memref<32x1024xf32, #tpu.memory_space<hbm>>
    tpu.enqueue_dma source(%arg6 : memref<32x1024xf32, #tpu.memory_space<vmem>>) target(%dma_start3A_147 : memref<32x1024xf32, #tpu.memory_space<hbm>>) target_semaphore(%arg12 : memref<!tpu.dma_semaphore, #tpu.memory_space<semaphore_mem>>)
    %dma_wait3A_148 = arith.constant 224 : i32
    %dma_wait3A_149 = tpu.memref_slice %arg5[%dma_wait3A_148] : memref<256xi32, #tpu.memory_space<vmem>> -> memref<32xi32, #tpu.memory_space<vmem>>
    %dma_wait3A_150 = arith.constant 0 : i32
    %dma_wait3A_151 = arith.constant 0 : i32
    %dma_wait3A_152 = tpu.memref_slice %arg2[%dma_wait3A_150, %dma_wait3A_151] : memref<2048x1024xf32, #tpu.memory_space<hbm>> -> memref<2048x1024xf32, #tpu.memory_space<hbm>>
    tpu.wait_indirect_dma semaphore(%arg10 : memref<!tpu.dma_semaphore, #tpu.memory_space<semaphore_mem>>) src(%dma_wait3A_152 : memref<2048x1024xf32, #tpu.memory_space<hbm>>) dst(%arg7 : memref<32x1024xf32, #tpu.memory_space<vmem>>)
    %add3A_153 = arith.constant 224 : i32
    %add3A_154 = arith.addi %mul3A_2, %add3A_153 : i32
    %dma_start3A_155 = arith.constant 0 : i32
    %dma_start3A_156 = tpu.memref_slice %arg4[%add3A_154, %dma_start3A_155] : memref<8192x1024xf32, #tpu.memory_space<hbm>> -> memref<32x1024xf32, #tpu.memory_space<hbm>>
    %dma_start3A_157 = arith.constant 0 : i32
    %dma_start3A_158 = tpu.memref_slice %arg4[%add3A_154, %dma_start3A_157] : memref<8192x1024xf32, #tpu.memory_space<hbm>> -> memref<32x1024xf32, #tpu.memory_space<hbm>>
    tpu.enqueue_dma source(%arg7 : memref<32x1024xf32, #tpu.memory_space<vmem>>) target(%dma_start3A_158 : memref<32x1024xf32, #tpu.memory_space<hbm>>) target_semaphore(%arg13 : memref<!tpu.dma_semaphore, #tpu.memory_space<semaphore_mem>>)
    %add3A_159 = arith.constant 160 : i32
    %add3A_160 = arith.addi %mul3A_2, %add3A_159 : i32
    %dma_wait3A_161 = arith.constant 0 : i32
    %dma_wait3A_162 = tpu.memref_slice %arg4[%add3A_160, %dma_wait3A_161] : memref<8192x1024xf32, #tpu.memory_space<hbm>> -> memref<32x1024xf32, #tpu.memory_space<hbm>>
    %dma_wait3A_163 = arith.constant 0 : i32
    %dma_wait3A_164 = tpu.memref_slice %arg4[%add3A_160, %dma_wait3A_163] : memref<8192x1024xf32, #tpu.memory_space<hbm>> -> memref<32x1024xf32, #tpu.memory_space<hbm>>
    tpu.wait_dma2 semaphore(%arg14 : memref<!tpu.dma_semaphore, #tpu.memory_space<semaphore_mem>>) src(%arg8 : memref<32x1024xf32, #tpu.memory_space<vmem>>) dst(%dma_wait3A_164 : memref<32x1024xf32, #tpu.memory_space<hbm>>)
    %add3A_165 = arith.constant 192 : i32
    %add3A_166 = arith.addi %mul3A_2, %add3A_165 : i32
    %dma_wait3A_167 = arith.constant 0 : i32
    %dma_wait3A_168 = tpu.memref_slice %arg4[%add3A_166, %dma_wait3A_167] : memref<8192x1024xf32, #tpu.memory_space<hbm>> -> memref<32x1024xf32, #tpu.memory_space<hbm>>
    %dma_wait3A_169 = arith.constant 0 : i32
    %dma_wait3A_170 = tpu.memref_slice %arg4[%add3A_166, %dma_wait3A_169] : memref<8192x1024xf32, #tpu.memory_space<hbm>> -> memref<32x1024xf32, #tpu.memory_space<hbm>>
    tpu.wait_dma2 semaphore(%arg12 : memref<!tpu.dma_semaphore, #tpu.memory_space<semaphore_mem>>) src(%arg6 : memref<32x1024xf32, #tpu.memory_space<vmem>>) dst(%dma_wait3A_170 : memref<32x1024xf32, #tpu.memory_space<hbm>>)
    %add3A_171 = arith.constant 224 : i32
    %add3A_172 = arith.addi %mul3A_2, %add3A_171 : i32
    %dma_wait3A_173 = arith.constant 0 : i32
    %dma_wait3A_174 = tpu.memref_slice %arg4[%add3A_172, %dma_wait3A_173] : memref<8192x1024xf32, #tpu.memory_space<hbm>> -> memref<32x1024xf32, #tpu.memory_space<hbm>>
    %dma_wait3A_175 = arith.constant 0 : i32
    %dma_wait3A_176 = tpu.memref_slice %arg4[%add3A_172, %dma_wait3A_175] : memref<8192x1024xf32, #tpu.memory_space<hbm>> -> memref<32x1024xf32, #tpu.memory_space<hbm>>
    tpu.wait_dma2 semaphore(%arg13 : memref<!tpu.dma_semaphore, #tpu.memory_space<semaphore_mem>>) src(%arg7 : memref<32x1024xf32, #tpu.memory_space<vmem>>) dst(%dma_wait3A_176 : memref<32x1024xf32, #tpu.memory_space<hbm>>)
    return
  }
}

#map = affine_map<(d0, d1) -> (0, 0)>
#map1 = affine_map<(d0, d1) -> (0)>
module attributes {stable_mosaic.version = 14 : i64} {
  func.func @ck(%arg0: i32, %arg1: i32, %arg2: memref<10240x1024xf32, #tpu.memory_space<hbm>>, %arg3: memref<2048xi32, #tpu.memory_space<hbm>>, %arg4: memref<2048xi32, #tpu.memory_space<hbm>>, %arg5: memref<2048x1024xf32, #tpu.memory_space<hbm>>, %arg6: memref<32xi32, #tpu.memory_space<vmem>>, %arg7: memref<32xi32, #tpu.memory_space<vmem>>, %arg8: memref<32x1024xf32, #tpu.memory_space<vmem>>, %arg9: memref<32x1024xf32, #tpu.memory_space<vmem>>, %arg10: memref<32x1024xf32, #tpu.memory_space<vmem>>, %arg11: memref<!tpu.dma_semaphore, #tpu.memory_space<semaphore_mem>>) attributes {dimension_semantics = [#tpu.dimension_semantics<core_parallel>, #tpu.dimension_semantics<subcore_parallel>], iteration_bounds = array<i64: 2, 16>, scalar_prefetch = 0 : i64, scratch_operands = 6 : i64, tpu.core_type = #tpu.core_type<sc_vector_subcore>, window_params = [{transform_indices = #map}, {transform_indices = #map1}, {transform_indices = #map1}, {transform_indices = #map}]} {
    %mul3A = arith.constant 2 : i32
    %mul3A_0 = arith.muli %arg1, %mul3A : i32
    %add3A = arith.addi %mul3A_0, %arg0 : i32
    %mul3A_1 = arith.constant 64 : i32
    %mul3A_2 = arith.muli %add3A, %mul3A_1 : i32
    %add3A_3 = arith.constant 0 : i32
    %add3A_4 = arith.addi %mul3A_2, %add3A_3 : i32
    "tpu.region"() ({
      %run_scoped3A = tpu.sem_alloc : memref<!tpu.dma_semaphore, #tpu.memory_space<semaphore_mem>>
      %dma_start3A_48 = tpu.memref_slice %arg3[%add3A_4] : memref<2048xi32, #tpu.memory_space<hbm>> -> memref<32xi32, #tpu.memory_space<hbm>>
      %dma_start3A_49 = tpu.memref_slice %arg3[%add3A_4] : memref<2048xi32, #tpu.memory_space<hbm>> -> memref<32xi32, #tpu.memory_space<hbm>>
      tpu.enqueue_dma source(%dma_start3A_49 : memref<32xi32, #tpu.memory_space<hbm>>) target(%arg6 : memref<32xi32, #tpu.memory_space<vmem>>) target_semaphore(%run_scoped3A : memref<!tpu.dma_semaphore, #tpu.memory_space<semaphore_mem>>)
      %dma_wait3A_50 = tpu.memref_slice %arg3[%add3A_4] : memref<2048xi32, #tpu.memory_space<hbm>> -> memref<32xi32, #tpu.memory_space<hbm>>
      %dma_wait3A_51 = tpu.memref_slice %arg3[%add3A_4] : memref<2048xi32, #tpu.memory_space<hbm>> -> memref<32xi32, #tpu.memory_space<hbm>>
      tpu.wait_dma2 semaphore(%run_scoped3A : memref<!tpu.dma_semaphore, #tpu.memory_space<semaphore_mem>>) src(%dma_wait3A_51 : memref<32xi32, #tpu.memory_space<hbm>>) dst(%arg6 : memref<32xi32, #tpu.memory_space<vmem>>)
      tpu.yield
    }) : () -> ()
    "tpu.region"() ({
      %run_scoped3A = tpu.sem_alloc : memref<!tpu.dma_semaphore, #tpu.memory_space<semaphore_mem>>
      %dma_start3A_48 = tpu.memref_slice %arg4[%add3A_4] : memref<2048xi32, #tpu.memory_space<hbm>> -> memref<32xi32, #tpu.memory_space<hbm>>
      %dma_start3A_49 = tpu.memref_slice %arg4[%add3A_4] : memref<2048xi32, #tpu.memory_space<hbm>> -> memref<32xi32, #tpu.memory_space<hbm>>
      tpu.enqueue_dma source(%dma_start3A_49 : memref<32xi32, #tpu.memory_space<hbm>>) target(%arg7 : memref<32xi32, #tpu.memory_space<vmem>>) target_semaphore(%run_scoped3A : memref<!tpu.dma_semaphore, #tpu.memory_space<semaphore_mem>>)
      %dma_wait3A_50 = tpu.memref_slice %arg4[%add3A_4] : memref<2048xi32, #tpu.memory_space<hbm>> -> memref<32xi32, #tpu.memory_space<hbm>>
      %dma_wait3A_51 = tpu.memref_slice %arg4[%add3A_4] : memref<2048xi32, #tpu.memory_space<hbm>> -> memref<32xi32, #tpu.memory_space<hbm>>
      tpu.wait_dma2 semaphore(%run_scoped3A : memref<!tpu.dma_semaphore, #tpu.memory_space<semaphore_mem>>) src(%dma_wait3A_51 : memref<32xi32, #tpu.memory_space<hbm>>) dst(%arg7 : memref<32xi32, #tpu.memory_space<vmem>>)
      tpu.yield
    }) : () -> ()
    %dma_start3A = arith.constant 0 : i32
    %dma_start3A_5 = arith.constant 0 : i32
    %dma_start3A_6 = tpu.memref_slice %arg2[%dma_start3A, %dma_start3A_5] : memref<10240x1024xf32, #tpu.memory_space<hbm>> -> memref<10240x1024xf32, #tpu.memory_space<hbm>>
    tpu.enqueue_indirect_dma source(%dma_start3A_6 : memref<10240x1024xf32, #tpu.memory_space<hbm>>) target(%arg9 : memref<32x1024xf32, #tpu.memory_space<vmem>>) offsets(%arg6 : memref<32xi32, #tpu.memory_space<vmem>>) semaphore(%arg11 : memref<!tpu.dma_semaphore, #tpu.memory_space<semaphore_mem>>)
    %dma_start3A_7 = arith.constant 0 : i32
    %dma_start3A_8 = arith.constant 0 : i32
    %dma_start3A_9 = tpu.memref_slice %arg2[%dma_start3A_7, %dma_start3A_8] : memref<10240x1024xf32, #tpu.memory_space<hbm>> -> memref<10240x1024xf32, #tpu.memory_space<hbm>>
    tpu.enqueue_indirect_dma source(%dma_start3A_9 : memref<10240x1024xf32, #tpu.memory_space<hbm>>) target(%arg10 : memref<32x1024xf32, #tpu.memory_space<vmem>>) offsets(%arg7 : memref<32xi32, #tpu.memory_space<vmem>>) semaphore(%arg11 : memref<!tpu.dma_semaphore, #tpu.memory_space<semaphore_mem>>)
    %add3A_10 = arith.constant 8192 : i32
    %add3A_11 = arith.addi %add3A_10, %add3A_4 : i32
    "tpu.region"() ({
      %run_scoped3A = tpu.sem_alloc : memref<!tpu.dma_semaphore, #tpu.memory_space<semaphore_mem>>
      %dma_start3A_48 = arith.constant 0 : i32
      %dma_start3A_49 = tpu.memref_slice %arg2[%add3A_11, %dma_start3A_48] : memref<10240x1024xf32, #tpu.memory_space<hbm>> -> memref<32x1024xf32, #tpu.memory_space<hbm>>
      %dma_start3A_50 = arith.constant 0 : i32
      %dma_start3A_51 = tpu.memref_slice %arg2[%add3A_11, %dma_start3A_50] : memref<10240x1024xf32, #tpu.memory_space<hbm>> -> memref<32x1024xf32, #tpu.memory_space<hbm>>
      tpu.enqueue_dma source(%dma_start3A_51 : memref<32x1024xf32, #tpu.memory_space<hbm>>) target(%arg8 : memref<32x1024xf32, #tpu.memory_space<vmem>>) target_semaphore(%run_scoped3A : memref<!tpu.dma_semaphore, #tpu.memory_space<semaphore_mem>>)
      %dma_wait3A_52 = arith.constant 0 : i32
      %dma_wait3A_53 = tpu.memref_slice %arg2[%add3A_11, %dma_wait3A_52] : memref<10240x1024xf32, #tpu.memory_space<hbm>> -> memref<32x1024xf32, #tpu.memory_space<hbm>>
      %dma_wait3A_54 = arith.constant 0 : i32
      %dma_wait3A_55 = tpu.memref_slice %arg2[%add3A_11, %dma_wait3A_54] : memref<10240x1024xf32, #tpu.memory_space<hbm>> -> memref<32x1024xf32, #tpu.memory_space<hbm>>
      tpu.wait_dma2 semaphore(%run_scoped3A : memref<!tpu.dma_semaphore, #tpu.memory_space<semaphore_mem>>) src(%dma_wait3A_55 : memref<32x1024xf32, #tpu.memory_space<hbm>>) dst(%arg8 : memref<32x1024xf32, #tpu.memory_space<vmem>>)
      tpu.yield
    }) : () -> ()
    %dma_wait3A = arith.constant 0 : i32
    %dma_wait3A_12 = arith.constant 0 : i32
    %dma_wait3A_13 = tpu.memref_slice %arg2[%dma_wait3A, %dma_wait3A_12] : memref<10240x1024xf32, #tpu.memory_space<hbm>> -> memref<10240x1024xf32, #tpu.memory_space<hbm>>
    tpu.wait_indirect_dma semaphore(%arg11 : memref<!tpu.dma_semaphore, #tpu.memory_space<semaphore_mem>>) src(%dma_wait3A_13 : memref<10240x1024xf32, #tpu.memory_space<hbm>>) dst(%arg9 : memref<32x1024xf32, #tpu.memory_space<vmem>>)
    %dma_wait3A_14 = arith.constant 0 : i32
    %dma_wait3A_15 = arith.constant 0 : i32
    %dma_wait3A_16 = tpu.memref_slice %arg2[%dma_wait3A_14, %dma_wait3A_15] : memref<10240x1024xf32, #tpu.memory_space<hbm>> -> memref<10240x1024xf32, #tpu.memory_space<hbm>>
    tpu.wait_indirect_dma semaphore(%arg11 : memref<!tpu.dma_semaphore, #tpu.memory_space<semaphore_mem>>) src(%dma_wait3A_16 : memref<10240x1024xf32, #tpu.memory_space<hbm>>) dst(%arg10 : memref<32x1024xf32, #tpu.memory_space<vmem>>)
    %scan3A = arith.constant 0 : i32
    %scan3A_17 = arith.constant 0 : i32
    %scan3A_18 = arith.constant 32 : i32
    %scan3A_19 = arith.addi %scan3A_17, %scan3A_18 : i32
    %scan3A_20 = arith.constant 1 : i32
    %scan3A_21 = scf.for %scan3A_48 = %scan3A_17 to %scan3A_19 step %scan3A_20 iter_args(%scan3A_49 = %scan3A) -> (i32)  : i32 {
      %scan3A_50 = arith.constant 0 : i32
      %scan3A_51 = arith.constant 0 : i32
      %scan3A_52 = arith.constant 64 : i32
      %scan3A_53 = arith.addi %scan3A_51, %scan3A_52 : i32
      %scan3A_54 = arith.constant 1 : i32
      %scan3A_55 = scf.for %scan3A_57 = %scan3A_51 to %scan3A_53 step %scan3A_54 iter_args(%scan3A_58 = %scan3A_50) -> (i32)  : i32 {
        %mul3A_59 = arith.constant 16 : i32
        %mul3A_60 = arith.muli %scan3A_57, %mul3A_59 : i32
        %get3A = arith.index_cast %scan3A_48 : i32 to index
        %get3A_61 = arith.index_cast %mul3A_60 : i32 to index
        %get3A_62 = tpu.vector_load %arg8[%get3A, %get3A_61] {strides = array<i32>} : memref<32x1024xf32, #tpu.memory_space<vmem>>, vector<1x16xf32>,
        %get3A_63 = vector.shape_cast %get3A_62 : vector<1x16xf32> to vector<16xf32>
        %get3A_64 = arith.index_cast %scan3A_48 : i32 to index
        %get3A_65 = arith.index_cast %mul3A_60 : i32 to index
        %get3A_66 = tpu.vector_load %arg9[%get3A_64, %get3A_65] {strides = array<i32>} : memref<32x1024xf32, #tpu.memory_space<vmem>>, vector<1x16xf32>,
        %get3A_67 = vector.shape_cast %get3A_66 : vector<1x16xf32> to vector<16xf32>
        %add3A_68 = arith.addf %get3A_63, %get3A_67 : vector<16xf32>
        %get3A_69 = arith.index_cast %scan3A_48 : i32 to index
        %get3A_70 = arith.index_cast %mul3A_60 : i32 to index
        %get3A_71 = tpu.vector_load %arg10[%get3A_69, %get3A_70] {strides = array<i32>} : memref<32x1024xf32, #tpu.memory_space<vmem>>, vector<1x16xf32>,
        %get3A_72 = vector.shape_cast %get3A_71 : vector<1x16xf32> to vector<16xf32>
        %add3A_73 = arith.addf %add3A_68, %get3A_72 : vector<16xf32>
        %swap3A = arith.index_cast %scan3A_48 : i32 to index
        %swap3A_74 = arith.index_cast %mul3A_60 : i32 to index
        %swap3A_75 = tpu.vector_load %arg8[%swap3A, %swap3A_74] {strides = array<i32>} : memref<32x1024xf32, #tpu.memory_space<vmem>>, vector<1x16xf32>,
        %swap3A_76 = vector.shape_cast %swap3A_75 : vector<1x16xf32> to vector<16xf32>
        %swap3A_77 = vector.shape_cast %add3A_73 : vector<16xf32> to vector<1x16xf32>
        tpu.vector_store %arg8[%swap3A, %swap3A_74], %swap3A_77 {strides = array<i32>} : memref<32x1024xf32, #tpu.memory_space<vmem>>, vector<1x16xf32>,
        %scan3A_78 = arith.constant 0 : i32
        scf.yield %scan3A_78 : i32
      }
      %scan3A_56 = arith.constant 64 : i32
      scf.yield %scan3A_55 : i32
    }
    %scan3A_22 = arith.constant 32 : i32
    "tpu.region"() ({
      %run_scoped3A = tpu.sem_alloc : memref<!tpu.dma_semaphore, #tpu.memory_space<semaphore_mem>>
      %dma_start3A_48 = arith.constant 0 : i32
      %dma_start3A_49 = tpu.memref_slice %arg5[%add3A_4, %dma_start3A_48] : memref<2048x1024xf32, #tpu.memory_space<hbm>> -> memref<32x1024xf32, #tpu.memory_space<hbm>>
      %dma_start3A_50 = arith.constant 0 : i32
      %dma_start3A_51 = tpu.memref_slice %arg5[%add3A_4, %dma_start3A_50] : memref<2048x1024xf32, #tpu.memory_space<hbm>> -> memref<32x1024xf32, #tpu.memory_space<hbm>>
      tpu.enqueue_dma source(%arg8 : memref<32x1024xf32, #tpu.memory_space<vmem>>) target(%dma_start3A_51 : memref<32x1024xf32, #tpu.memory_space<hbm>>) target_semaphore(%run_scoped3A : memref<!tpu.dma_semaphore, #tpu.memory_space<semaphore_mem>>)
      %dma_wait3A_52 = arith.constant 0 : i32
      %dma_wait3A_53 = tpu.memref_slice %arg5[%add3A_4, %dma_wait3A_52] : memref<2048x1024xf32, #tpu.memory_space<hbm>> -> memref<32x1024xf32, #tpu.memory_space<hbm>>
      %dma_wait3A_54 = arith.constant 0 : i32
      %dma_wait3A_55 = tpu.memref_slice %arg5[%add3A_4, %dma_wait3A_54] : memref<2048x1024xf32, #tpu.memory_space<hbm>> -> memref<32x1024xf32, #tpu.memory_space<hbm>>
      tpu.wait_dma2 semaphore(%run_scoped3A : memref<!tpu.dma_semaphore, #tpu.memory_space<semaphore_mem>>) src(%arg8 : memref<32x1024xf32, #tpu.memory_space<vmem>>) dst(%dma_wait3A_55 : memref<32x1024xf32, #tpu.memory_space<hbm>>)
      tpu.yield
    }) : () -> ()
    %mul3A_23 = arith.constant 64 : i32
    %mul3A_24 = arith.muli %add3A, %mul3A_23 : i32
    %add3A_25 = arith.constant 32 : i32
    %add3A_26 = arith.addi %mul3A_24, %add3A_25 : i32
    "tpu.region"() ({
      %run_scoped3A = tpu.sem_alloc : memref<!tpu.dma_semaphore, #tpu.memory_space<semaphore_mem>>
      %dma_start3A_48 = tpu.memref_slice %arg3[%add3A_26] : memref<2048xi32, #tpu.memory_space<hbm>> -> memref<32xi32, #tpu.memory_space<hbm>>
      %dma_start3A_49 = tpu.memref_slice %arg3[%add3A_26] : memref<2048xi32, #tpu.memory_space<hbm>> -> memref<32xi32, #tpu.memory_space<hbm>>
      tpu.enqueue_dma source(%dma_start3A_49 : memref<32xi32, #tpu.memory_space<hbm>>) target(%arg6 : memref<32xi32, #tpu.memory_space<vmem>>) target_semaphore(%run_scoped3A : memref<!tpu.dma_semaphore, #tpu.memory_space<semaphore_mem>>)
      %dma_wait3A_50 = tpu.memref_slice %arg3[%add3A_26] : memref<2048xi32, #tpu.memory_space<hbm>> -> memref<32xi32, #tpu.memory_space<hbm>>
      %dma_wait3A_51 = tpu.memref_slice %arg3[%add3A_26] : memref<2048xi32, #tpu.memory_space<hbm>> -> memref<32xi32, #tpu.memory_space<hbm>>
      tpu.wait_dma2 semaphore(%run_scoped3A : memref<!tpu.dma_semaphore, #tpu.memory_space<semaphore_mem>>) src(%dma_wait3A_51 : memref<32xi32, #tpu.memory_space<hbm>>) dst(%arg6 : memref<32xi32, #tpu.memory_space<vmem>>)
      tpu.yield
    }) : () -> ()
    "tpu.region"() ({
      %run_scoped3A = tpu.sem_alloc : memref<!tpu.dma_semaphore, #tpu.memory_space<semaphore_mem>>
      %dma_start3A_48 = tpu.memref_slice %arg4[%add3A_26] : memref<2048xi32, #tpu.memory_space<hbm>> -> memref<32xi32, #tpu.memory_space<hbm>>
      %dma_start3A_49 = tpu.memref_slice %arg4[%add3A_26] : memref<2048xi32, #tpu.memory_space<hbm>> -> memref<32xi32, #tpu.memory_space<hbm>>
      tpu.enqueue_dma source(%dma_start3A_49 : memref<32xi32, #tpu.memory_space<hbm>>) target(%arg7 : memref<32xi32, #tpu.memory_space<vmem>>) target_semaphore(%run_scoped3A : memref<!tpu.dma_semaphore, #tpu.memory_space<semaphore_mem>>)
      %dma_wait3A_50 = tpu.memref_slice %arg4[%add3A_26] : memref<2048xi32, #tpu.memory_space<hbm>> -> memref<32xi32, #tpu.memory_space<hbm>>
      %dma_wait3A_51 = tpu.memref_slice %arg4[%add3A_26] : memref<2048xi32, #tpu.memory_space<hbm>> -> memref<32xi32, #tpu.memory_space<hbm>>
      tpu.wait_dma2 semaphore(%run_scoped3A : memref<!tpu.dma_semaphore, #tpu.memory_space<semaphore_mem>>) src(%dma_wait3A_51 : memref<32xi32, #tpu.memory_space<hbm>>) dst(%arg7 : memref<32xi32, #tpu.memory_space<vmem>>)
      tpu.yield
    }) : () -> ()
    %dma_start3A_27 = arith.constant 0 : i32
    %dma_start3A_28 = arith.constant 0 : i32
    %dma_start3A_29 = tpu.memref_slice %arg2[%dma_start3A_27, %dma_start3A_28] : memref<10240x1024xf32, #tpu.memory_space<hbm>> -> memref<10240x1024xf32, #tpu.memory_space<hbm>>
    tpu.enqueue_indirect_dma source(%dma_start3A_29 : memref<10240x1024xf32, #tpu.memory_space<hbm>>) target(%arg9 : memref<32x1024xf32, #tpu.memory_space<vmem>>) offsets(%arg6 : memref<32xi32, #tpu.memory_space<vmem>>) semaphore(%arg11 : memref<!tpu.dma_semaphore, #tpu.memory_space<semaphore_mem>>)
    %dma_start3A_30 = arith.constant 0 : i32
    %dma_start3A_31 = arith.constant 0 : i32
    %dma_start3A_32 = tpu.memref_slice %arg2[%dma_start3A_30, %dma_start3A_31] : memref<10240x1024xf32, #tpu.memory_space<hbm>> -> memref<10240x1024xf32, #tpu.memory_space<hbm>>
    tpu.enqueue_indirect_dma source(%dma_start3A_32 : memref<10240x1024xf32, #tpu.memory_space<hbm>>) target(%arg10 : memref<32x1024xf32, #tpu.memory_space<vmem>>) offsets(%arg7 : memref<32xi32, #tpu.memory_space<vmem>>) semaphore(%arg11 : memref<!tpu.dma_semaphore, #tpu.memory_space<semaphore_mem>>)
    %add3A_33 = arith.constant 8192 : i32
    %add3A_34 = arith.addi %add3A_33, %add3A_26 : i32
    "tpu.region"() ({
      %run_scoped3A = tpu.sem_alloc : memref<!tpu.dma_semaphore, #tpu.memory_space<semaphore_mem>>
      %dma_start3A_48 = arith.constant 0 : i32
      %dma_start3A_49 = tpu.memref_slice %arg2[%add3A_34, %dma_start3A_48] : memref<10240x1024xf32, #tpu.memory_space<hbm>> -> memref<32x1024xf32, #tpu.memory_space<hbm>>
      %dma_start3A_50 = arith.constant 0 : i32
      %dma_start3A_51 = tpu.memref_slice %arg2[%add3A_34, %dma_start3A_50] : memref<10240x1024xf32, #tpu.memory_space<hbm>> -> memref<32x1024xf32, #tpu.memory_space<hbm>>
      tpu.enqueue_dma source(%dma_start3A_51 : memref<32x1024xf32, #tpu.memory_space<hbm>>) target(%arg8 : memref<32x1024xf32, #tpu.memory_space<vmem>>) target_semaphore(%run_scoped3A : memref<!tpu.dma_semaphore, #tpu.memory_space<semaphore_mem>>)
      %dma_wait3A_52 = arith.constant 0 : i32
      %dma_wait3A_53 = tpu.memref_slice %arg2[%add3A_34, %dma_wait3A_52] : memref<10240x1024xf32, #tpu.memory_space<hbm>> -> memref<32x1024xf32, #tpu.memory_space<hbm>>
      %dma_wait3A_54 = arith.constant 0 : i32
      %dma_wait3A_55 = tpu.memref_slice %arg2[%add3A_34, %dma_wait3A_54] : memref<10240x1024xf32, #tpu.memory_space<hbm>> -> memref<32x1024xf32, #tpu.memory_space<hbm>>
      tpu.wait_dma2 semaphore(%run_scoped3A : memref<!tpu.dma_semaphore, #tpu.memory_space<semaphore_mem>>) src(%dma_wait3A_55 : memref<32x1024xf32, #tpu.memory_space<hbm>>) dst(%arg8 : memref<32x1024xf32, #tpu.memory_space<vmem>>)
      tpu.yield
    }) : () -> ()
    %dma_wait3A_35 = arith.constant 0 : i32
    %dma_wait3A_36 = arith.constant 0 : i32
    %dma_wait3A_37 = tpu.memref_slice %arg2[%dma_wait3A_35, %dma_wait3A_36] : memref<10240x1024xf32, #tpu.memory_space<hbm>> -> memref<10240x1024xf32, #tpu.memory_space<hbm>>
    tpu.wait_indirect_dma semaphore(%arg11 : memref<!tpu.dma_semaphore, #tpu.memory_space<semaphore_mem>>) src(%dma_wait3A_37 : memref<10240x1024xf32, #tpu.memory_space<hbm>>) dst(%arg9 : memref<32x1024xf32, #tpu.memory_space<vmem>>)
    %dma_wait3A_38 = arith.constant 0 : i32
    %dma_wait3A_39 = arith.constant 0 : i32
    %dma_wait3A_40 = tpu.memref_slice %arg2[%dma_wait3A_38, %dma_wait3A_39] : memref<10240x1024xf32, #tpu.memory_space<hbm>> -> memref<10240x1024xf32, #tpu.memory_space<hbm>>
    tpu.wait_indirect_dma semaphore(%arg11 : memref<!tpu.dma_semaphore, #tpu.memory_space<semaphore_mem>>) src(%dma_wait3A_40 : memref<10240x1024xf32, #tpu.memory_space<hbm>>) dst(%arg10 : memref<32x1024xf32, #tpu.memory_space<vmem>>)
    %scan3A_41 = arith.constant 0 : i32
    %scan3A_42 = arith.constant 0 : i32
    %scan3A_43 = arith.constant 32 : i32
    %scan3A_44 = arith.addi %scan3A_42, %scan3A_43 : i32
    %scan3A_45 = arith.constant 1 : i32
    %scan3A_46 = scf.for %scan3A_48 = %scan3A_42 to %scan3A_44 step %scan3A_45 iter_args(%scan3A_49 = %scan3A_41) -> (i32)  : i32 {
      %scan3A_50 = arith.constant 0 : i32
      %scan3A_51 = arith.constant 0 : i32
      %scan3A_52 = arith.constant 64 : i32
      %scan3A_53 = arith.addi %scan3A_51, %scan3A_52 : i32
      %scan3A_54 = arith.constant 1 : i32
      %scan3A_55 = scf.for %scan3A_57 = %scan3A_51 to %scan3A_53 step %scan3A_54 iter_args(%scan3A_58 = %scan3A_50) -> (i32)  : i32 {
        %mul3A_59 = arith.constant 16 : i32
        %mul3A_60 = arith.muli %scan3A_57, %mul3A_59 : i32
        %get3A = arith.index_cast %scan3A_48 : i32 to index
        %get3A_61 = arith.index_cast %mul3A_60 : i32 to index
        %get3A_62 = tpu.vector_load %arg8[%get3A, %get3A_61] {strides = array<i32>} : memref<32x1024xf32, #tpu.memory_space<vmem>>, vector<1x16xf32>,
        %get3A_63 = vector.shape_cast %get3A_62 : vector<1x16xf32> to vector<16xf32>
        %get3A_64 = arith.index_cast %scan3A_48 : i32 to index
        %get3A_65 = arith.index_cast %mul3A_60 : i32 to index
        %get3A_66 = tpu.vector_load %arg9[%get3A_64, %get3A_65] {strides = array<i32>} : memref<32x1024xf32, #tpu.memory_space<vmem>>, vector<1x16xf32>,
        %get3A_67 = vector.shape_cast %get3A_66 : vector<1x16xf32> to vector<16xf32>
        %add3A_68 = arith.addf %get3A_63, %get3A_67 : vector<16xf32>
        %get3A_69 = arith.index_cast %scan3A_48 : i32 to index
        %get3A_70 = arith.index_cast %mul3A_60 : i32 to index
        %get3A_71 = tpu.vector_load %arg10[%get3A_69, %get3A_70] {strides = array<i32>} : memref<32x1024xf32, #tpu.memory_space<vmem>>, vector<1x16xf32>,
        %get3A_72 = vector.shape_cast %get3A_71 : vector<1x16xf32> to vector<16xf32>
        %add3A_73 = arith.addf %add3A_68, %get3A_72 : vector<16xf32>
        %swap3A = arith.index_cast %scan3A_48 : i32 to index
        %swap3A_74 = arith.index_cast %mul3A_60 : i32 to index
        %swap3A_75 = tpu.vector_load %arg8[%swap3A, %swap3A_74] {strides = array<i32>} : memref<32x1024xf32, #tpu.memory_space<vmem>>, vector<1x16xf32>,
        %swap3A_76 = vector.shape_cast %swap3A_75 : vector<1x16xf32> to vector<16xf32>
        %swap3A_77 = vector.shape_cast %add3A_73 : vector<16xf32> to vector<1x16xf32>
        tpu.vector_store %arg8[%swap3A, %swap3A_74], %swap3A_77 {strides = array<i32>} : memref<32x1024xf32, #tpu.memory_space<vmem>>, vector<1x16xf32>,
        %scan3A_78 = arith.constant 0 : i32
        scf.yield %scan3A_78 : i32
      }
      %scan3A_56 = arith.constant 64 : i32
      scf.yield %scan3A_55 : i32
    }
    %scan3A_47 = arith.constant 32 : i32
    "tpu.region"() ({
      %run_scoped3A = tpu.sem_alloc : memref<!tpu.dma_semaphore, #tpu.memory_space<semaphore_mem>>
      %dma_start3A_48 = arith.constant 0 : i32
      %dma_start3A_49 = tpu.memref_slice %arg5[%add3A_26, %dma_start3A_48] : memref<2048x1024xf32, #tpu.memory_space<hbm>> -> memref<32x1024xf32, #tpu.memory_space<hbm>>
      %dma_start3A_50 = arith.constant 0 : i32
      %dma_start3A_51 = tpu.memref_slice %arg5[%add3A_26, %dma_start3A_50] : memref<2048x1024xf32, #tpu.memory_space<hbm>> -> memref<32x1024xf32, #tpu.memory_space<hbm>>
      tpu.enqueue_dma source(%arg8 : memref<32x1024xf32, #tpu.memory_space<vmem>>) target(%dma_start3A_51 : memref<32x1024xf32, #tpu.memory_space<hbm>>) target_semaphore(%run_scoped3A : memref<!tpu.dma_semaphore, #tpu.memory_space<semaphore_mem>>)
      %dma_wait3A_52 = arith.constant 0 : i32
      %dma_wait3A_53 = tpu.memref_slice %arg5[%add3A_26, %dma_wait3A_52] : memref<2048x1024xf32, #tpu.memory_space<hbm>> -> memref<32x1024xf32, #tpu.memory_space<hbm>>
      %dma_wait3A_54 = arith.constant 0 : i32
      %dma_wait3A_55 = tpu.memref_slice %arg5[%add3A_26, %dma_wait3A_54] : memref<2048x1024xf32, #tpu.memory_space<hbm>> -> memref<32x1024xf32, #tpu.memory_space<hbm>>
      tpu.wait_dma2 semaphore(%run_scoped3A : memref<!tpu.dma_semaphore, #tpu.memory_space<semaphore_mem>>) src(%arg8 : memref<32x1024xf32, #tpu.memory_space<vmem>>) dst(%dma_wait3A_55 : memref<32x1024xf32, #tpu.memory_space<hbm>>)
      tpu.yield
    }) : () -> ()
    return
  }
}

module attributes {stable_mosaic.version = 14 : i64} {
  func.func @_router_body(%arg0: i32, %arg1: memref<256x1024xf32, #tpu.memory_space<vmem>>, %arg2: memref<1024x64xf32, #tpu.memory_space<vmem>>, %arg3: memref<8x128xf32, #tpu.memory_space<vmem>>, %arg4: memref<64x1024xf32, #tpu.memory_space<vmem>>, %arg5: memref<256x128xf32, #tpu.memory_space<vmem>>, %arg6: memref<256x128xi32, #tpu.memory_space<vmem>>, %arg7: memref<8x128xf32, #tpu.memory_space<vmem>>) attributes {dimension_semantics = [#tpu.dimension_semantics<arbitrary>], iteration_bounds = array<i64: 8>, scalar_prefetch = 0 : i64, scratch_operands = 0 : i64, tpu.core_type = #tpu.core_type<tc>, window_params = [{transform_indices = @transform_0, window_bounds = array<i64: 256, 1024>}, {pipeline_mode = #tpu.pipeline_mode<synchronous>, transform_indices = @transform_1, window_bounds = array<i64: 1024, 64>}, {pipeline_mode = #tpu.pipeline_mode<synchronous>, transform_indices = @transform_2, window_bounds = array<i64: 8, 128>}, {pipeline_mode = #tpu.pipeline_mode<synchronous>, transform_indices = @transform_3, window_bounds = array<i64: 64, 1024>}, {transform_indices = @transform_4, window_bounds = array<i64: 256, 128>}, {transform_indices = @transform_5, window_bounds = array<i64: 256, 128>}, {pipeline_mode = #tpu.pipeline_mode<synchronous>, transform_indices = @transform_6, window_bounds = array<i64: 8, 128>}]} {
    %get3A = arith.constant 0 : index
    %get3A_0 = arith.constant 0 : index
    %get3A_1 = vector.load %arg1[%get3A, %get3A_0] : memref<256x1024xf32, #tpu.memory_space<vmem>>, vector<256x1024xf32>
    %get3A_2 = arith.constant 0 : index
    %get3A_3 = arith.constant 0 : index
    %get3A_4 = vector.load %arg2[%get3A_2, %get3A_3] : memref<1024x64xf32, #tpu.memory_space<vmem>>, vector<1024x64xf32>
    %dot_general3A = arith.constant dense<0.000000e+00> : vector<256x64xf32>
    %dot_general3A_5 = tpu.matmul %get3A_1, %get3A_4, %dot_general3A {dimension_numbers = #tpu.dot_dimension_numbers<[1], [0], [0], [1], [0, 0, 1, 1], [], []>, transpose_lhs_hint = false} : vector<256x1024xf32>, vector<1024x64xf32>, vector<256x64xf32> -> vector<256x64xf32>
    %get3A_6 = arith.constant 0 : index
    %get3A_7 = arith.constant 0 : index
    %get3A_8 = vector.load %arg3[%get3A_6, %get3A_7] : memref<8x128xf32, #tpu.memory_space<vmem>>, vector<1x64xf32>
    %add3A = vector.broadcast %get3A_8 : vector<1x64xf32> to vector<256x64xf32>
    %add3A_9 = arith.addf %dot_general3A_5, %add3A : vector<256x64xf32>
    %iota3A = tpu.iota {dimensions = array<i32: 1>} : vector<256x64xi32>
    %lt3A = arith.constant 63 : i32
    %lt3A_10 = vector.broadcast %lt3A : i32 to vector<256x64xi32>
    %lt3A_11 = arith.cmpi slt, %iota3A, %lt3A_10 : vector<256x64xi32>
    %logistic3A = arith.negf %add3A_9 : vector<256x64xf32>
    %logistic3A_12 = math.exp %logistic3A : vector<256x64xf32>
    %logistic3A_13 = arith.constant 1.000000e+00 : f32
    %logistic3A_14 = vector.broadcast %logistic3A_13 : f32 to vector<256x64xf32>
    %logistic3A_15 = arith.addf %logistic3A_14, %logistic3A_12 : vector<256x64xf32>
    %logistic3A_16 = arith.divf %logistic3A_14, %logistic3A_15 : vector<256x64xf32>
    %jit3A = arith.constant -1.000000e+00 : f32
    %broadcast_in_dim3A = vector.broadcast %jit3A : f32 to vector<256x64xf32>
    %select_n3A = arith.select %lt3A_11, %logistic3A_16, %broadcast_in_dim3A : vector<256x64xi1>, vector<256x64xf32>
    %reduce_max3A = arith.constant dense<0xFF800000> : vector<256xf32>
    %reduce_max3A_17 = vector.multi_reduction <maximumf>, %select_n3A, %reduce_max3A [1] : vector<256x64xf32> to vector<256xf32>
    %broadcast_in_dim3A_18 = vector.shape_cast %reduce_max3A_17 : vector<256xf32> to vector<256x1xf32>
    %eq3A = vector.broadcast %broadcast_in_dim3A_18 : vector<256x1xf32> to vector<256x64xf32>
    %eq3A_19 = arith.cmpf oeq, %select_n3A, %eq3A : vector<256x64xf32>
    %jit3A_20 = arith.constant 64 : i32
    %broadcast_in_dim3A_21 = vector.broadcast %jit3A_20 : i32 to vector<256x64xi32>
    %select_n3A_22 = arith.select %eq3A_19, %iota3A, %broadcast_in_dim3A_21 : vector<256x64xi1>, vector<256x64xi32>
    %reduce_min3A = arith.constant dense<2147483647> : vector<256xi32>
    %reduce_min3A_23 = vector.multi_reduction <minsi>, %select_n3A_22, %reduce_min3A [1] : vector<256x64xi32> to vector<256xi32>
    %broadcast_in_dim3A_24 = vector.shape_cast %reduce_min3A_23 : vector<256xi32> to vector<256x1xi32>
    %eq3A_25 = vector.broadcast %broadcast_in_dim3A_24 : vector<256x1xi32> to vector<256x64xi32>
    %eq3A_26 = arith.cmpi eq, %iota3A, %eq3A_25 : vector<256x64xi32>
    %jit3A_27 = arith.constant -1.000000e+00 : f32
    %broadcast_in_dim3A_28 = vector.broadcast %jit3A_27 : f32 to vector<256x64xf32>
    %select_n3A_29 = arith.select %eq3A_26, %broadcast_in_dim3A_28, %select_n3A : vector<256x64xi1>, vector<256x64xf32>
    %reduce_max3A_30 = arith.constant dense<0xFF800000> : vector<256xf32>
    %reduce_max3A_31 = vector.multi_reduction <maximumf>, %select_n3A_29, %reduce_max3A_30 [1] : vector<256x64xf32> to vector<256xf32>
    %broadcast_in_dim3A_32 = vector.shape_cast %reduce_max3A_31 : vector<256xf32> to vector<256x1xf32>
    %eq3A_33 = vector.broadcast %broadcast_in_dim3A_32 : vector<256x1xf32> to vector<256x64xf32>
    %eq3A_34 = arith.cmpf oeq, %select_n3A_29, %eq3A_33 : vector<256x64xf32>
    %jit3A_35 = arith.constant 64 : i32
    %broadcast_in_dim3A_36 = vector.broadcast %jit3A_35 : i32 to vector<256x64xi32>
    %select_n3A_37 = arith.select %eq3A_34, %iota3A, %broadcast_in_dim3A_36 : vector<256x64xi1>, vector<256x64xi32>
    %reduce_min3A_38 = arith.constant dense<2147483647> : vector<256xi32>
    %reduce_min3A_39 = vector.multi_reduction <minsi>, %select_n3A_37, %reduce_min3A_38 [1] : vector<256x64xi32> to vector<256xi32>
    %broadcast_in_dim3A_40 = vector.shape_cast %reduce_min3A_39 : vector<256xi32> to vector<256x1xi32>
    %add3A_41 = arith.addf %broadcast_in_dim3A_18, %broadcast_in_dim3A_32 : vector<256x1xf32>
    %div3A = arith.divf %broadcast_in_dim3A_18, %add3A_41 : vector<256x1xf32>
    %div3A_42 = arith.divf %broadcast_in_dim3A_32, %add3A_41 : vector<256x1xf32>
    %iota3A_43 = tpu.iota {dimensions = array<i32: 1>} : vector<256x128xi32>
    %broadcast_in_dim3A_44 = arith.constant 0.000000e+00 : f32
    %broadcast_in_dim3A_45 = vector.broadcast %broadcast_in_dim3A_44 : f32 to vector<256x128xf32>
    %broadcast_in_dim3A_46 = arith.constant 0 : i32
    %broadcast_in_dim3A_47 = vector.broadcast %broadcast_in_dim3A_46 : i32 to vector<256x128xi32>
    %eq3A_48 = arith.constant 0 : i32
    %eq3A_49 = vector.broadcast %eq3A_48 : i32 to vector<256x128xi32>
    %eq3A_50 = arith.cmpi eq, %iota3A_43, %eq3A_49 : vector<256x128xi32>
    %eq3A_51 = arith.constant 1 : i32
    %eq3A_52 = vector.broadcast %eq3A_51 : i32 to vector<256x128xi32>
    %eq3A_53 = arith.cmpi eq, %iota3A_43, %eq3A_52 : vector<256x128xi32>
    %broadcast_in_dim3A_54 = vector.shape_cast %div3A_42 : vector<256x1xf32> to vector<256x1xf32>
    %broadcast_in_dim3A_55 = vector.broadcast %broadcast_in_dim3A_54 : vector<256x1xf32> to vector<256x128xf32>
    %select_n3A_56 = arith.select %eq3A_53, %broadcast_in_dim3A_55, %broadcast_in_dim3A_45 : vector<256x128xi1>, vector<256x128xf32>
    %broadcast_in_dim3A_57 = vector.shape_cast %div3A : vector<256x1xf32> to vector<256x1xf32>
    %broadcast_in_dim3A_58 = vector.broadcast %broadcast_in_dim3A_57 : vector<256x1xf32> to vector<256x128xf32>
    %select_n3A_59 = arith.select %eq3A_50, %broadcast_in_dim3A_58, %select_n3A_56 : vector<256x128xi1>, vector<256x128xf32>
    %swap3A = arith.constant 0 : index
    %swap3A_60 = arith.constant 0 : index
    %swap3A_61 = vector.load %arg5[%swap3A, %swap3A_60] : memref<256x128xf32, #tpu.memory_space<vmem>>, vector<256x128xf32>
    tpu.vector_store %arg5[%swap3A, %swap3A_60], %select_n3A_59 {strides = array<i32>} : memref<256x128xf32, #tpu.memory_space<vmem>>, vector<256x128xf32>,
    %eq3A_62 = arith.constant 0 : i32
    %eq3A_63 = vector.broadcast %eq3A_62 : i32 to vector<256x128xi32>
    %eq3A_64 = arith.cmpi eq, %iota3A_43, %eq3A_63 : vector<256x128xi32>
    %eq3A_65 = arith.constant 1 : i32
    %eq3A_66 = vector.broadcast %eq3A_65 : i32 to vector<256x128xi32>
    %eq3A_67 = arith.cmpi eq, %iota3A_43, %eq3A_66 : vector<256x128xi32>
    %broadcast_in_dim3A_68 = vector.shape_cast %broadcast_in_dim3A_40 : vector<256x1xi32> to vector<256x1xi32>
    %broadcast_in_dim3A_69 = vector.broadcast %broadcast_in_dim3A_68 : vector<256x1xi32> to vector<256x128xi32>
    %select_n3A_70 = arith.select %eq3A_67, %broadcast_in_dim3A_69, %broadcast_in_dim3A_47 : vector<256x128xi1>, vector<256x128xi32>
    %broadcast_in_dim3A_71 = vector.shape_cast %broadcast_in_dim3A_24 : vector<256x1xi32> to vector<256x1xi32>
    %broadcast_in_dim3A_72 = vector.broadcast %broadcast_in_dim3A_71 : vector<256x1xi32> to vector<256x128xi32>
    %select_n3A_73 = arith.select %eq3A_64, %broadcast_in_dim3A_72, %select_n3A_70 : vector<256x128xi1>, vector<256x128xi32>
    %swap3A_74 = arith.constant 0 : index
    %swap3A_75 = arith.constant 0 : index
    %swap3A_76 = vector.load %arg6[%swap3A_74, %swap3A_75] : memref<256x128xi32, #tpu.memory_space<vmem>>, vector<256x128xi32>
    tpu.vector_store %arg6[%swap3A_74, %swap3A_75], %select_n3A_73 {strides = array<i32>} : memref<256x128xi32, #tpu.memory_space<vmem>>, vector<256x128xi32>,
    %eq3A_77 = arith.constant 0 : i32
    %eq3A_78 = arith.cmpi eq, %arg0, %eq3A_77 : i32
    %convert_element_type3A = arith.extui %eq3A_78 : i1 to i32
    %cond3A = arith.constant 0 : i32
    %cond3A_79 = arith.cmpi ne, %convert_element_type3A, %cond3A : i32
    scf.if %cond3A_79 {
      %get3A_80 = arith.constant 0 : index
      %get3A_81 = arith.constant 0 : index
      %get3A_82 = vector.load %arg4[%get3A_80, %get3A_81] : memref<64x1024xf32, #tpu.memory_space<vmem>>, vector<64x1024xf32>
      %exp3A = math.exp %get3A_82 : vector<64x1024xf32>
      %reduce_sum3A = arith.constant dense<0.000000e+00> : vector<64xf32>
      %reduce_sum3A_83 = vector.multi_reduction <add>, %exp3A, %reduce_sum3A [1] : vector<64x1024xf32> to vector<64xf32>
      %broadcast_in_dim3A_84 = vector.shape_cast %reduce_sum3A_83 : vector<64xf32> to vector<64x1xf32>
      %log3A = math.log %broadcast_in_dim3A_84 : vector<64x1xf32>
      %iota3A_85 = tpu.iota {dimensions = array<i32: 0>} : vector<64x1xi32>
      %lt3A_86 = arith.constant 63 : i32
      %lt3A_87 = vector.broadcast %lt3A_86 : i32 to vector<64x1xi32>
      %lt3A_88 = arith.cmpi slt, %iota3A_85, %lt3A_87 : vector<64x1xi32>
      %jit3A_89 = arith.constant 0.000000e+00 : f32
      %broadcast_in_dim3A_90 = vector.broadcast %jit3A_89 : f32 to vector<64x1xf32>
      %select_n3A_91 = arith.select %lt3A_88, %log3A, %broadcast_in_dim3A_90 : vector<64x1xi1>, vector<64x1xf32>
      %reduce_sum3A_92 = vector.shape_cast %select_n3A_91 : vector<64x1xf32> to vector<1x64x1xf32>
      %reduce_sum3A_93 = arith.constant dense<0.000000e+00> : vector<1xf32>
      %reduce_sum3A_94 = vector.multi_reduction <add>, %reduce_sum3A_92, %reduce_sum3A_93 [1, 2] : vector<1x64x1xf32> to vector<1xf32>
      %reduce_sum3A_95 = vector.shape_cast %reduce_sum3A_94 : vector<1xf32> to vector<1x1x1xf32>
      %reduce_sum3A_96 = vector.extract %reduce_sum3A_95[0, 0, 0] : f32 from vector<1x1x1xf32>
      %mul3A = arith.constant 1.000000e-03 : f32
      %mul3A_97 = arith.mulf %mul3A, %reduce_sum3A_96 : f32
      %div3A_98 = arith.constant 6.300000e+01 : f32
      %div3A_99 = arith.divf %mul3A_97, %div3A_98 : f32
      %broadcast_in_dim3A_100 = vector.broadcast %div3A_99 : f32 to vector<8x128xf32>
      %swap3A_101 = arith.constant 0 : index
      %swap3A_102 = arith.constant 0 : index
      %swap3A_103 = vector.load %arg7[%swap3A_101, %swap3A_102] : memref<8x128xf32, #tpu.memory_space<vmem>>, vector<8x128xf32>
      tpu.vector_store %arg7[%swap3A_101, %swap3A_102], %broadcast_in_dim3A_100 {strides = array<i32>} : memref<8x128xf32, #tpu.memory_space<vmem>>, vector<8x128xf32>,
    } else {
    }
    return
  }
  func.func @transform_0(%arg0: i32) -> (i32, i32) {
    %c0_i32 = arith.constant 0 : i32
    %c0_i32_0 = arith.constant 0 : i32
    return %arg0, %c0_i32 : i32, i32
  }
  func.func @transform_1(%arg0: i32) -> (i32, i32) {
    %c0_i32 = arith.constant 0 : i32
    %c0_i32_0 = arith.constant 0 : i32
    %c0_i32_1 = arith.constant 0 : i32
    return %c0_i32, %c0_i32_0 : i32, i32
  }
  func.func @transform_2(%arg0: i32) -> (i32, i32) {
    %c0_i32 = arith.constant 0 : i32
    %c0_i32_0 = arith.constant 0 : i32
    %c0_i32_1 = arith.constant 0 : i32
    return %c0_i32, %c0_i32_0 : i32, i32
  }
  func.func @transform_3(%arg0: i32) -> (i32, i32) {
    %c0_i32 = arith.constant 0 : i32
    %c0_i32_0 = arith.constant 0 : i32
    %c0_i32_1 = arith.constant 0 : i32
    return %c0_i32, %c0_i32_0 : i32, i32
  }
  func.func @transform_4(%arg0: i32) -> (i32, i32) {
    %c0_i32 = arith.constant 0 : i32
    %c0_i32_0 = arith.constant 0 : i32
    return %arg0, %c0_i32 : i32, i32
  }
  func.func @transform_5(%arg0: i32) -> (i32, i32) {
    %c0_i32 = arith.constant 0 : i32
    %c0_i32_0 = arith.constant 0 : i32
    return %arg0, %c0_i32 : i32, i32
  }
  func.func @transform_6(%arg0: i32) -> (i32, i32) {
    %c0_i32 = arith.constant 0 : i32
    %c0_i32_0 = arith.constant 0 : i32
    %c0_i32_1 = arith.constant 0 : i32
    return %c0_i32, %c0_i32_0 : i32, i32
  }
}

module attributes {stable_mosaic.version = 14 : i64} {
  func.func @_gemm_body(%arg0: i32, %arg1: memref<160xi32, #tpu.memory_space<smem>>, %arg2: memref<64x1024xf32, #tpu.memory_space<vmem>>, %arg3: memref<64x1024xf32, #tpu.memory_space<vmem>>, %arg4: memref<1x512x1024xf32, #tpu.memory_space<vmem>>, %arg5: memref<1x512x1024xf32, #tpu.memory_space<vmem>>, %arg6: memref<1x1024x512xf32, #tpu.memory_space<vmem>>, %arg7: memref<1x1x128xf32, #tpu.memory_space<vmem>>, %arg8: memref<64x1024xf32, #tpu.memory_space<vmem>>) attributes {dimension_semantics = [#tpu.dimension_semantics<arbitrary>], iteration_bounds = array<i64: 160>, scalar_prefetch = 1 : i64, scratch_operands = 0 : i64, tpu.core_type = #tpu.core_type<tc>, window_params = [{transform_indices = @transform_0, window_bounds = array<i64: 64, 1024>}, {transform_indices = @transform_1, window_bounds = array<i64: 64, 1024>}, {transform_indices = @transform_2, window_bounds = array<i64: 1, 512, 1024>}, {transform_indices = @transform_3, window_bounds = array<i64: 1, 512, 1024>}, {transform_indices = @transform_4, window_bounds = array<i64: 1, 1024, 512>}, {transform_indices = @transform_5, window_bounds = array<i64: 1, 1, 128>}, {transform_indices = @transform_6, window_bounds = array<i64: 64, 1024>}]} {
    %ge3A = arith.constant 128 : i32
    %ge3A_0 = arith.cmpi sge, %arg0, %ge3A : i32
    %get3A = arith.constant 0 : index
    %get3A_1 = arith.constant 0 : index
    %get3A_2 = vector.load %arg3[%get3A, %get3A_1] : memref<64x1024xf32, #tpu.memory_space<vmem>>, vector<64x1024xf32>
    %get3A_3 = arith.constant 0 : index
    %get3A_4 = arith.constant 0 : index
    %get3A_5 = vector.load %arg2[%get3A_3, %get3A_4] : memref<64x1024xf32, #tpu.memory_space<vmem>>, vector<64x1024xf32>
    %select_n3A = arith.select %ge3A_0, %get3A_2, %get3A_5 : vector<64x1024xf32>
    %convert_element_type3A = arith.truncf %select_n3A : vector<64x1024xf32> to vector<64x1024xbf16>
    %get3A_6 = arith.constant 0 : index
    %get3A_7 = arith.constant 0 : index
    %get3A_8 = arith.constant 0 : index
    %get3A_9 = vector.load %arg4[%get3A_6, %get3A_7, %get3A_8] : memref<1x512x1024xf32, #tpu.memory_space<vmem>>, vector<1x512x1024xf32>
    %get3A_10 = vector.shape_cast %get3A_9 : vector<1x512x1024xf32> to vector<512x1024xf32>
    %convert_element_type3A_11 = arith.truncf %get3A_10 : vector<512x1024xf32> to vector<512x1024xbf16>
    %dot_general3A = arith.constant dense<0.000000e+00> : vector<64x512xf32>
    %dot_general3A_12 = tpu.matmul %convert_element_type3A, %convert_element_type3A_11, %dot_general3A {dimension_numbers = #tpu.dot_dimension_numbers<[1], [1], [0], [0], [0, 0, 1, 0], [], []>, transpose_lhs_hint = false} : vector<64x1024xbf16>, vector<512x1024xbf16>, vector<64x512xf32> -> vector<64x512xf32>
    %get3A_13 = arith.constant 0 : index
    %get3A_14 = arith.constant 0 : index
    %get3A_15 = arith.constant 0 : index
    %get3A_16 = vector.load %arg5[%get3A_13, %get3A_14, %get3A_15] : memref<1x512x1024xf32, #tpu.memory_space<vmem>>, vector<1x512x1024xf32>
    %get3A_17 = vector.shape_cast %get3A_16 : vector<1x512x1024xf32> to vector<512x1024xf32>
    %convert_element_type3A_18 = arith.truncf %get3A_17 : vector<512x1024xf32> to vector<512x1024xbf16>
    %dot_general3A_19 = arith.constant dense<0.000000e+00> : vector<64x512xf32>
    %dot_general3A_20 = tpu.matmul %convert_element_type3A, %convert_element_type3A_18, %dot_general3A_19 {dimension_numbers = #tpu.dot_dimension_numbers<[1], [1], [0], [0], [0, 0, 1, 0], [], []>, transpose_lhs_hint = false} : vector<64x1024xbf16>, vector<512x1024xbf16>, vector<64x512xf32> -> vector<64x512xf32>
    %logistic3A = arith.negf %dot_general3A_12 : vector<64x512xf32>
    %logistic3A_21 = math.exp %logistic3A : vector<64x512xf32>
    %logistic3A_22 = arith.constant 1.000000e+00 : f32
    %logistic3A_23 = vector.broadcast %logistic3A_22 : f32 to vector<64x512xf32>
    %logistic3A_24 = arith.addf %logistic3A_23, %logistic3A_21 : vector<64x512xf32>
    %logistic3A_25 = arith.divf %logistic3A_23, %logistic3A_24 : vector<64x512xf32>
    %mul3A = arith.mulf %dot_general3A_12, %logistic3A_25 : vector<64x512xf32>
    %mul3A_26 = arith.mulf %mul3A, %dot_general3A_20 : vector<64x512xf32>
    %convert_element_type3A_27 = arith.truncf %mul3A_26 : vector<64x512xf32> to vector<64x512xbf16>
    %get3A_28 = arith.constant 0 : index
    %get3A_29 = arith.constant 0 : index
    %get3A_30 = arith.constant 0 : index
    %get3A_31 = vector.load %arg6[%get3A_28, %get3A_29, %get3A_30] : memref<1x1024x512xf32, #tpu.memory_space<vmem>>, vector<1x1024x512xf32>
    %get3A_32 = vector.shape_cast %get3A_31 : vector<1x1024x512xf32> to vector<1024x512xf32>
    %convert_element_type3A_33 = arith.truncf %get3A_32 : vector<1024x512xf32> to vector<1024x512xbf16>
    %dot_general3A_34 = arith.constant dense<0.000000e+00> : vector<64x1024xf32>
    %dot_general3A_35 = tpu.matmul %convert_element_type3A_27, %convert_element_type3A_33, %dot_general3A_34 {dimension_numbers = #tpu.dot_dimension_numbers<[1], [1], [0], [0], [0, 0, 1, 0], [], []>, transpose_lhs_hint = false} : vector<64x512xbf16>, vector<1024x512xbf16>, vector<64x1024xf32> -> vector<64x1024xf32>
    %get3A_36 = arith.constant 0 : index
    %get3A_37 = arith.constant 0 : index
    %get3A_38 = arith.constant 0 : index
    %get3A_39 = vector.load %arg7[%get3A_36, %get3A_37, %get3A_38] : memref<1x1x128xf32, #tpu.memory_space<vmem>>, vector<1x1x64xf32>
    %get3A_40 = vector.shape_cast %get3A_39 : vector<1x1x64xf32> to vector<64xf32>
    %broadcast_in_dim3A = vector.shape_cast %get3A_40 : vector<64xf32> to vector<64x1xf32>
    %mul3A_41 = vector.broadcast %broadcast_in_dim3A : vector<64x1xf32> to vector<64x1024xf32>
    %mul3A_42 = arith.mulf %dot_general3A_35, %mul3A_41 : vector<64x1024xf32>
    %swap3A = arith.constant 0 : index
    %swap3A_43 = arith.constant 0 : index
    %swap3A_44 = vector.load %arg8[%swap3A, %swap3A_43] : memref<64x1024xf32, #tpu.memory_space<vmem>>, vector<64x1024xf32>
    tpu.vector_store %arg8[%swap3A, %swap3A_43], %mul3A_42 {strides = array<i32>} : memref<64x1024xf32, #tpu.memory_space<vmem>>, vector<64x1024xf32>,
    return
  }
  func.func @transform_0(%arg0: i32, %arg1: memref<160xi32, #tpu.memory_space<smem>>) -> (i32, i32) {
    %min3A = arith.constant 127 : i32
    %min3A_0 = arith.minsi %arg0, %min3A : i32
    %c0_i32 = arith.constant 0 : i32
    %c0_i32_1 = arith.constant 0 : i32
    return %min3A_0, %c0_i32 : i32, i32
  }
  func.func @transform_1(%arg0: i32, %arg1: memref<160xi32, #tpu.memory_space<smem>>) -> (i32, i32) {
    %sub3A = arith.constant 128 : i32
    %sub3A_0 = arith.subi %arg0, %sub3A : i32
    %max3A = arith.constant 0 : i32
    %max3A_1 = arith.maxsi %sub3A_0, %max3A : i32
    %c0_i32 = arith.constant 0 : i32
    %c0_i32_2 = arith.constant 0 : i32
    return %max3A_1, %c0_i32 : i32, i32
  }
  func.func @transform_2(%arg0: i32, %arg1: memref<160xi32, #tpu.memory_space<smem>>) -> (i32, i32, i32) {
    %get3A = arith.index_cast %arg0 : i32 to index
    %get3A_0 = memref.load %arg1[%get3A] : memref<160xi32, #tpu.memory_space<smem>>
    %c0_i32 = arith.constant 0 : i32
    %c0_i32_1 = arith.constant 0 : i32
    %c0_i32_2 = arith.constant 0 : i32
    return %get3A_0, %c0_i32, %c0_i32_1 : i32, i32, i32
  }
  func.func @transform_3(%arg0: i32, %arg1: memref<160xi32, #tpu.memory_space<smem>>) -> (i32, i32, i32) {
    %get3A = arith.index_cast %arg0 : i32 to index
    %get3A_0 = memref.load %arg1[%get3A] : memref<160xi32, #tpu.memory_space<smem>>
    %c0_i32 = arith.constant 0 : i32
    %c0_i32_1 = arith.constant 0 : i32
    %c0_i32_2 = arith.constant 0 : i32
    return %get3A_0, %c0_i32, %c0_i32_1 : i32, i32, i32
  }
  func.func @transform_4(%arg0: i32, %arg1: memref<160xi32, #tpu.memory_space<smem>>) -> (i32, i32, i32) {
    %get3A = arith.index_cast %arg0 : i32 to index
    %get3A_0 = memref.load %arg1[%get3A] : memref<160xi32, #tpu.memory_space<smem>>
    %c0_i32 = arith.constant 0 : i32
    %c0_i32_1 = arith.constant 0 : i32
    %c0_i32_2 = arith.constant 0 : i32
    return %get3A_0, %c0_i32, %c0_i32_1 : i32, i32, i32
  }
  func.func @transform_5(%arg0: i32, %arg1: memref<160xi32, #tpu.memory_space<smem>>) -> (i32, i32, i32) {
    %c0_i32 = arith.constant 0 : i32
    %c0_i32_0 = arith.constant 0 : i32
    %c0_i32_1 = arith.constant 0 : i32
    return %arg0, %c0_i32, %c0_i32_0 : i32, i32, i32
  }
  func.func @transform_6(%arg0: i32, %arg1: memref<160xi32, #tpu.memory_space<smem>>) -> (i32, i32) {
    %c0_i32 = arith.constant 0 : i32
    %c0_i32_0 = arith.constant 0 : i32
    return %arg0, %c0_i32 : i32, i32
  }
}

</mosaic_0001>

<sc_bundles>
// kernel: gather_offload_async_start.1
scs
__scs_entry_jumppad:
0x0: {  	(pc) =	sbr.rel $0x88, $3  }
0x1: {  	(tag) =	ssettag $0x0;
	lr =	simm.s32 $0x1  }
0x2: {  	[smem:$0x3F98] =	sst lr;
	_ =	strace $0xD0000000  }
0x3: {  	_ = 	snop  }
0x4: {  	_ = 	snop  }
0x5: {  	_ = 	snop  }
0x6: {  	_ = 	snop  }
0x7: {  	_ = 	snop  }
__scs_overlays_trampoline_lowered:
0x8: {  	[smem:$0x3FA7] =	sst s0  }
0x9: {  	[smem:$0x3FA8] =	sst s1  }
0xa: {  	[smem:$0x3FA9] =	sst s2  }
0xb: {  	[smem:$0x3FAA] =	sst s3  }
0xc: {  	[smem:$0x3FAB] =	sst s4  }
0xd: {  	[smem:$0x3FAC] =	sst s5  }
0xe: {  	[smem:$0x3FAD] =	sst s6  }
0xf: {  	[smem:$0x3FAE] =	sst s7  }
0x10: {  	[smem:$0x3FAF] =	sst s8  }
0x11: {  	[smem:$0x3FB0] =	sst s9;
	s0 =	simm.s32 @!p0 $0x0  }
0x12: {  	s1 =	sld [smem:$0x3F96];
	s0 =	simm.s32 @p0 $0x1  }
0x13: {  	[smem:$0x3FB1] =	sst s0;
	s0 =	simm.s32 @!p1 $0x0  }
0x14: {  	s2 =	sld [smem:$0x3F95];
	s0 =	simm.s32 @p1 $0x1  }
0x15: {  	[smem:$0x3FB2] =	sst s0;
	s0 =	simm.s32 @!p2 $0x0  }
0x16: {  	s3 =	sld [smem:$0x3FDB];
	s0 =	simm.s32 @p2 $0x1  }
0x17: {  	s4 =	simm.s32 $0x1BF5;
	[smem:$0x3FB4] =	sst s0  }
0x18: {  	s0 =	sld [smem:$0x3F97];
	_ =	swait.ge [sflag:s4], $0x0  }
0x19: {  	s7 =	sld [smem:$0x3F98]  }
0x1a: {  	s8 =	sadd.s32 $0xFFFFE003, lr  }
0x1b: {  	s9 =	sadd.s32 $0xFFFFFEF7, lr;
	s5 =	simm.s32 $0xFFFFFFFF;
	p2 =	slt.u32 s8, $0xFFFFF086  }
0x1c: {  	p1 =	slt.u32 s9, $0xF7A;
	s5 =	simm.s32 @!p2 $0x0  }
0x1d: {  	s5 =	simm.s32 @p1 $0x1;
	p0 =	seq.s32 s7, s2  }
0x1e: {  	s7 =	smul.u32 @!p0 $0xF7A, s2;
	p2 =	seq.s32 @!p0 s5, $0x0  }
0x1f: {  	s9 =	smul.u32 $0xF7A, s1;
	s8 =	simm.s32 @!p0 $0x1BF5;
	p2 =	por !p2, p0  }
0x20: {  	[sflag:s8] =	ssyncset.s32 @!p0 $0xFFFFF086;
	s6 =	sadd.s32 @!p0 s3, s7;
	s7 =	simm.s32 @!p0 $0x108  }
0x21: {  	s3 =	sadd.s32 s3, s9;
	s6 =	sadd.s32 @!p0 $0x88, s6;
	s7 =	simm.s32 @p2 $0x1082  }
0x22: {  	[simem:s7], [sflag:s8] =	dma.local @!p0 [hbm:s6], $0xF7A  }
0x23: {  	s9 =	sor.u32 $0xD0000000, s2;
	s6 =	simm.s32 $0x108;
	_ =	swait.ge @!p0 [sflag:s8], $0x0  }
0x24: {  	s3 =	sadd.s32 $0x88, s3;
	s6 =	simm.s32 @!p1 $0x1082;
	[sflag:s4] =	ssyncset.s32 $0xFFFFF086  }
0x25: {  	[simem:s6], [sflag:s4] =	dma.local [hbm:s3], $0xF7A  }
0x26: {  	[smem:$0x3F98] =	sst s1;
	(tag) =	ssettag s2;
	_ =	strace s9  }
0x27: {  	s1 =	sld [smem:$0x3FA8]  }
0x28: {  	s2 =	sld [smem:$0x3FA9]  }
0x29: {  	s4 =	sld [smem:$0x3FAB]  }
0x2a: {  	p0 =	seq.s32 s5, $0x0;
	s5 =	sld [smem:$0x3FAC]  }
0x2b: {  	s6 =	sld [smem:$0x3FAD]  }
0x2c: {  	s7 =	sld [smem:$0x3FAE]  }
0x2d: {  	s3 =	simm.s32 $0x108;
	s8 =	sld [smem:$0x3FAF]  }
0x2e: {  	s3 =	simm.s32 @!p0 $0x1082;
	s9 =	sld [smem:$0x3FB0]  }
0x2f: {  	lr =	sadd.s32 s0, s3;
	s0 =	sld [smem:$0x3FA7]  }
0x30: {  	s3 =	sld [smem:$0x3FAA]  }
0x31: {  	[smem:$0x3FB3] =	sst s10  }
0x32: {  	s10 =	sld [smem:$0x3FB1];
	_ =	sdelay $0x3  }
0x33: {  	p0 =	seq.s32 s10, $0x1;
	s10 =	sld [smem:$0x3FB3];
	_ =	sdelay $0x3  }
0x34: {  	[smem:$0x3FB3] =	sst s10  }
0x35: {  	s10 =	sld [smem:$0x3FB2];
	_ =	sdelay $0x3  }
0x36: {  	p1 =	seq.s32 s10, $0x1;
	s10 =	sld [smem:$0x3FB3];
	_ =	sdelay $0x3  }
0x37: {  	[smem:$0x3FB3] =	sst s10  }
0x38: {  	s10 =	sld [smem:$0x3FB4]  }
0x39: {  	_ = 	snop;
	(pc) =	sbr.ind lr, $3  }
0x3a: {  	_ = 	snop  }
0x3b: {  	_ = 	snop  }
0x3c: {  	p2 =	seq.s32 s10, $0x1;
	s10 =	sld [smem:$0x3FB3]  }
0x3d: {  	_ =	shalt  }
0x3e: {  	_ =	shalt  }
0x3f: {  	_ =	shalt  }
0x40: {  	_ =	shalt  }
0x41: {  	_ =	shalt  }
0x42: {  	_ =	shalt  }
0x43: {  	_ =	shalt  }
0x44: {  	_ =	shalt  }
0x45: {  	_ =	shalt  }
0x46: {  	_ =	shalt  }
0x47: {  	_ =	shalt  }
0x48: {  	_ =	shalt  }
0x49: {  	_ =	shalt  }
0x4a: {  	_ =	shalt  }
0x4b: {  	_ =	shalt  }
0x4c: {  	_ =	shalt  }
0x4d: {  	_ =	shalt  }
0x4e: {  	_ =	shalt  }
0x4f: {  	_ =	shalt  }
0x50: {  	_ =	shalt  }
0x51: {  	_ =	shalt  }
0x52: {  	_ =	shalt  }
0x53: {  	_ =	shalt  }
0x54: {  	_ =	shalt  }
0x55: {  	_ =	shalt  }
0x56: {  	_ =	shalt  }
0x57: {  	_ =	shalt  }
0x58: {  	_ =	shalt  }
0x59: {  	_ =	shalt  }
0x5a: {  	_ =	shalt  }
0x5b: {  	_ =	shalt  }
0x5c: {  	_ =	shalt  }
0x5d: {  	_ =	shalt  }
0x5e: {  	_ =	shalt  }
0x5f: {  	_ =	shalt  }
0x60: {  	_ =	shalt  }
0x61: {  	_ =	shalt  }
0x62: {  	_ =	shalt  }
0x63: {  	_ =	shalt  }
0x64: {  	_ =	shalt  }
0x65: {  	_ =	shalt  }
0x66: {  	_ =	shalt  }
0x67: {  	_ =	shalt  }
0x68: {  	_ =	shalt  }
0x69: {  	_ =	shalt  }
0x6a: {  	_ =	shalt  }
0x6b: {  	_ =	shalt  }
0x6c: {  	_ =	shalt  }
0x6d: {  	_ =	shalt  }
0x6e: {  	_ =	shalt  }
0x6f: {  	_ =	shalt  }
0x70: {  	_ =	shalt  }
0x71: {  	_ =	shalt  }
0x72: {  	_ =	shalt  }
0x73: {  	_ =	shalt  }
0x74: {  	_ =	shalt  }
0x75: {  	_ =	shalt  }
0x76: {  	_ =	shalt  }
0x77: {  	_ =	shalt  }
0x78: {  	_ =	shalt  }
0x79: {  	_ =	shalt  }
0x7a: {  	_ =	shalt  }
0x7b: {  	_ =	shalt  }
0x7c: {  	_ =	shalt  }
0x7d: {  	_ =	shalt  }
0x7e: {  	_ =	shalt  }
0x7f: {  	_ =	shalt  }
0x80: {  	_ =	shalt  }
0x81: {  	_ =	shalt  }
0x82: {  	_ =	shalt  }
0x83: {  	_ =	shalt  }
0x84: {  	_ =	shalt  }
0x85: {  	_ =	shalt  }
0x86: {  	_ =	shalt  }
0x87: {  	_ =	shalt  }
.Lfunc_end0:
.L_simem_size_0:
called_computation.2_lowered:
.L_overlay_start_0:
0x88: {  	s2 =	sld [smem:$0x3FD9]  }
0x89: {  	s3 =	sld [smem:$0x3FFE];
	_ =	sdelay $0x1  }
0x8a: {  	s1 =	srdreg.scid  }
0x8b: {  	s0 =	sand.u32 $0x1, s1  }
0x8c: {  	s16 =	sshll.u32 s0, $0xA;
	s2 =	sadd.s32 s3, s2  }
0x8d: {  	s2 =	sadd.s32 s2, s16  }
0x8e: {  	[smem:$0x3FBF] =	sst s2  }
0x8f: {  	_ = 	snop  }
0x90: {  	(tm) =	ssettm $0x1  }
0x91: {  	s17 =	sld [smem:$0x3FFB];
	_ =	sdelay $0x3  }
0x92: {  	_ =	strace s17  }
0x93: {  	s2 =	sld [smem:$0x3FFC];
	_ =	sdelay $0x3  }
0x94: {  	_ =	strace s2  }
0x95: {  	s2 =	sld [smem:$0x3FFD];
	_ =	sdelay $0x3  }
0x96: {  	_ =	strace s2  }
0x97: {  	_ =	strace $0x8FFFFFFF  }
0x98: {  	s18 =	sld [smem:$0x3FDB];
	_ =	sdelay $0x1  }
0x99: {  	s19 =	simm.s32 $_scs_section_size  }
0x9a: {  	s4 =	simm.s32 $_size__tile_overlayer_lowered;
	s5 =	simm.s32 $_tile_overlayer_lowered  }
0x9b: {  	s22 =	simm.s32 $0x1BFF;
	s21 =	sshll.u32 s5, $0x1;
	s2 =	sadd.s32 s19, s18  }
0x9c: {  	s6 =	simm.s32 $0x0;
	s20 =	sshll.u32 s4, $0x1;
	s4 =	sadd.s32 s21, s2  }
0x9d: {  	[timem:s6], [sflag:s22] =	dma.local [hbm:s4], s20  }
0x9e: {  	_ =	swait.ge [sflag:s22], s20  }
0x9f: {  	s3 =	ssub.s32 $0x0, s20;
	[sflag:s22] =	ssyncset.done $0x0  }
0xa0: {  	[sflag:s22] =	ssyncadd.s32 s3;
	_ =	sdelay $0x1  }
0xa1: {  	s23 =	simm.s32 $0x1B8B  }
0xa2: {  	_ =	swait.ge [sflag:s23], $0x1  }
0xa3: {  	[sflag:s23] =	ssyncset.done $0x0  }
0xa4: {  	s25 =	simm.s32 $0x1B8E;
	s24 =	sld [smem:$0x3FFE];
	[sflag:s23] =	ssyncadd.s32 $0xFFFFFFFF  }
0xa5: {  	s26 =	simm.s32 $execute0_lowered;
	[smem:$0x3FD2] =	sst s25  }
0xa6: {  	s4 =	sshll.u32 s26, $0x1;
	_ =	strace $0x8000004C;
	[dreg:$0x1] =	wrdreg $0xFFFFFFFF  }
0xa7: {  	s28 =	simm.s32 $_size_execute0_lowered;
	s2 =	sadd.s32 s2, s4;
	[dreg:$0x0] =	wrdreg $0x0  }
0xa8: {  	s4 =	sshll.u32 s28, $0x1;
	[dreg:$0x2] =	wrdreg s2  }
0xa9: {  	[dreg:$0x3] =	wrdreg s4  }
0xaa: {  	[dreg:$0x4] =	wrdreg $0xC0  }
0xab: {  	_ =	task [dreg:s6], $0x5FFFF  }
0xac: {  	[dreg:$0x1] =	wrdreg $0xFFFFFFFF  }
0xad: {  	[dreg:$0x0] =	wrdreg $0x60  }
0xae: {  	[dreg:$0x2] =	wrdreg s24  }
0xaf: {  	[dreg:$0x3] =	wrdreg $0x9  }
0xb0: {  	_ =	task.clear_ibuf [dreg:s6], $0x4FFFF;
	_ =	strace $0x9000004C  }
0xb1: {  	s29 =	simm.s32 $0x9;
	_ =	strace $0x8000004E  }
0xb2: {  	_ =	swait.ge [sflag:s29], $0x1  }
0xb3: {  	[sflag:s29] =	ssyncadd.s32 $0xFFFFFFFF  }
0xb4: {  	_ =	strace $0x9000004E  }
0xb5: {  	_ =	sfence  }
0xb6: {  	s30 =	sld [smem:$0x0];
	_ =	sdelay $0x2  }
0xb7: {  	s31 =	sshll.u32 s1, $0xD;
	s1 =	sshrl.u32 s1, $0x2  }
0xb8: {  	s3 =	sand.u32 $0x4000, s31;
	s1 =	sadd.s32 s1, s30  }
0xb9: {  	s0 =	sor.u32 s3, s0;
	s1 =	sshll.u32 s1, $0x11  }
0xba: {  	s0 =	sor.u32 s1, s0  }
0xbb: {  	s0 =	sadd.s32 $0x8F2B, s0  }
0xbc: {  	[sflag:s0] =	ssyncadd.remote.s32 $0x1  }
0xbd: {  	_ =	sfence.sel $0xFFFF  }
0xbe: {  	[dreg:$0x0] =	wrdreg $0xFFFFFFFF;
	(pc) =	sbr.abs _section_cstart, $3  }
0xbf: {  	[dreg:$0x1] =	wrdreg $0xFFFFFFFF  }
0xc0: {  	_ =	task.clear_ibuf [dreg:s6], $0x2FFFF;
	_ =	strace $0x9FFFFFFF  }
0xc1: {  	(tm) =	ssettm $0x7FFFFFFF  }
tec
execute0_lowered:
.L_overlay_start_1:
0x0: {  	(tag) =	ssettag $0x1  }
0x1: {  	s0 =	srdreg.scid;
	s5 =	rddreg [dreg:$0x0]  }
0x2: {  	s1 =	stileid.u32;
	s6 =	simm.s32 $0x1;
	s9 =	simm.s32 $0x1  }
0x3: {  	s10 =	simm.s32 $0x3;
	s13 =	simm.s32 $0x0;
	s2 =	sshll.u32 s0, $0x6  }
0x4: {  	s12 =	simm.s32 $0x0;
	s3 =	sshll.u32 s1, $0x7;
	s2 =	sand.u32 $0x40, s2  }
0x5: {  	s0 =	rddreg [dreg:$0x1];
	_ =	strace $0x8000004D;
	s2 =	sor.u32 s3, s2  }
0x6: {  	s4 =	sadd.s32 $0x400, s5;
	[sflag:s6] =	ssyncpa.u1 $0x0;
	s8 =	ssub.s32 $0x1000, s2  }
.Ltmp0:
0x7: {  	s3 =	sadd.s32 $0x800, s5;
	s7 =	sand.u32 $0x7C0, s8;
	(pc) =	sbr.rel .LBB2_1-.Ltmp0, $4  }
0x8: {  	s5 =	sadd.s32 $0xC00, s5;
	s11 =	smov.u32 s2;
	p0 =	sne.s32 s7, $0x0  }
0x9: {  	s8 =	sshrl.u32 s8, $0xB;
	s7 =	simm.s32 $0x2;
	s9 =	simm.s32 @!p0 $0x0  }
0xa: {  	[sflag:s7] =	ssyncpa.u1 $0x0;
	p0 =	por $0x0, $0x0;
	s8 =	sadd.s32 s9, s8  }
0xb: {  	vm0 =	vmmov $0xffff;
	[sflag:s10] =	ssyncpa.u1 $0x0;
	s10 =	simm.s32 $0x0;
	s9 =	sadd.s32 $0x1, s8  }
.LBB2_4:
0xc: {  	v2 =	vnsel vm1, $0x0, v2  }
0xd: {  	vm1 =	vgt.s32 v0, $0x0;
	v2 =	vmin.u32 v2, $0xFFF  }
0xe: {  	v0 =	vnsel vm1, $0x0, v0  }
0xf: {  	v0 =	vmin.u32 v0, $0xFFF  }
0x10: {  	[tilespmem:s15], [sflag:$0x1] =	stream.indirect_vreg.gather [hbm4b:s3+s10], $0x1, v1, vm0, $0x4038;
	[tilespmem:$0x100] =	vst v63  }
0x11: {  	(ifvalue) =	ssetifvalue $0x7FFFFFFF  }
0x12: {  	[tilespmem:s16], [sflag:$0x1] =	stream.indirect_vreg.gather [hbm4b:s3+s10], $0x1, v2, vm0, $0x4038;
	[tilespmem:$0x100] =	vst v63  }
0x13: {  	s29 =	sadd.s32 $0x10, s16;
	(ifvalue) =	ssetifvalue $0x7FFFFFFF  }
0x14: {  	[tilespmem:s29], [sflag:$0x1] =	stream.indirect_vreg.gather [hbm4b:s3+s10], $0x1, v0, vm0, $0x4038;
	[tilespmem:$0x100] =	vst v63  }
0x15: {  	_ =	swait.ge [sflag:s6], $0x40  }
0x16: {  	s30 =	sshrl.u32 s13, $0x3;
	[sflag:s6] =	ssyncset.done $0x0  }
0x17: {  	s31 =	sand.u32 $0x7, s13;
	s15 =	sadd.s32 s5, s30;
	[sflag:s6] =	ssyncadd.s32 $0xFFFFFFC0  }
0x18: {  	[hbm4b:s15+s31] =	stream.linear.scatter [tilespmem:s14], [sflag:$0x3], $0x40, $0x38;
	[tilespmem:$0x100] =	vst v63  }
.LBB2_5:
0x19: {  	s15 =	sadd.s32 $0x800, s11  }
0x1a: {  	p2 =	sgt.s32 s15, $0xFFF  }
0x1b: {  	s15 =	smov.u32 @p2 s2;
	p2 =	sne.s32 s12, s9  }
.Ltmp1:
0x1c: {  	p1 =	slt.u32 s12, $0x2;
	(pc) =	sbr.rel @!p2 .LBB2_6-.Ltmp1, $4  }
0x1d: {  	s14 =	simm.s32 @!p1 $0x3  }
0x1e: {  	s16 =	sadd.s32 $0x1, s12;
	_ =	swait.ge @!p1 [sflag:s14], $0x40  }
0x1f: {  	s13 =	smov.u32 s11;
	p0 =	por !p0, !p0;
	[sflag:s14] =	ssyncset.done @!p1 $0x0  }
0x20: {  	s12 =	smov.u32 s16;
	s11 =	smov.u32 s15;
	[sflag:s14] =	ssyncadd.s32 @!p1 $0xFFFFFFC0  }
.LBB2_1:
0x21: {  	p1 =	sge.u32 s12, s8  }
0x22: {  	s14 =	sxor.u32 @!p1 $0xFFFFFFFF, s12  }
0x23: {  	s31 =	sadd.s32 $0xFFFFFFFF, s12;
	s15 =	sshrl.u32 @!p1 s11, $0x3;
	s14 =	sshll.u32 @!p1 s14, $0x6  }
0x24: {  	s16 =	sand.u32 @!p1 $0x7, s11;
	s15 =	sadd.s32 @!p1 s4, s15;
	s14 =	sand.u32 @!p1 $0x40, s14  }
0x25: {  	[tilespmem:s14], [sflag:$0x2] =	stream.linear.gather @!p1 [hbm4b:s15+s16], $0x40, $0x38;
	[tilespmem:$0x100] =	vst v63  }
0x26: {  	p1 =	sge.u32 s31, s8  }
.Ltmp2:
0x27: {  	_ = 	snop;
	(pc) =	sbr.rel @p1 .LBB2_5-.Ltmp2, $1  }
0x28: {  	_ =	sdelay $0x3  }
0x29: {  	s14 =	simm.s32 $0x1  }
0x2a: {  	_ =	swait.ge [sflag:s7], $0x40;
	s14 =	simm.s32 @!p0 $0x0  }
0x2b: {  	[sflag:s7] =	ssyncset.done $0x0;
	s14 =	sshll.u32 s14, $0x6  }
0x2c: {  	[sflag:s7] =	ssyncadd.s32 $0xFFFFFFC0;
	(ifvalue) =	ssetifvalue $0x7FFFFFFF;
	v0 =	vld.msk [tilespmem:s14+$0x0 ss:$0x1], $0xffff;
	_ =	sdelay $0x4  }
0x2d: {  	s15 =	sadd.s32 $0x10, s14;
	vm1 =	vgt.s32 v0, $0x0  }
0x2e: {  	v2 =	vld.msk [tilespmem:s15+$0x0 ss:$0x1], $0xffff;
	v1 =	vnsel vm1, $0x0, v0  }
0x2f: {  	v1 =	vmin.u32 v1, $0xFFF;
	_ =	sdelay $0x1  }
0x30: {  	s16 =	sshll.u32 s12, $0x6;
	s18 =	simm.s32 $0x20  }
0x31: {  	s16 =	sand.u32 $0x40, s16;
	s17 =	sadd.s32 $0x10, s15;
	s15 =	sor.u32 $0x80, s14  }
0x32: {  	s14 =	sor.u32 $0x80, s16;
	s16 =	sadd.s32 $0x10, s15;
	v0 =	vld.msk [tilespmem:s17+$0x0 ss:$0x1], $0xffff;
	vm1 =	vgt.s32 v2, $0x0;
	(ifvalue) =	ssetifvalue $0x7FFFFFFF  }
.LBB2_3:
0x33: {  	[tilespmem:s15], [sflag:$0x1] =	stream.indirect_vreg.gather [hbm4b:s3+s10], $0x1, v1, vm0, $0x4038;
	[tilespmem:$0x100] =	vst v63  }
0x34: {  	s18 =	sadd.s32 $0x10, s18  }
0x35: {  	v2 =	vnsel vm1, $0x0, v2;
	p1 =	slt.u32 s18, $0x30  }
.Ltmp3:
0x36: {  	s15 =	smov.u32 s16;
	v1 =	vmin.u32 v2, $0xFFF;
	(pc) =	sbr.rel @p1 .LBB2_3-.Ltmp3, $3  }
0x37: {  	_ =	sdelay $0x1  }
0x38: {  	s17 =	sadd.s32 $0x10, s17  }
0x39: {  	vm1 =	vgt.s32 v0, $0x0;
	s16 =	sadd.s32 $0x10, s16;
	v2 =	vmov v0;
	(ifvalue) =	ssetifvalue $0x7FFFFFFF;
	v0 =	vld.msk [tilespmem:s17+$0x0 ss:$0x1], $0xffff  }
.Ltmp4:
0x3a: {  	_ = 	snop;
	(pc) =	sbr.rel .LBB2_4-.Ltmp4, $1  }
0x3b: {  	_ =	sdelay $0x3  }
.LBB2_6:
0x3c: {  	_ =	sfence.sel $0x180000  }
0x3d: {  	s2 =	simm.s32 $0x2;
	[bflag:$0x0] =	sbarrier.arrive $0xFFFF  }
0x3e: {  	s30 =	simm.s32 $0x3;
	[sflag:s2] =	ssyncpa.u1 $0x1  }
0x3f: {  	s31 =	simm.s32 $0x1;
	[sflag:s30] =	ssyncpa.u1 $0x1  }
0x40: {  	[sflag:s31] =	ssyncpa.u1 $0x1  }
0x41: {  	p0 =	sne.s32 s1, $0x0;
	_ =	strace $0x9000004D  }
0x42: {  	s0 =	sadd.s32 @!p0 $0x100000, s0;
	[bflag:$0x2] =	sbarrier.arrive $0xFFFF  }
0x43: {  	[sflag:s0] =	ssyncadd.tile.s32 @!p0 $0x1;
	_ =	shalt  }
.Lfunc_end2:
_tile_overlayer_lowered:
.L_overlay_start_2:
0x44: {  	(tag) =	ssettag $0x2  }
0x45: {  	s0 =	rddreg [dreg:$0x0];
	s2 =	stileid.u32  }
0x46: {  	s1 =	rddreg [dreg:$0x1];
	p0 =	sne.s32 s2, $0x0  }
0x47: {  	s3 =	rddreg [dreg:$0x2];
	[bflag:$0x3] =	sbarrier.arrive $0xFFFF;
	s2 =	simm.s32 @!p0 $0x1C01  }
0x48: {  	[timem:s3], [sflag:s2] =	dma.local @!p0 [hbm:s0], s1  }
0x49: {  	s0 =	simm.s32 @!p0 $0x1  }
0x4a: {  	_ =	swait.ge @!p0 [sflag:s0], s1  }
0x4b: {  	s1 =	ssub.s32 @!p0 $0x0, s1;
	[sflag:s0] =	ssyncset.done @!p0 $0x0  }
0x4c: {  	[sflag:s0] =	ssyncadd.s32 @!p0 s1  }
0x4d: {  	[bflag:$0x3] =	sbarrier.arrive $0xFFFF  }
0x4e: {  	_ =	shalt  }

// kernel: gather_offload_async_start
scs
__scs_entry_jumppad:
0x0: {  	(pc) =	sbr.rel $0x88, $3  }
0x1: {  	(tag) =	ssettag $0x0;
	lr =	simm.s32 $0x1  }
0x2: {  	[smem:$0x3F98] =	sst lr;
	_ =	strace $0xD0000000  }
0x3: {  	_ = 	snop  }
0x4: {  	_ = 	snop  }
0x5: {  	_ = 	snop  }
0x6: {  	_ = 	snop  }
0x7: {  	_ = 	snop  }
__scs_overlays_trampoline_lowered:
0x8: {  	[smem:$0x3FA7] =	sst s0  }
0x9: {  	[smem:$0x3FA8] =	sst s1  }
0xa: {  	[smem:$0x3FA9] =	sst s2  }
0xb: {  	[smem:$0x3FAA] =	sst s3  }
0xc: {  	[smem:$0x3FAB] =	sst s4  }
0xd: {  	[smem:$0x3FAC] =	sst s5  }
0xe: {  	[smem:$0x3FAD] =	sst s6  }
0xf: {  	[smem:$0x3FAE] =	sst s7  }
0x10: {  	[smem:$0x3FAF] =	sst s8  }
0x11: {  	[smem:$0x3FB0] =	sst s9;
	s0 =	simm.s32 @!p0 $0x0  }
0x12: {  	s1 =	sld [smem:$0x3F96];
	s0 =	simm.s32 @p0 $0x1  }
0x13: {  	[smem:$0x3FB1] =	sst s0;
	s0 =	simm.s32 @!p1 $0x0  }
0x14: {  	s2 =	sld [smem:$0x3F95];
	s0 =	simm.s32 @p1 $0x1  }
0x15: {  	[smem:$0x3FB2] =	sst s0;
	s0 =	simm.s32 @!p2 $0x0  }
0x16: {  	s3 =	sld [smem:$0x3FDB];
	s0 =	simm.s32 @p2 $0x1  }
0x17: {  	s4 =	simm.s32 $0x1BF5;
	[smem:$0x3FB4] =	sst s0  }
0x18: {  	s0 =	sld [smem:$0x3F97];
	_ =	swait.ge [sflag:s4], $0x0  }
0x19: {  	s7 =	sld [smem:$0x3F98]  }
0x1a: {  	s8 =	sadd.s32 $0xFFFFE003, lr  }
0x1b: {  	s9 =	sadd.s32 $0xFFFFFEF7, lr;
	s5 =	simm.s32 $0xFFFFFFFF;
	p2 =	slt.u32 s8, $0xFFFFF086  }
0x1c: {  	p1 =	slt.u32 s9, $0xF7A;
	s5 =	simm.s32 @!p2 $0x0  }
0x1d: {  	s5 =	simm.s32 @p1 $0x1;
	p0 =	seq.s32 s7, s2  }
0x1e: {  	s7 =	smul.u32 @!p0 $0xF7A, s2;
	p2 =	seq.s32 @!p0 s5, $0x0  }
0x1f: {  	s9 =	smul.u32 $0xF7A, s1;
	s8 =	simm.s32 @!p0 $0x1BF5;
	p2 =	por !p2, p0  }
0x20: {  	[sflag:s8] =	ssyncset.s32 @!p0 $0xFFFFF086;
	s6 =	sadd.s32 @!p0 s3, s7;
	s7 =	simm.s32 @!p0 $0x108  }
0x21: {  	s3 =	sadd.s32 s3, s9;
	s6 =	sadd.s32 @!p0 $0x88, s6;
	s7 =	simm.s32 @p2 $0x1082  }
0x22: {  	[simem:s7], [sflag:s8] =	dma.local @!p0 [hbm:s6], $0xF7A  }
0x23: {  	s9 =	sor.u32 $0xD0000000, s2;
	s6 =	simm.s32 $0x108;
	_ =	swait.ge @!p0 [sflag:s8], $0x0  }
0x24: {  	s3 =	sadd.s32 $0x88, s3;
	s6 =	simm.s32 @!p1 $0x1082;
	[sflag:s4] =	ssyncset.s32 $0xFFFFF086  }
0x25: {  	[simem:s6], [sflag:s4] =	dma.local [hbm:s3], $0xF7A  }
0x26: {  	[smem:$0x3F98] =	sst s1;
	(tag) =	ssettag s2;
	_ =	strace s9  }
0x27: {  	s1 =	sld [smem:$0x3FA8]  }
0x28: {  	s2 =	sld [smem:$0x3FA9]  }
0x29: {  	s4 =	sld [smem:$0x3FAB]  }
0x2a: {  	p0 =	seq.s32 s5, $0x0;
	s5 =	sld [smem:$0x3FAC]  }
0x2b: {  	s6 =	sld [smem:$0x3FAD]  }
0x2c: {  	s7 =	sld [smem:$0x3FAE]  }
0x2d: {  	s3 =	simm.s32 $0x108;
	s8 =	sld [smem:$0x3FAF]  }
0x2e: {  	s3 =	simm.s32 @!p0 $0x1082;
	s9 =	sld [smem:$0x3FB0]  }
0x2f: {  	lr =	sadd.s32 s0, s3;
	s0 =	sld [smem:$0x3FA7]  }
0x30: {  	s3 =	sld [smem:$0x3FAA]  }
0x31: {  	[smem:$0x3FB3] =	sst s10  }
0x32: {  	s10 =	sld [smem:$0x3FB1];
	_ =	sdelay $0x3  }
0x33: {  	p0 =	seq.s32 s10, $0x1;
	s10 =	sld [smem:$0x3FB3];
	_ =	sdelay $0x3  }
0x34: {  	[smem:$0x3FB3] =	sst s10  }
0x35: {  	s10 =	sld [smem:$0x3FB2];
	_ =	sdelay $0x3  }
0x36: {  	p1 =	seq.s32 s10, $0x1;
	s10 =	sld [smem:$0x3FB3];
	_ =	sdelay $0x3  }
0x37: {  	[smem:$0x3FB3] =	sst s10  }
0x38: {  	s10 =	sld [smem:$0x3FB4]  }
0x39: {  	_ = 	snop;
	(pc) =	sbr.ind lr, $3  }
0x3a: {  	_ = 	snop  }
0x3b: {  	_ = 	snop  }
0x3c: {  	p2 =	seq.s32 s10, $0x1;
	s10 =	sld [smem:$0x3FB3]  }
0x3d: {  	_ =	shalt  }
0x3e: {  	_ =	shalt  }
0x3f: {  	_ =	shalt  }
0x40: {  	_ =	shalt  }
0x41: {  	_ =	shalt  }
0x42: {  	_ =	shalt  }
0x43: {  	_ =	shalt  }
0x44: {  	_ =	shalt  }
0x45: {  	_ =	shalt  }
0x46: {  	_ =	shalt  }
0x47: {  	_ =	shalt  }
0x48: {  	_ =	shalt  }
0x49: {  	_ =	shalt  }
0x4a: {  	_ =	shalt  }
0x4b: {  	_ =	shalt  }
0x4c: {  	_ =	shalt  }
0x4d: {  	_ =	shalt  }
0x4e: {  	_ =	shalt  }
0x4f: {  	_ =	shalt  }
0x50: {  	_ =	shalt  }
0x51: {  	_ =	shalt  }
0x52: {  	_ =	shalt  }
0x53: {  	_ =	shalt  }
0x54: {  	_ =	shalt  }
0x55: {  	_ =	shalt  }
0x56: {  	_ =	shalt  }
0x57: {  	_ =	shalt  }
0x58: {  	_ =	shalt  }
0x59: {  	_ =	shalt  }
0x5a: {  	_ =	shalt  }
0x5b: {  	_ =	shalt  }
0x5c: {  	_ =	shalt  }
0x5d: {  	_ =	shalt  }
0x5e: {  	_ =	shalt  }
0x5f: {  	_ =	shalt  }
0x60: {  	_ =	shalt  }
0x61: {  	_ =	shalt  }
0x62: {  	_ =	shalt  }
0x63: {  	_ =	shalt  }
0x64: {  	_ =	shalt  }
0x65: {  	_ =	shalt  }
0x66: {  	_ =	shalt  }
0x67: {  	_ =	shalt  }
0x68: {  	_ =	shalt  }
0x69: {  	_ =	shalt  }
0x6a: {  	_ =	shalt  }
0x6b: {  	_ =	shalt  }
0x6c: {  	_ =	shalt  }
0x6d: {  	_ =	shalt  }
0x6e: {  	_ =	shalt  }
0x6f: {  	_ =	shalt  }
0x70: {  	_ =	shalt  }
0x71: {  	_ =	shalt  }
0x72: {  	_ =	shalt  }
0x73: {  	_ =	shalt  }
0x74: {  	_ =	shalt  }
0x75: {  	_ =	shalt  }
0x76: {  	_ =	shalt  }
0x77: {  	_ =	shalt  }
0x78: {  	_ =	shalt  }
0x79: {  	_ =	shalt  }
0x7a: {  	_ =	shalt  }
0x7b: {  	_ =	shalt  }
0x7c: {  	_ =	shalt  }
0x7d: {  	_ =	shalt  }
0x7e: {  	_ =	shalt  }
0x7f: {  	_ =	shalt  }
0x80: {  	_ =	shalt  }
0x81: {  	_ =	shalt  }
0x82: {  	_ =	shalt  }
0x83: {  	_ =	shalt  }
0x84: {  	_ =	shalt  }
0x85: {  	_ =	shalt  }
0x86: {  	_ =	shalt  }
0x87: {  	_ =	shalt  }
.Lfunc_end0:
.L_simem_size_0:
called_computation.1_lowered:
.L_overlay_start_0:
0x88: {  	s2 =	sld [smem:$0x3FD9]  }
0x89: {  	s3 =	sld [smem:$0x3FFE];
	_ =	sdelay $0x1  }
0x8a: {  	s1 =	srdreg.scid  }
0x8b: {  	s0 =	sand.u32 $0x1, s1  }
0x8c: {  	s14 =	sshll.u32 s0, $0xA;
	s2 =	sadd.s32 s3, s2  }
0x8d: {  	s2 =	sadd.s32 s2, s14  }
0x8e: {  	[smem:$0x3FBF] =	sst s2  }
0x8f: {  	_ = 	snop  }
0x90: {  	s2 =	sld [smem:$0x3FD0];
	_ =	sdelay $0x2  }
0x91: {  	s15 =	simm.s32 $0xB;
	s4 =	simm.s32 $0x10  }
0x92: {  	[smem:s4], [sflag:s15] =	dma.local [hbm:s2], $0x1  }
0x93: {  	_ =	swait.eq [sflag:s15], $0x1  }
0x94: {  	[sflag:s15] =	ssyncset.done $0x0  }
0x95: {  	[sflag:s15] =	ssyncadd.s32 $0xFFFFFFFF  }
0x96: {  	s16 =	sld [smem:$0x10];
	(tm) =	ssettm $0x1  }
0x97: {  	s17 =	sld [smem:$0x3FFB];
	_ =	sdelay $0x3  }
0x98: {  	_ =	strace s17  }
0x99: {  	s3 =	sld [smem:$0x3FFC];
	_ =	sdelay $0x3  }
0x9a: {  	_ =	strace s3  }
0x9b: {  	s3 =	sld [smem:$0x3FFD];
	_ =	sdelay $0x3  }
0x9c: {  	_ =	strace s3  }
0x9d: {  	_ =	strace $0x8FFFFFFF  }
0x9e: {  	s18 =	sld [smem:$0x3FDB];
	_ =	sdelay $0x1  }
0x9f: {  	s19 =	simm.s32 $_scs_section_size  }
0xa0: {  	s5 =	simm.s32 $_size__tile_overlayer_lowered;
	s6 =	simm.s32 $_tile_overlayer_lowered  }
0xa1: {  	s22 =	simm.s32 $0x1BFF;
	s21 =	sshll.u32 s6, $0x1;
	s3 =	sadd.s32 s19, s18  }
0xa2: {  	s7 =	simm.s32 $0x0;
	s20 =	sshll.u32 s5, $0x1;
	s5 =	sadd.s32 s21, s3  }
0xa3: {  	[timem:s7], [sflag:s22] =	dma.local [hbm:s5], s20  }
0xa4: {  	_ =	swait.ge [sflag:s22], s20  }
0xa5: {  	s4 =	ssub.s32 $0x0, s20;
	[sflag:s22] =	ssyncset.done $0x0  }
0xa6: {  	[sflag:s22] =	ssyncadd.s32 s4;
	_ =	sdelay $0x1  }
0xa7: {  	s23 =	simm.s32 $0x1B8B  }
0xa8: {  	_ =	swait.ge [sflag:s23], $0x1  }
0xa9: {  	[sflag:s23] =	ssyncset.done $0x0  }
0xaa: {  	s25 =	simm.s32 $0x1B8E;
	s24 =	sld [smem:$0x3FFE];
	[sflag:s23] =	ssyncadd.s32 $0xFFFFFFFF  }
0xab: {  	s26 =	simm.s32 $execute0_lowered;
	[smem:$0x3FD2] =	sst s25  }
0xac: {  	s5 =	sshll.u32 s26, $0x1;
	_ =	strace $0x80000046;
	[dreg:$0x1] =	wrdreg $0xFFFFFFFF  }
0xad: {  	s28 =	simm.s32 $_size_execute0_lowered;
	s3 =	sadd.s32 s3, s5;
	[dreg:$0x0] =	wrdreg $0x0  }
0xae: {  	s5 =	sshll.u32 s28, $0x1;
	[dreg:$0x2] =	wrdreg s3  }
0xaf: {  	[dreg:$0x3] =	wrdreg s5  }
0xb0: {  	[dreg:$0x4] =	wrdreg $0xC0  }
0xb1: {  	_ =	task [dreg:s7], $0x5FFFF  }
0xb2: {  	[dreg:$0x1] =	wrdreg $0xFFFFFFFF  }
0xb3: {  	[dreg:$0x0] =	wrdreg $0x60  }
0xb4: {  	[dreg:$0x2] =	wrdreg s16  }
0xb5: {  	[dreg:$0x3] =	wrdreg s24  }
0xb6: {  	[dreg:$0x4] =	wrdreg $0x9  }
0xb7: {  	_ =	task.clear_ibuf [dreg:s7], $0x5FFFF;
	_ =	strace $0x90000046  }
0xb8: {  	s29 =	simm.s32 $0x9;
	_ =	strace $0x80000048  }
0xb9: {  	_ =	swait.ge [sflag:s29], $0x1  }
0xba: {  	[sflag:s29] =	ssyncadd.s32 $0xFFFFFFFF  }
0xbb: {  	_ =	strace $0x90000048  }
0xbc: {  	_ =	sfence  }
0xbd: {  	s30 =	sld [smem:$0x0];
	_ =	sdelay $0x2  }
0xbe: {  	s31 =	sshll.u32 s1, $0xD;
	s1 =	sshrl.u32 s1, $0x2  }
0xbf: {  	s3 =	sand.u32 $0x4000, s31;
	s1 =	sadd.s32 s1, s30  }
0xc0: {  	s0 =	sor.u32 s3, s0;
	s1 =	sshll.u32 s1, $0x11  }
0xc1: {  	s0 =	sor.u32 s1, s0  }
0xc2: {  	s0 =	sadd.s32 $0x8F2B, s0  }
0xc3: {  	[sflag:s0] =	ssyncadd.remote.s32 $0x1  }
0xc4: {  	_ =	sfence.sel $0xFFFF  }
0xc5: {  	[dreg:$0x0] =	wrdreg $0xFFFFFFFF;
	(pc) =	sbr.abs _section_cstart, $3  }
0xc6: {  	[dreg:$0x1] =	wrdreg $0xFFFFFFFF  }
0xc7: {  	_ =	task.clear_ibuf [dreg:s7], $0x2FFFF;
	_ =	strace $0x9FFFFFFF  }
0xc8: {  	(tm) =	ssettm $0x7FFFFFFF  }
0xc9: {  	_ =	shalt  }
tec
execute0_lowered:
.L_overlay_start_1:
0x0: {  	(tag) =	ssettag $0x1  }
0x1: {  	s1 =	srdreg.scid;
	s2 =	rddreg [dreg:$0x0]  }
0x2: {  	s0 =	stileid.u32;
	s5 =	rddreg [dreg:$0x1];
	s6 =	simm.s32 $0x1  }
0x3: {  	s9 =	simm.s32 $0x1;
	s10 =	simm.s32 $0x3;
	s1 =	sshll.u32 s1, $0x6  }
0x4: {  	s13 =	simm.s32 $0x0;
	s3 =	sshll.u32 s0, $0x7;
	s4 =	sand.u32 $0x40, s1  }
0x5: {  	s12 =	simm.s32 $0x0;
	s1 =	rddreg [dreg:$0x2];
	s3 =	sor.u32 s3, s4  }
0x6: {  	_ =	strace $0x80000047;
	s4 =	sadd.s32 $0x400, s5;
	s8 =	ssub.s32 $0x1000, s3  }
.Ltmp0:
0x7: {  	s5 =	sadd.s32 $0x600, s5;
	s7 =	sand.u32 $0x7C0, s8;
	(pc) =	sbr.rel .LBB2_1-.Ltmp0, $4  }
0x8: {  	[sflag:s6] =	ssyncpa.u1 $0x0;
	s11 =	smov.u32 s3;
	p0 =	sne.s32 s7, $0x0  }
0x9: {  	s8 =	sshrl.u32 s8, $0xB;
	s7 =	simm.s32 $0x2;
	s9 =	simm.s32 @!p0 $0x0  }
0xa: {  	[sflag:s7] =	ssyncpa.u1 $0x0;
	p0 =	por $0x0, $0x0;
	s8 =	sadd.s32 s9, s8  }
0xb: {  	vm0 =	vmmov $0xffff;
	[sflag:s10] =	ssyncpa.u1 $0x0;
	s10 =	simm.s32 $0x0;
	s9 =	sadd.s32 $0x1, s8  }
.LBB2_4:
0xc: {  	v2 =	vnsel vm1, $0x0, v2  }
0xd: {  	vm1 =	vgt.s32 v0, $0x0;
	v2 =	vmin.u32 v2, $0xFFF  }
0xe: {  	v0 =	vnsel vm1, $0x0, v0  }
0xf: {  	v0 =	vmin.u32 v0, $0xFFF  }
0x10: {  	[tilespmem:s15], [sflag:$0x1] =	stream.indirect_vreg.gather [hbm4b:s2+s10], $0x1, v1, vm0, $0x4038;
	[tilespmem:$0x100] =	vst v63  }
0x11: {  	(ifvalue) =	ssetifvalue $0x7FFFFFFF  }
0x12: {  	[tilespmem:s16], [sflag:$0x1] =	stream.indirect_vreg.gather [hbm4b:s2+s10], $0x1, v2, vm0, $0x4038;
	[tilespmem:$0x100] =	vst v63  }
0x13: {  	s29 =	sadd.s32 $0x10, s16;
	(ifvalue) =	ssetifvalue $0x7FFFFFFF  }
0x14: {  	[tilespmem:s29], [sflag:$0x1] =	stream.indirect_vreg.gather [hbm4b:s2+s10], $0x1, v0, vm0, $0x4038;
	[tilespmem:$0x100] =	vst v63  }
0x15: {  	_ =	swait.ge [sflag:s6], $0x40  }
0x16: {  	s30 =	sshrl.u32 s13, $0x3;
	[sflag:s6] =	ssyncset.done $0x0  }
0x17: {  	s31 =	sand.u32 $0x7, s13;
	s15 =	sadd.s32 s5, s30;
	[sflag:s6] =	ssyncadd.s32 $0xFFFFFFC0  }
0x18: {  	[hbm4b:s15+s31] =	stream.linear.scatter [tilespmem:s14], [sflag:$0x3], $0x40, $0x38;
	[tilespmem:$0x100] =	vst v63  }
.LBB2_5:
0x19: {  	s15 =	sadd.s32 $0x800, s11  }
0x1a: {  	p2 =	sgt.s32 s15, $0xFFF  }
0x1b: {  	s15 =	smov.u32 @p2 s3;
	p2 =	sne.s32 s12, s9  }
.Ltmp1:
0x1c: {  	p1 =	slt.u32 s12, $0x2;
	(pc) =	sbr.rel @!p2 .LBB2_6-.Ltmp1, $4  }
0x1d: {  	s14 =	simm.s32 @!p1 $0x3  }
0x1e: {  	s16 =	sadd.s32 $0x1, s12;
	_ =	swait.ge @!p1 [sflag:s14], $0x40  }
0x1f: {  	s13 =	smov.u32 s11;
	p0 =	por !p0, !p0;
	[sflag:s14] =	ssyncset.done @!p1 $0x0  }
0x20: {  	s12 =	smov.u32 s16;
	s11 =	smov.u32 s15;
	[sflag:s14] =	ssyncadd.s32 @!p1 $0xFFFFFFC0  }
.LBB2_1:
0x21: {  	p1 =	sge.u32 s12, s8  }
0x22: {  	s14 =	sxor.u32 @!p1 $0xFFFFFFFF, s12  }
0x23: {  	s31 =	sadd.s32 $0xFFFFFFFF, s12;
	s15 =	sshrl.u32 @!p1 s11, $0x3;
	s14 =	sshll.u32 @!p1 s14, $0x6  }
0x24: {  	s16 =	sand.u32 @!p1 $0x7, s11;
	s15 =	sadd.s32 @!p1 s4, s15;
	s14 =	sand.u32 @!p1 $0x40, s14  }
0x25: {  	[tilespmem:s14], [sflag:$0x2] =	stream.linear.gather @!p1 [hbm4b:s15+s16], $0x40, $0x38;
	[tilespmem:$0x100] =	vst v63  }
0x26: {  	p1 =	sge.u32 s31, s8  }
.Ltmp2:
0x27: {  	_ = 	snop;
	(pc) =	sbr.rel @p1 .LBB2_5-.Ltmp2, $1  }
0x28: {  	_ =	sdelay $0x3  }
0x29: {  	s14 =	simm.s32 $0x1  }
0x2a: {  	_ =	swait.ge [sflag:s7], $0x40;
	s14 =	simm.s32 @!p0 $0x0  }
0x2b: {  	[sflag:s7] =	ssyncset.done $0x0;
	s14 =	sshll.u32 s14, $0x6  }
0x2c: {  	[sflag:s7] =	ssyncadd.s32 $0xFFFFFFC0;
	(ifvalue) =	ssetifvalue $0x7FFFFFFF;
	v0 =	vld.msk [tilespmem:s14+$0x0 ss:$0x1], $0xffff;
	_ =	sdelay $0x4  }
0x2d: {  	s15 =	sadd.s32 $0x10, s14;
	vm1 =	vgt.s32 v0, $0x0  }
0x2e: {  	v2 =	vld.msk [tilespmem:s15+$0x0 ss:$0x1], $0xffff;
	v1 =	vnsel vm1, $0x0, v0  }
0x2f: {  	v1 =	vmin.u32 v1, $0xFFF;
	_ =	sdelay $0x1  }
0x30: {  	s16 =	sshll.u32 s12, $0x6;
	s18 =	simm.s32 $0x20  }
0x31: {  	s16 =	sand.u32 $0x40, s16;
	s17 =	sadd.s32 $0x10, s15;
	s15 =	sor.u32 $0x80, s14  }
0x32: {  	s14 =	sor.u32 $0x80, s16;
	s16 =	sadd.s32 $0x10, s15;
	v0 =	vld.msk [tilespmem:s17+$0x0 ss:$0x1], $0xffff;
	vm1 =	vgt.s32 v2, $0x0;
	(ifvalue) =	ssetifvalue $0x7FFFFFFF  }
.LBB2_3:
0x33: {  	[tilespmem:s15], [sflag:$0x1] =	stream.indirect_vreg.gather [hbm4b:s2+s10], $0x1, v1, vm0, $0x4038;
	[tilespmem:$0x100] =	vst v63  }
0x34: {  	s18 =	sadd.s32 $0x10, s18  }
0x35: {  	v2 =	vnsel vm1, $0x0, v2;
	p1 =	slt.u32 s18, $0x30  }
.Ltmp3:
0x36: {  	s15 =	smov.u32 s16;
	v1 =	vmin.u32 v2, $0xFFF;
	(pc) =	sbr.rel @p1 .LBB2_3-.Ltmp3, $3  }
0x37: {  	_ =	sdelay $0x1  }
0x38: {  	s17 =	sadd.s32 $0x10, s17  }
0x39: {  	vm1 =	vgt.s32 v0, $0x0;
	s16 =	sadd.s32 $0x10, s16;
	v2 =	vmov v0;
	(ifvalue) =	ssetifvalue $0x7FFFFFFF;
	v0 =	vld.msk [tilespmem:s17+$0x0 ss:$0x1], $0xffff  }
.Ltmp4:
0x3a: {  	_ = 	snop;
	(pc) =	sbr.rel .LBB2_4-.Ltmp4, $1  }
0x3b: {  	_ =	sdelay $0x3  }
.LBB2_6:
0x3c: {  	_ =	sfence.sel $0x180000  }
0x3d: {  	s2 =	simm.s32 $0x2;
	[bflag:$0x0] =	sbarrier.arrive $0xFFFF  }
0x3e: {  	s30 =	simm.s32 $0x3;
	[sflag:s2] =	ssyncpa.u1 $0x1  }
0x3f: {  	s31 =	simm.s32 $0x1;
	[sflag:s30] =	ssyncpa.u1 $0x1  }
0x40: {  	[sflag:s31] =	ssyncpa.u1 $0x1  }
0x41: {  	p0 =	sne.s32 s0, $0x0;
	_ =	strace $0x90000047  }
0x42: {  	s0 =	sadd.s32 @!p0 $0x100000, s1;
	[bflag:$0x2] =	sbarrier.arrive $0xFFFF  }
0x43: {  	[sflag:s0] =	ssyncadd.tile.s32 @!p0 $0x1;
	_ =	shalt  }
.Lfunc_end2:
_tile_overlayer_lowered:
.L_overlay_start_2:
0x44: {  	(tag) =	ssettag $0x2  }
0x45: {  	s0 =	rddreg [dreg:$0x0];
	s2 =	stileid.u32  }
0x46: {  	s1 =	rddreg [dreg:$0x1];
	p0 =	sne.s32 s2, $0x0  }
0x47: {  	s3 =	rddreg [dreg:$0x2];
	[bflag:$0x3] =	sbarrier.arrive $0xFFFF;
	s2 =	simm.s32 @!p0 $0x1C01  }
0x48: {  	[timem:s3], [sflag:s2] =	dma.local @!p0 [hbm:s0], s1  }
0x49: {  	s0 =	simm.s32 @!p0 $0x1  }
0x4a: {  	_ =	swait.ge @!p0 [sflag:s0], s1  }
0x4b: {  	s1 =	ssub.s32 @!p0 $0x0, s1;
	[sflag:s0] =	ssyncset.done @!p0 $0x0  }
0x4c: {  	[sflag:s0] =	ssyncadd.s32 @!p0 s1  }
0x4d: {  	[bflag:$0x3] =	sbarrier.arrive $0xFFFF  }
0x4e: {  	_ =	shalt  }

// kernel: kernel.6.cloned.1.call-start
scs
__scs_entry_jumppad:
0x0: {  	(pc) =	sbr.rel $0x88, $3  }
0x1: {  	(tag) =	ssettag $0x0;
	lr =	simm.s32 $0x1  }
0x2: {  	[smem:$0x3F98] =	sst lr;
	_ =	strace $0xD0000000  }
0x3: {  	_ = 	snop  }
0x4: {  	_ = 	snop  }
0x5: {  	_ = 	snop  }
0x6: {  	_ = 	snop  }
0x7: {  	_ = 	snop  }
__scs_overlays_trampoline_lowered:
0x8: {  	[smem:$0x3FA7] =	sst s0  }
0x9: {  	[smem:$0x3FA8] =	sst s1  }
0xa: {  	[smem:$0x3FA9] =	sst s2  }
0xb: {  	[smem:$0x3FAA] =	sst s3  }
0xc: {  	[smem:$0x3FAB] =	sst s4  }
0xd: {  	[smem:$0x3FAC] =	sst s5  }
0xe: {  	[smem:$0x3FAD] =	sst s6  }
0xf: {  	[smem:$0x3FAE] =	sst s7  }
0x10: {  	[smem:$0x3FAF] =	sst s8  }
0x11: {  	[smem:$0x3FB0] =	sst s9;
	s0 =	simm.s32 @!p0 $0x0  }
0x12: {  	s1 =	sld [smem:$0x3F96];
	s0 =	simm.s32 @p0 $0x1  }
0x13: {  	[smem:$0x3FB1] =	sst s0;
	s0 =	simm.s32 @!p1 $0x0  }
0x14: {  	s2 =	sld [smem:$0x3F95];
	s0 =	simm.s32 @p1 $0x1  }
0x15: {  	[smem:$0x3FB2] =	sst s0;
	s0 =	simm.s32 @!p2 $0x0  }
0x16: {  	s3 =	sld [smem:$0x3FDB];
	s0 =	simm.s32 @p2 $0x1  }
0x17: {  	s4 =	simm.s32 $0x1BF5;
	[smem:$0x3FB4] =	sst s0  }
0x18: {  	s0 =	sld [smem:$0x3F97];
	_ =	swait.ge [sflag:s4], $0x0  }
0x19: {  	s7 =	sld [smem:$0x3F98]  }
0x1a: {  	s8 =	sadd.s32 $0xFFFFE003, lr  }
0x1b: {  	s9 =	sadd.s32 $0xFFFFFEF7, lr;
	s5 =	simm.s32 $0xFFFFFFFF;
	p2 =	slt.u32 s8, $0xFFFFF086  }
0x1c: {  	p1 =	slt.u32 s9, $0xF7A;
	s5 =	simm.s32 @!p2 $0x0  }
0x1d: {  	s5 =	simm.s32 @p1 $0x1;
	p0 =	seq.s32 s7, s2  }
0x1e: {  	s7 =	smul.u32 @!p0 $0xF7A, s2;
	p2 =	seq.s32 @!p0 s5, $0x0  }
0x1f: {  	s9 =	smul.u32 $0xF7A, s1;
	s8 =	simm.s32 @!p0 $0x1BF5;
	p2 =	por !p2, p0  }
0x20: {  	[sflag:s8] =	ssyncset.s32 @!p0 $0xFFFFF086;
	s6 =	sadd.s32 @!p0 s3, s7;
	s7 =	simm.s32 @!p0 $0x108  }
0x21: {  	s3 =	sadd.s32 s3, s9;
	s6 =	sadd.s32 @!p0 $0x88, s6;
	s7 =	simm.s32 @p2 $0x1082  }
0x22: {  	[simem:s7], [sflag:s8] =	dma.local @!p0 [hbm:s6], $0xF7A  }
0x23: {  	s9 =	sor.u32 $0xD0000000, s2;
	s6 =	simm.s32 $0x108;
	_ =	swait.ge @!p0 [sflag:s8], $0x0  }
0x24: {  	s3 =	sadd.s32 $0x88, s3;
	s6 =	simm.s32 @!p1 $0x1082;
	[sflag:s4] =	ssyncset.s32 $0xFFFFF086  }
0x25: {  	[simem:s6], [sflag:s4] =	dma.local [hbm:s3], $0xF7A  }
0x26: {  	[smem:$0x3F98] =	sst s1;
	(tag) =	ssettag s2;
	_ =	strace s9  }
0x27: {  	s1 =	sld [smem:$0x3FA8]  }
0x28: {  	s2 =	sld [smem:$0x3FA9]  }
0x29: {  	s4 =	sld [smem:$0x3FAB]  }
0x2a: {  	p0 =	seq.s32 s5, $0x0;
	s5 =	sld [smem:$0x3FAC]  }
0x2b: {  	s6 =	sld [smem:$0x3FAD]  }
0x2c: {  	s7 =	sld [smem:$0x3FAE]  }
0x2d: {  	s3 =	simm.s32 $0x108;
	s8 =	sld [smem:$0x3FAF]  }
0x2e: {  	s3 =	simm.s32 @!p0 $0x1082;
	s9 =	sld [smem:$0x3FB0]  }
0x2f: {  	lr =	sadd.s32 s0, s3;
	s0 =	sld [smem:$0x3FA7]  }
0x30: {  	s3 =	sld [smem:$0x3FAA]  }
0x31: {  	[smem:$0x3FB3] =	sst s10  }
0x32: {  	s10 =	sld [smem:$0x3FB1];
	_ =	sdelay $0x3  }
0x33: {  	p0 =	seq.s32 s10, $0x1;
	s10 =	sld [smem:$0x3FB3];
	_ =	sdelay $0x3  }
0x34: {  	[smem:$0x3FB3] =	sst s10  }
0x35: {  	s10 =	sld [smem:$0x3FB2];
	_ =	sdelay $0x3  }
0x36: {  	p1 =	seq.s32 s10, $0x1;
	s10 =	sld [smem:$0x3FB3];
	_ =	sdelay $0x3  }
0x37: {  	[smem:$0x3FB3] =	sst s10  }
0x38: {  	s10 =	sld [smem:$0x3FB4]  }
0x39: {  	_ = 	snop;
	(pc) =	sbr.ind lr, $3  }
0x3a: {  	_ = 	snop  }
0x3b: {  	_ = 	snop  }
0x3c: {  	p2 =	seq.s32 s10, $0x1;
	s10 =	sld [smem:$0x3FB3]  }
0x3d: {  	_ =	shalt  }
0x3e: {  	_ =	shalt  }
0x3f: {  	_ =	shalt  }
0x40: {  	_ =	shalt  }
0x41: {  	_ =	shalt  }
0x42: {  	_ =	shalt  }
0x43: {  	_ =	shalt  }
0x44: {  	_ =	shalt  }
0x45: {  	_ =	shalt  }
0x46: {  	_ =	shalt  }
0x47: {  	_ =	shalt  }
0x48: {  	_ =	shalt  }
0x49: {  	_ =	shalt  }
0x4a: {  	_ =	shalt  }
0x4b: {  	_ =	shalt  }
0x4c: {  	_ =	shalt  }
0x4d: {  	_ =	shalt  }
0x4e: {  	_ =	shalt  }
0x4f: {  	_ =	shalt  }
0x50: {  	_ =	shalt  }
0x51: {  	_ =	shalt  }
0x52: {  	_ =	shalt  }
0x53: {  	_ =	shalt  }
0x54: {  	_ =	shalt  }
0x55: {  	_ =	shalt  }
0x56: {  	_ =	shalt  }
0x57: {  	_ =	shalt  }
0x58: {  	_ =	shalt  }
0x59: {  	_ =	shalt  }
0x5a: {  	_ =	shalt  }
0x5b: {  	_ =	shalt  }
0x5c: {  	_ =	shalt  }
0x5d: {  	_ =	shalt  }
0x5e: {  	_ =	shalt  }
0x5f: {  	_ =	shalt  }
0x60: {  	_ =	shalt  }
0x61: {  	_ =	shalt  }
0x62: {  	_ =	shalt  }
0x63: {  	_ =	shalt  }
0x64: {  	_ =	shalt  }
0x65: {  	_ =	shalt  }
0x66: {  	_ =	shalt  }
0x67: {  	_ =	shalt  }
0x68: {  	_ =	shalt  }
0x69: {  	_ =	shalt  }
0x6a: {  	_ =	shalt  }
0x6b: {  	_ =	shalt  }
0x6c: {  	_ =	shalt  }
0x6d: {  	_ =	shalt  }
0x6e: {  	_ =	shalt  }
0x6f: {  	_ =	shalt  }
0x70: {  	_ =	shalt  }
0x71: {  	_ =	shalt  }
0x72: {  	_ =	shalt  }
0x73: {  	_ =	shalt  }
0x74: {  	_ =	shalt  }
0x75: {  	_ =	shalt  }
0x76: {  	_ =	shalt  }
0x77: {  	_ =	shalt  }
0x78: {  	_ =	shalt  }
0x79: {  	_ =	shalt  }
0x7a: {  	_ =	shalt  }
0x7b: {  	_ =	shalt  }
0x7c: {  	_ =	shalt  }
0x7d: {  	_ =	shalt  }
0x7e: {  	_ =	shalt  }
0x7f: {  	_ =	shalt  }
0x80: {  	_ =	shalt  }
0x81: {  	_ =	shalt  }
0x82: {  	_ =	shalt  }
0x83: {  	_ =	shalt  }
0x84: {  	_ =	shalt  }
0x85: {  	_ =	shalt  }
0x86: {  	_ =	shalt  }
0x87: {  	_ =	shalt  }
.Lfunc_end0:
.L_simem_size_0:
called_computation.3_lowered:
.L_overlay_start_0:
0x88: {  	s2 =	sld [smem:$0x3FD9]  }
0x89: {  	s3 =	sld [smem:$0x3FFE];
	_ =	sdelay $0x1  }
0x8a: {  	s1 =	srdreg.scid  }
0x8b: {  	s0 =	sand.u32 $0x1, s1  }
0x8c: {  	s15 =	sshll.u32 s0, $0xA;
	s2 =	sadd.s32 s3, s2  }
0x8d: {  	s2 =	sadd.s32 s2, s15  }
0x8e: {  	[smem:$0x3FBF] =	sst s2  }
0x8f: {  	_ = 	snop  }
0x90: {  	s16 =	sld [smem:$0x3FD0];
	_ =	sdelay $0x2  }
0x91: {  	s4 =	simm.s32 $0xB;
	s5 =	simm.s32 $0x10;
	s2 =	sld [smem:$0x3FC9]  }
0x92: {  	[smem:s5], [sflag:s4] =	dma.local [hbm:s16], $0x1  }
0x93: {  	_ =	swait.eq [sflag:s4], $0x1  }
0x94: {  	[sflag:s4] =	ssyncset.done $0x0  }
0x95: {  	[sflag:s4] =	ssyncadd.s32 $0xFFFFFFFF  }
0x96: {  	s17 =	sld [smem:$0x10];
	(tm) =	ssettm $0x1  }
0x97: {  	s18 =	sld [smem:$0x3FFB];
	_ =	sdelay $0x3  }
0x98: {  	_ =	strace s18  }
0x99: {  	s3 =	sld [smem:$0x3FFC];
	_ =	sdelay $0x3  }
0x9a: {  	_ =	strace s3  }
0x9b: {  	s3 =	sld [smem:$0x3FFD];
	_ =	sdelay $0x3  }
0x9c: {  	_ =	strace s3  }
0x9d: {  	_ =	strace $0x8FFFFFFF  }
0x9e: {  	s19 =	sld [smem:$0x3FDB];
	_ =	sdelay $0x1  }
0x9f: {  	s20 =	simm.s32 $_scs_section_size  }
0xa0: {  	s6 =	simm.s32 $_size__tile_overlayer_lowered;
	s7 =	simm.s32 $_tile_overlayer_lowered  }
0xa1: {  	s8 =	simm.s32 $0x1BFF;
	s21 =	sshll.u32 s7, $0x1;
	s5 =	sadd.s32 s20, s19  }
0xa2: {  	s22 =	simm.s32 $0x0;
	s6 =	sshll.u32 s6, $0x1;
	s7 =	sadd.s32 s21, s5  }
0xa3: {  	[timem:s22], [sflag:s8] =	dma.local [hbm:s7], s6  }
0xa4: {  	_ =	swait.ge [sflag:s8], s6  }
0xa5: {  	s6 =	ssub.s32 $0x0, s6;
	[sflag:s8] =	ssyncset.done $0x0  }
0xa6: {  	[sflag:s8] =	ssyncadd.s32 s6;
	_ =	sdelay $0x1  }
0xa7: {  	s23 =	simm.s32 $0x1B8B  }
0xa8: {  	_ =	swait.ge [sflag:s23], $0x1  }
0xa9: {  	[sflag:s23] =	ssyncset.done $0x0  }
0xaa: {  	[sflag:s23] =	ssyncadd.s32 $0xFFFFFFFF  }
0xab: {  	s6 =	sld [smem:$0x0]  }
0xac: {  	s7 =	sand.u32 $0xFFFFFFFE, s1  }
0xad: {  	p0 =	sne.s32 s1, s7  }
0xae: {  	s7 =	sshll.u32 @p0 s7, $0xE  }
0xaf: {  	s7 =	sadd.s32 @p0 $0x11B8D, s7;
	s8 =	sshll.u32 @p0 s6, $0x11  }
0xb0: {  	s7 =	sor.u32 @p0 s8, s7  }
0xb1: {  	[sflag:s7] =	ssyncadd.remote.s32 @p0 $0x1;
	_ =	sdelay $0x1  }
0xb2: {  	s7 =	simm.s32 @p0 $0x1B8D  }
0xb3: {  	_ =	swait.eq @p0 [sflag:s7], $0x1  }
0xb4: {  	[sflag:s7] =	ssyncadd.s32 @p0 $0xFFFFFFFF  }
0xb5: {  	s8 =	sshll.u32 @!p0 s1, $0xE  }
0xb6: {  	s8 =	sor.u32 @!p0 $0x4000, s8;
	s7 =	simm.s32 @!p0 $0x1B8D  }
0xb7: {  	s6 =	sshll.u32 @!p0 s6, $0x11;
	s8 =	sadd.s32 @!p0 $0x11B8D, s8;
	_ =	swait.eq @!p0 [sflag:s7], $0x1  }
0xb8: {  	s6 =	sor.u32 @!p0 s6, s8;
	[sflag:s7] =	ssyncadd.s32 @!p0 $0xFFFFFFFF  }
0xb9: {  	s25 =	simm.s32 $0x1B8E;
	s24 =	sld [smem:$0x3FFE];
	[sflag:s6] =	ssyncadd.remote.s32 @!p0 $0x1  }
0xba: {  	s26 =	simm.s32 $execute0_lowered;
	[smem:$0x3FD2] =	sst s25  }
0xbb: {  	s7 =	sshll.u32 s26, $0x1;
	_ =	strace $0x8000004F;
	[dreg:$0x1] =	wrdreg $0xFFFFFFFF  }
0xbc: {  	s28 =	simm.s32 $_size_execute0_lowered;
	s5 =	sadd.s32 s5, s7;
	[dreg:$0x0] =	wrdreg $0x0  }
0xbd: {  	s7 =	sshll.u32 s28, $0x1;
	[dreg:$0x2] =	wrdreg s5  }
0xbe: {  	[dreg:$0x3] =	wrdreg s7  }
0xbf: {  	[dreg:$0x4] =	wrdreg $0xC0  }
0xc0: {  	_ =	task [dreg:s22], $0x5FFFF  }
0xc1: {  	[dreg:$0x1] =	wrdreg $0xFFFFFFFF  }
0xc2: {  	[dreg:$0x0] =	wrdreg $0x60  }
0xc3: {  	[dreg:$0x2] =	wrdreg s2  }
0xc4: {  	[dreg:$0x3] =	wrdreg s17  }
0xc5: {  	[dreg:$0x4] =	wrdreg s24  }
0xc6: {  	[dreg:$0x5] =	wrdreg $0xA  }
0xc7: {  	_ =	task.clear_ibuf [dreg:s22], $0x6FFFF;
	_ =	strace $0x9000004F  }
0xc8: {  	s29 =	simm.s32 $0xA;
	_ =	strace $0x80000051  }
0xc9: {  	_ =	swait.ge [sflag:s29], $0x1  }
0xca: {  	[sflag:s29] =	ssyncadd.s32 $0xFFFFFFFF  }
0xcb: {  	_ =	strace $0x90000051  }
0xcc: {  	_ =	sfence  }
0xcd: {  	s30 =	sld [smem:$0x0];
	_ =	sdelay $0x2  }
0xce: {  	s31 =	sshll.u32 s1, $0xD;
	s1 =	sshrl.u32 s1, $0x2  }
0xcf: {  	s4 =	sand.u32 $0x4000, s31;
	s1 =	sadd.s32 s1, s30  }
0xd0: {  	s0 =	sor.u32 s4, s0;
	s1 =	sshll.u32 s1, $0x11  }
0xd1: {  	s0 =	sor.u32 s1, s0  }
0xd2: {  	s0 =	sadd.s32 $0x8F2B, s0  }
0xd3: {  	[sflag:s0] =	ssyncadd.remote.s32 $0x1  }
0xd4: {  	_ =	sfence.sel $0xFFFF  }
0xd5: {  	[dreg:$0x0] =	wrdreg $0xFFFFFFFF;
	(pc) =	sbr.abs _section_cstart, $3  }
0xd6: {  	[dreg:$0x1] =	wrdreg $0xFFFFFFFF  }
0xd7: {  	_ =	task.clear_ibuf [dreg:s22], $0x2FFFF;
	_ =	strace $0x9FFFFFFF  }
0xd8: {  	(tm) =	ssettm $0x7FFFFFFF  }
0xd9: {  	_ =	shalt  }
tec
execute0_lowered:
.L_overlay_start_1:
0x0: {  	(tag) =	ssettag $0x1  }
0x1: {  	s1 =	rddreg [dreg:$0x0];
	s0 =	srdreg.scid  }
0x2: {  	s2 =	rddreg [dreg:$0x1];
	s3 =	stileid.u32  }
0x3: {  	s4 =	rddreg [dreg:$0x2];
	s31 =	simm.s32 $0x3;
	s9 =	simm.s32 $0x11900  }
0x4: {  	s10 =	simm.s32 $0x12100;
	s11 =	simm.s32 $0x12900;
	s12 =	simm.s32 $0x13100  }
0x5: {  	s13 =	simm.s32 $0x13900;
	s14 =	simm.s32 $0x14100;
	s15 =	simm.s32 $0x14900  }
0x6: {  	s16 =	simm.s32 $0x15100;
	s17 =	simm.s32 $0x15900;
	s0 =	sand.u32 $0x1, s0  }
0x7: {  	s28 =	simm.s32 $0x16900;
	s5 =	sshll.u32 s3, $0x9;
	s6 =	sshll.u32 s0, $0x8  }
0x8: {  	s29 =	simm.s32 $0x17100;
	s30 =	simm.s32 $0x17900;
	s5 =	sor.u32 s6, s5  }
0x9: {  	s3 =	simm.s32 $0x0;
	s6 =	sshll.u32 s5, $0x7;
	s5 =	sshrl.u32 s5, $0x3  }
0xa: {  	[smem:$0x7FF] =	sst s3;
	s7 =	sadd.s32 s6, s4;
	s2 =	sadd.s32 s2, s5  }
0xb: {  	_ =	strace $0x80000050;
	[dreg:$0x4] =	wrdreg s2;
	s18 =	sadd.s32 $0x8600, s7  }
0xc: {  	s0 =	ssub.s32 $0x2, s0;
	s19 =	sadd.s32 $0x9600, s7;
	[dreg:$0x5] =	wrdreg s18  }
0xd: {  	s21 =	sshrl.u32 s0, $0x1;
	s20 =	sadd.s32 $0xA600, s7;
	[dreg:$0x6] =	wrdreg s19  }
0xe: {  	s0 =	ssub.s32 s0, s21;
	s22 =	sadd.s32 $0xB600, s7;
	[dreg:$0x7] =	wrdreg s20  }
0xf: {  	s21 =	simm.s32 $0x5;
	s23 =	sadd.s32 $0xC600, s7;
	[dreg:$0x8] =	wrdreg s22  }
0x10: {  	s4 =	sadd.s32 $0x100, s1;
	s24 =	sadd.s32 $0xD600, s7;
	[dreg:$0x9] =	wrdreg s23  }
0x11: {  	s5 =	sadd.s32 $0x200, s1;
	s25 =	sadd.s32 $0xE600, s7;
	[dreg:$0xa] =	wrdreg s24  }
0x12: {  	s6 =	sadd.s32 $0x300, s1;
	s26 =	sadd.s32 $0xF600, s7;
	[dreg:$0xb] =	wrdreg s25  }
0x13: {  	v2 =	vlaneseq.u32;
	s7 =	smax.u32 s0, $0x1;
	[dreg:$0xc] =	wrdreg s26;
	s18 =	simm.s32 $0x1  }
0x14: {  	vm0 =	vmmov $0xffff;
	v1 =	vshrl.u32 v2, $0x3;
	s19 =	simm.s32 $0x4;
	s20 =	simm.s32 $0x2;
	s23 =	simm.s32 $0x6  }
0x15: {  	v0 =	vand.u32 $0x7, v2;
	v2 =	vor.u32 $0x8, v2;
	v1 =	vmul.u32 $0x8, v1;
	s25 =	simm.s32 $0x100;
	s22 =	simm.s32 $0x10900;
	s26 =	simm.s32 $0x16100  }
.LBB2_1:
0x16: {  	s24 =	rddreg [dreg:$0x4];
	s8 =	simm.s32 $0x7  }
0x17: {  	[tilespmem:s3], [sflag:$0x7] =	stream.linear.gather [hbm4b:s24+s3], $0x100, $0x38;
	[tilespmem:$0x18100] =	vst v63  }
0x18: {  	_ =	swait.ge [sflag:s8], $0x100  }
0x19: {  	[sflag:s8] =	ssyncset.done $0x0  }
0x1a: {  	[sflag:s8] =	ssyncadd.s32 $0xFFFFFF00  }
0x1b: {  	v3 =	vld [tilespmem:$0x0];
	_ =	sdelay $0x4  }
0x1c: {  	v4 =	vshll.u32 v3, $0x3  }
0x1d: {  	v3 =	vand.u32 $0x7, v3;
	v4 =	vand.u32 $0xFFFFFFC0, v4  }
0x1e: {  	v3 =	vor.u32 v3, v4  }
0x1f: {  	v4 =	vperm.xlane v3, v0;
	_ =	sdelay $0x1  }
0x20: {  	v4 =	vadd.s32 v1, v4;
	_ =	sdelay $0x4  }
0x21: {  	[tilespmem:s25], [sflag:$0x1] =	stream.indirect_vreg.gather [hbm4b:s1+s3], $0x80, v4, vm0, $0xb8;
	[tilespmem:$0x18100] =	vst v63  }
0x22: {  	s0 =	simm.s32 $0x900;
	v3 =	vperm.xlane v3, v2  }
0x23: {  	[tilespmem:s0], [sflag:$0x1] =	stream.indirect_vreg.gather [hbm4b:s4+s3], $0x80, v4, vm0, $0xb8;
	[tilespmem:$0x18100] =	vst v63  }
0x24: {  	s24 =	simm.s32 $0x1100;
	v3 =	vadd.s32 v1, v3  }
0x25: {  	[tilespmem:s24], [sflag:$0x1] =	stream.indirect_vreg.gather [hbm4b:s5+s3], $0x80, v4, vm0, $0xb8;
	[tilespmem:$0x18100] =	vst v63  }
0x26: {  	s2 =	simm.s32 $0x1900  }
0x27: {  	[tilespmem:s2], [sflag:$0x1] =	stream.indirect_vreg.gather [hbm4b:s6+s3], $0x80, v4, vm0, $0xb8;
	[tilespmem:$0x18100] =	vst v63  }
0x28: {  	s8 =	simm.s32 $0x2100  }
0x29: {  	[tilespmem:s8], [sflag:$0x1] =	stream.indirect_vreg.gather [hbm4b:s1+s3], $0x80, v3, vm0, $0xb8;
	[tilespmem:$0x18100] =	vst v63  }
0x2a: {  	s24 =	simm.s32 $0x2900  }
0x2b: {  	[tilespmem:s24], [sflag:$0x1] =	stream.indirect_vreg.gather [hbm4b:s4+s3], $0x80, v3, vm0, $0xb8;
	[tilespmem:$0x18100] =	vst v63  }
0x2c: {  	s2 =	simm.s32 $0x3100  }
0x2d: {  	[tilespmem:s2], [sflag:$0x1] =	stream.indirect_vreg.gather [hbm4b:s5+s3], $0x80, v3, vm0, $0xb8;
	[tilespmem:$0x18100] =	vst v63  }
0x2e: {  	s8 =	simm.s32 $0x3900  }
0x2f: {  	[tilespmem:s8], [sflag:$0x1] =	stream.indirect_vreg.gather [hbm4b:s6+s3], $0x80, v3, vm0, $0xb8;
	[tilespmem:$0x18100] =	vst v63  }
0x30: {  	v3 =	vld [tilespmem:$0x10];
	_ =	sdelay $0x4  }
0x31: {  	v49 =	vshll.u32 v3, $0x3  }
0x32: {  	v3 =	vand.u32 $0x7, v3;
	v4 =	vand.u32 $0xFFFFFFC0, v49  }
0x33: {  	v3 =	vor.u32 v3, v4  }
0x34: {  	v4 =	vperm.xlane v3, v0;
	_ =	sdelay $0x1  }
0x35: {  	v4 =	vadd.s32 v1, v4;
	_ =	sdelay $0x3  }
0x36: {  	s24 =	simm.s32 $0x4100  }
0x37: {  	[tilespmem:s24], [sflag:$0x1] =	stream.indirect_vreg.gather [hbm4b:s1+s3], $0x80, v4, vm0, $0xb8;
	[tilespmem:$0x18100] =	vst v63  }
0x38: {  	s2 =	simm.s32 $0x4900;
	v3 =	vperm.xlane v3, v2  }
0x39: {  	[tilespmem:s2], [sflag:$0x1] =	stream.indirect_vreg.gather [hbm4b:s4+s3], $0x80, v4, vm0, $0xb8;
	[tilespmem:$0x18100] =	vst v63  }
0x3a: {  	s8 =	simm.s32 $0x5100;
	v3 =	vadd.s32 v1, v3  }
0x3b: {  	[tilespmem:s8], [sflag:$0x1] =	stream.indirect_vreg.gather [hbm4b:s5+s3], $0x80, v4, vm0, $0xb8;
	[tilespmem:$0x18100] =	vst v63  }
0x3c: {  	s24 =	simm.s32 $0x5900  }
0x3d: {  	[tilespmem:s24], [sflag:$0x1] =	stream.indirect_vreg.gather [hbm4b:s6+s3], $0x80, v4, vm0, $0xb8;
	[tilespmem:$0x18100] =	vst v63  }
0x3e: {  	s2 =	simm.s32 $0x6100  }
0x3f: {  	[tilespmem:s2], [sflag:$0x1] =	stream.indirect_vreg.gather [hbm4b:s1+s3], $0x80, v3, vm0, $0xb8;
	[tilespmem:$0x18100] =	vst v63  }
0x40: {  	s8 =	simm.s32 $0x6900  }
0x41: {  	[tilespmem:s8], [sflag:$0x1] =	stream.indirect_vreg.gather [hbm4b:s4+s3], $0x80, v3, vm0, $0xb8;
	[tilespmem:$0x18100] =	vst v63  }
0x42: {  	s24 =	simm.s32 $0x7100  }
0x43: {  	[tilespmem:s24], [sflag:$0x1] =	stream.indirect_vreg.gather [hbm4b:s5+s3], $0x80, v3, vm0, $0xb8;
	[tilespmem:$0x18100] =	vst v63  }
0x44: {  	s2 =	simm.s32 $0x7900  }
0x45: {  	[tilespmem:s2], [sflag:$0x1] =	stream.indirect_vreg.gather [hbm4b:s6+s3], $0x80, v3, vm0, $0xb8;
	[tilespmem:$0x18100] =	vst v63  }
0x46: {  	v3 =	vld [tilespmem:$0x20];
	_ =	sdelay $0x4  }
0x47: {  	v50 =	vshll.u32 v3, $0x3  }
0x48: {  	v3 =	vand.u32 $0x7, v3;
	v4 =	vand.u32 $0xFFFFFFC0, v50  }
0x49: {  	v3 =	vor.u32 v3, v4  }
0x4a: {  	v4 =	vperm.xlane v3, v0;
	_ =	sdelay $0x1  }
0x4b: {  	v4 =	vadd.s32 v1, v4;
	_ =	sdelay $0x3  }
0x4c: {  	s0 =	simm.s32 $0x8100  }
0x4d: {  	[tilespmem:s0], [sflag:$0x2] =	stream.indirect_vreg.gather [hbm4b:s1+s3], $0x80, v4, vm0, $0xb8;
	[tilespmem:$0x18100] =	vst v63  }
0x4e: {  	s2 =	simm.s32 $0x8900;
	v3 =	vperm.xlane v3, v2  }
0x4f: {  	[tilespmem:s2], [sflag:$0x2] =	stream.indirect_vreg.gather [hbm4b:s4+s3], $0x80, v4, vm0, $0xb8;
	[tilespmem:$0x18100] =	vst v63  }
0x50: {  	s8 =	simm.s32 $0x9100;
	v3 =	vadd.s32 v1, v3  }
0x51: {  	[tilespmem:s8], [sflag:$0x2] =	stream.indirect_vreg.gather [hbm4b:s5+s3], $0x80, v4, vm0, $0xb8;
	[tilespmem:$0x18100] =	vst v63  }
0x52: {  	s24 =	simm.s32 $0x9900  }
0x53: {  	[tilespmem:s24], [sflag:$0x2] =	stream.indirect_vreg.gather [hbm4b:s6+s3], $0x80, v4, vm0, $0xb8;
	[tilespmem:$0x18100] =	vst v63  }
0x54: {  	s8 =	simm.s32 $0xA100  }
0x55: {  	[tilespmem:s8], [sflag:$0x2] =	stream.indirect_vreg.gather [hbm4b:s1+s3], $0x80, v3, vm0, $0xb8;
	[tilespmem:$0x18100] =	vst v63  }
0x56: {  	s24 =	simm.s32 $0xA900  }
0x57: {  	[tilespmem:s24], [sflag:$0x2] =	stream.indirect_vreg.gather [hbm4b:s4+s3], $0x80, v3, vm0, $0xb8;
	[tilespmem:$0x18100] =	vst v63  }
0x58: {  	s8 =	simm.s32 $0xB100  }
0x59: {  	[tilespmem:s8], [sflag:$0x2] =	stream.indirect_vreg.gather [hbm4b:s5+s3], $0x80, v3, vm0, $0xb8;
	[tilespmem:$0x18100] =	vst v63  }
0x5a: {  	s24 =	simm.s32 $0xB900  }
0x5b: {  	[tilespmem:s24], [sflag:$0x2] =	stream.indirect_vreg.gather [hbm4b:s6+s3], $0x80, v3, vm0, $0xb8;
	[tilespmem:$0x18100] =	vst v63  }
0x5c: {  	v3 =	vld [tilespmem:$0x30];
	_ =	sdelay $0x4  }
0x5d: {  	v51 =	vshll.u32 v3, $0x3  }
0x5e: {  	v3 =	vand.u32 $0x7, v3;
	v4 =	vand.u32 $0xFFFFFFC0, v51  }
0x5f: {  	v3 =	vor.u32 v3, v4  }
0x60: {  	v4 =	vperm.xlane v3, v0;
	_ =	sdelay $0x1  }
0x61: {  	v4 =	vadd.s32 v1, v4;
	_ =	sdelay $0x3  }
0x62: {  	s8 =	simm.s32 $0xC100  }
0x63: {  	[tilespmem:s8], [sflag:$0x2] =	stream.indirect_vreg.gather [hbm4b:s1+s3], $0x80, v4, vm0, $0xb8;
	[tilespmem:$0x18100] =	vst v63  }
0x64: {  	s24 =	simm.s32 $0xC900;
	v3 =	vperm.xlane v3, v2  }
0x65: {  	[tilespmem:s24], [sflag:$0x2] =	stream.indirect_vreg.gather [hbm4b:s4+s3], $0x80, v4, vm0, $0xb8;
	[tilespmem:$0x18100] =	vst v63  }
0x66: {  	v3 =	vadd.s32 v1, v3;
	s8 =	simm.s32 $0xD100  }
0x67: {  	[tilespmem:s8], [sflag:$0x2] =	stream.indirect_vreg.gather [hbm4b:s5+s3], $0x80, v4, vm0, $0xb8;
	[tilespmem:$0x18100] =	vst v63  }
0x68: {  	s24 =	simm.s32 $0xD900  }
0x69: {  	[tilespmem:s24], [sflag:$0x2] =	stream.indirect_vreg.gather [hbm4b:s6+s3], $0x80, v4, vm0, $0xb8;
	[tilespmem:$0x18100] =	vst v63  }
0x6a: {  	s8 =	simm.s32 $0xE100  }
0x6b: {  	[tilespmem:s8], [sflag:$0x2] =	stream.indirect_vreg.gather [hbm4b:s1+s3], $0x80, v3, vm0, $0xb8;
	[tilespmem:$0x18100] =	vst v63  }
0x6c: {  	s24 =	simm.s32 $0xE900  }
0x6d: {  	[tilespmem:s24], [sflag:$0x2] =	stream.indirect_vreg.gather [hbm4b:s4+s3], $0x80, v3, vm0, $0xb8;
	[tilespmem:$0x18100] =	vst v63  }
0x6e: {  	s8 =	simm.s32 $0xF100  }
0x6f: {  	[tilespmem:s8], [sflag:$0x2] =	stream.indirect_vreg.gather [hbm4b:s5+s3], $0x80, v3, vm0, $0xb8;
	[tilespmem:$0x18100] =	vst v63  }
0x70: {  	s24 =	simm.s32 $0xF900  }
0x71: {  	[tilespmem:s24], [sflag:$0x2] =	stream.indirect_vreg.gather [hbm4b:s6+s3], $0x80, v3, vm0, $0xb8;
	[tilespmem:$0x18100] =	vst v63  }
0x72: {  	v3 =	vld [tilespmem:$0x40];
	_ =	sdelay $0x4  }
0x73: {  	v52 =	vshll.u32 v3, $0x3  }
0x74: {  	v3 =	vand.u32 $0x7, v3;
	v4 =	vand.u32 $0xFFFFFFC0, v52  }
0x75: {  	v3 =	vor.u32 v3, v4  }
0x76: {  	v4 =	vperm.xlane v3, v0;
	_ =	sdelay $0x1  }
0x77: {  	v4 =	vadd.s32 v1, v4;
	_ =	sdelay $0x3  }
0x78: {  	s2 =	simm.s32 $0x10100  }
0x79: {  	[tilespmem:s2], [sflag:$0x3] =	stream.indirect_vreg.gather [hbm4b:s1+s3], $0x80, v4, vm0, $0xb8;
	[tilespmem:$0x18100] =	vst v63  }
0x7a: {  	v3 =	vperm.xlane v3, v2  }
0x7b: {  	[tilespmem:s22], [sflag:$0x3] =	stream.indirect_vreg.gather [hbm4b:s4+s3], $0x80, v4, vm0, $0xb8;
	[tilespmem:$0x18100] =	vst v63  }
0x7c: {  	s8 =	simm.s32 $0x11100;
	v3 =	vadd.s32 v1, v3  }
0x7d: {  	[tilespmem:s8], [sflag:$0x3] =	stream.indirect_vreg.gather [hbm4b:s5+s3], $0x80, v4, vm0, $0xb8;
	[tilespmem:$0x18100] =	vst v63  }
0x7e: {  	_ = 	snop  }
0x7f: {  	[tilespmem:s9], [sflag:$0x3] =	stream.indirect_vreg.gather [hbm4b:s6+s3], $0x80, v4, vm0, $0xb8;
	[tilespmem:$0x18100] =	vst v63  }
0x80: {  	_ = 	snop  }
0x81: {  	[tilespmem:s10], [sflag:$0x3] =	stream.indirect_vreg.gather [hbm4b:s1+s3], $0x80, v3, vm0, $0xb8;
	[tilespmem:$0x18100] =	vst v63  }
0x82: {  	_ = 	snop  }
0x83: {  	[tilespmem:s11], [sflag:$0x3] =	stream.indirect_vreg.gather [hbm4b:s4+s3], $0x80, v3, vm0, $0xb8;
	[tilespmem:$0x18100] =	vst v63  }
0x84: {  	_ = 	snop  }
0x85: {  	[tilespmem:s12], [sflag:$0x3] =	stream.indirect_vreg.gather [hbm4b:s5+s3], $0x80, v3, vm0, $0xb8;
	[tilespmem:$0x18100] =	vst v63  }
0x86: {  	_ = 	snop  }
0x87: {  	[tilespmem:s13], [sflag:$0x3] =	stream.indirect_vreg.gather [hbm4b:s6+s3], $0x80, v3, vm0, $0xb8;
	[tilespmem:$0x18100] =	vst v63  }
0x88: {  	v3 =	vld [tilespmem:$0x50];
	_ =	sdelay $0x4  }
0x89: {  	v53 =	vshll.u32 v3, $0x3  }
0x8a: {  	v3 =	vand.u32 $0x7, v3;
	v4 =	vand.u32 $0xFFFFFFC0, v53  }
0x8b: {  	v3 =	vor.u32 v3, v4  }
0x8c: {  	v4 =	vperm.xlane v3, v0;
	_ =	sdelay $0x1  }
0x8d: {  	v4 =	vadd.s32 v1, v4;
	_ =	sdelay $0x4  }
0x8e: {  	[tilespmem:s14], [sflag:$0x3] =	stream.indirect_vreg.gather [hbm4b:s1+s3], $0x80, v4, vm0, $0xb8;
	[tilespmem:$0x18100] =	vst v63  }
0x8f: {  	v3 =	vperm.xlane v3, v2  }
0x90: {  	[tilespmem:s15], [sflag:$0x3] =	stream.indirect_vreg.gather [hbm4b:s4+s3], $0x80, v4, vm0, $0xb8;
	[tilespmem:$0x18100] =	vst v63  }
0x91: {  	v3 =	vadd.s32 v1, v3  }
0x92: {  	[tilespmem:s16], [sflag:$0x3] =	stream.indirect_vreg.gather [hbm4b:s5+s3], $0x80, v4, vm0, $0xb8;
	[tilespmem:$0x18100] =	vst v63  }
0x93: {  	_ = 	snop  }
0x94: {  	[tilespmem:s17], [sflag:$0x3] =	stream.indirect_vreg.gather [hbm4b:s6+s3], $0x80, v4, vm0, $0xb8;
	[tilespmem:$0x18100] =	vst v63  }
0x95: {  	_ = 	snop  }
0x96: {  	[tilespmem:s26], [sflag:$0x3] =	stream.indirect_vreg.gather [hbm4b:s1+s3], $0x80, v3, vm0, $0xb8;
	[tilespmem:$0x18100] =	vst v63  }
0x97: {  	_ = 	snop  }
0x98: {  	[tilespmem:s28], [sflag:$0x3] =	stream.indirect_vreg.gather [hbm4b:s4+s3], $0x80, v3, vm0, $0xb8;
	[tilespmem:$0x18100] =	vst v63  }
0x99: {  	_ = 	snop  }
0x9a: {  	[tilespmem:s29], [sflag:$0x3] =	stream.indirect_vreg.gather [hbm4b:s5+s3], $0x80, v3, vm0, $0xb8;
	[tilespmem:$0x18100] =	vst v63  }
0x9b: {  	_ = 	snop  }
0x9c: {  	[tilespmem:s30], [sflag:$0x3] =	stream.indirect_vreg.gather [hbm4b:s6+s3], $0x80, v3, vm0, $0xb8;
	[tilespmem:$0x18100] =	vst v63  }
0x9d: {  	_ =	swait.ge [sflag:s18], $0x8000  }
0x9e: {  	[sflag:s18] =	ssyncset.done $0x0  }
0x9f: {  	s24 =	rddreg [dreg:$0x5];
	[sflag:s18] =	ssyncadd.s32 $0xFFFF8000  }
0xa0: {  	[hbm4b:s24+s3] =	stream.linear.scatter [tilespmem:s25], [sflag:$0x4], $0x8000, $0x38;
	[tilespmem:$0x18100] =	vst v63  }
0xa1: {  	_ =	swait.ge [sflag:s19], $0x8000  }
0xa2: {  	[sflag:s19] =	ssyncset.done $0x0  }
0xa3: {  	[sflag:s19] =	ssyncadd.s32 $0xFFFF8000  }
0xa4: {  	v3 =	vld [tilespmem:$0x60];
	_ =	sdelay $0x4  }
0xa5: {  	v54 =	vshll.u32 v3, $0x3  }
0xa6: {  	v3 =	vand.u32 $0x7, v3;
	v4 =	vand.u32 $0xFFFFFFC0, v54  }
0xa7: {  	v3 =	vor.u32 v3, v4  }
0xa8: {  	v4 =	vperm.xlane v3, v0;
	_ =	sdelay $0x1  }
0xa9: {  	v4 =	vadd.s32 v1, v4;
	_ =	sdelay $0x4  }
0xaa: {  	[tilespmem:s25], [sflag:$0x1] =	stream.indirect_vreg.gather [hbm4b:s1+s3], $0x80, v4, vm0, $0xb8;
	[tilespmem:$0x18100] =	vst v63  }
0xab: {  	s24 =	simm.s32 $0x900;
	v3 =	vperm.xlane v3, v2  }
0xac: {  	[tilespmem:s24], [sflag:$0x1] =	stream.indirect_vreg.gather [hbm4b:s4+s3], $0x80, v4, vm0, $0xb8;
	[tilespmem:$0x18100] =	vst v63  }
0xad: {  	v3 =	vadd.s32 v1, v3;
	s24 =	simm.s32 $0x1100  }
0xae: {  	[tilespmem:s24], [sflag:$0x1] =	stream.indirect_vreg.gather [hbm4b:s5+s3], $0x80, v4, vm0, $0xb8;
	[tilespmem:$0x18100] =	vst v63  }
0xaf: {  	s24 =	simm.s32 $0x1900  }
0xb0: {  	[tilespmem:s24], [sflag:$0x1] =	stream.indirect_vreg.gather [hbm4b:s6+s3], $0x80, v4, vm0, $0xb8;
	[tilespmem:$0x18100] =	vst v63  }
0xb1: {  	s24 =	simm.s32 $0x2100  }
0xb2: {  	[tilespmem:s24], [sflag:$0x1] =	stream.indirect_vreg.gather [hbm4b:s1+s3], $0x80, v3, vm0, $0xb8;
	[tilespmem:$0x18100] =	vst v63  }
0xb3: {  	s24 =	simm.s32 $0x2900  }
0xb4: {  	[tilespmem:s24], [sflag:$0x1] =	stream.indirect_vreg.gather [hbm4b:s4+s3], $0x80, v3, vm0, $0xb8;
	[tilespmem:$0x18100] =	vst v63  }
0xb5: {  	s24 =	simm.s32 $0x3100  }
0xb6: {  	[tilespmem:s24], [sflag:$0x1] =	stream.indirect_vreg.gather [hbm4b:s5+s3], $0x80, v3, vm0, $0xb8;
	[tilespmem:$0x18100] =	vst v63  }
0xb7: {  	s24 =	simm.s32 $0x3900  }
0xb8: {  	[tilespmem:s24], [sflag:$0x1] =	stream.indirect_vreg.gather [hbm4b:s6+s3], $0x80, v3, vm0, $0xb8;
	[tilespmem:$0x18100] =	vst v63  }
0xb9: {  	v3 =	vld [tilespmem:$0x70];
	_ =	sdelay $0x4  }
0xba: {  	v55 =	vshll.u32 v3, $0x3  }
0xbb: {  	v3 =	vand.u32 $0x7, v3;
	v4 =	vand.u32 $0xFFFFFFC0, v55  }
0xbc: {  	v3 =	vor.u32 v3, v4  }
0xbd: {  	v4 =	vperm.xlane v3, v0;
	_ =	sdelay $0x1  }
0xbe: {  	v4 =	vadd.s32 v1, v4;
	_ =	sdelay $0x3  }
0xbf: {  	s24 =	simm.s32 $0x4100  }
0xc0: {  	[tilespmem:s24], [sflag:$0x1] =	stream.indirect_vreg.gather [hbm4b:s1+s3], $0x80, v4, vm0, $0xb8;
	[tilespmem:$0x18100] =	vst v63  }
0xc1: {  	v3 =	vperm.xlane v3, v2;
	s24 =	simm.s32 $0x4900  }
0xc2: {  	[tilespmem:s24], [sflag:$0x1] =	stream.indirect_vreg.gather [hbm4b:s4+s3], $0x80, v4, vm0, $0xb8;
	[tilespmem:$0x18100] =	vst v63  }
0xc3: {  	v3 =	vadd.s32 v1, v3;
	s24 =	simm.s32 $0x5100  }
0xc4: {  	[tilespmem:s24], [sflag:$0x1] =	stream.indirect_vreg.gather [hbm4b:s5+s3], $0x80, v4, vm0, $0xb8;
	[tilespmem:$0x18100] =	vst v63  }
0xc5: {  	s24 =	simm.s32 $0x5900  }
0xc6: {  	[tilespmem:s24], [sflag:$0x1] =	stream.indirect_vreg.gather [hbm4b:s6+s3], $0x80, v4, vm0, $0xb8;
	[tilespmem:$0x18100] =	vst v63  }
0xc7: {  	s24 =	simm.s32 $0x6100  }
0xc8: {  	[tilespmem:s24], [sflag:$0x1] =	stream.indirect_vreg.gather [hbm4b:s1+s3], $0x80, v3, vm0, $0xb8;
	[tilespmem:$0x18100] =	vst v63  }
0xc9: {  	s24 =	simm.s32 $0x6900  }
0xca: {  	[tilespmem:s24], [sflag:$0x1] =	stream.indirect_vreg.gather [hbm4b:s4+s3], $0x80, v3, vm0, $0xb8;
	[tilespmem:$0x18100] =	vst v63  }
0xcb: {  	s24 =	simm.s32 $0x7100  }
0xcc: {  	[tilespmem:s24], [sflag:$0x1] =	stream.indirect_vreg.gather [hbm4b:s5+s3], $0x80, v3, vm0, $0xb8;
	[tilespmem:$0x18100] =	vst v63  }
0xcd: {  	s24 =	simm.s32 $0x7900  }
0xce: {  	[tilespmem:s24], [sflag:$0x1] =	stream.indirect_vreg.gather [hbm4b:s6+s3], $0x80, v3, vm0, $0xb8;
	[tilespmem:$0x18100] =	vst v63  }
0xcf: {  	_ =	swait.ge [sflag:s20], $0x8000  }
0xd0: {  	[sflag:s20] =	ssyncset.done $0x0  }
0xd1: {  	s24 =	rddreg [dreg:$0x6];
	[sflag:s20] =	ssyncadd.s32 $0xFFFF8000  }
0xd2: {  	[hbm4b:s24+s3] =	stream.linear.scatter [tilespmem:s0], [sflag:$0x5], $0x8000, $0x38;
	[tilespmem:$0x18100] =	vst v63  }
0xd3: {  	_ =	swait.ge [sflag:s21], $0x8000  }
0xd4: {  	[sflag:s21] =	ssyncset.done $0x0  }
0xd5: {  	[sflag:s21] =	ssyncadd.s32 $0xFFFF8000  }
0xd6: {  	v3 =	vld [tilespmem:$0x80];
	_ =	sdelay $0x4  }
0xd7: {  	v56 =	vshll.u32 v3, $0x3  }
0xd8: {  	v3 =	vand.u32 $0x7, v3;
	v4 =	vand.u32 $0xFFFFFFC0, v56  }
0xd9: {  	v3 =	vor.u32 v3, v4  }
0xda: {  	v4 =	vperm.xlane v3, v0;
	_ =	sdelay $0x1  }
0xdb: {  	v4 =	vadd.s32 v1, v4;
	_ =	sdelay $0x4  }
0xdc: {  	[tilespmem:s0], [sflag:$0x2] =	stream.indirect_vreg.gather [hbm4b:s1+s3], $0x80, v4, vm0, $0xb8;
	[tilespmem:$0x18100] =	vst v63  }
0xdd: {  	s24 =	simm.s32 $0x8900;
	v3 =	vperm.xlane v3, v2  }
0xde: {  	[tilespmem:s24], [sflag:$0x2] =	stream.indirect_vreg.gather [hbm4b:s4+s3], $0x80, v4, vm0, $0xb8;
	[tilespmem:$0x18100] =	vst v63  }
0xdf: {  	v3 =	vadd.s32 v1, v3;
	s24 =	simm.s32 $0x9100  }
0xe0: {  	[tilespmem:s24], [sflag:$0x2] =	stream.indirect_vreg.gather [hbm4b:s5+s3], $0x80, v4, vm0, $0xb8;
	[tilespmem:$0x18100] =	vst v63  }
0xe1: {  	s24 =	simm.s32 $0x9900  }
0xe2: {  	[tilespmem:s24], [sflag:$0x2] =	stream.indirect_vreg.gather [hbm4b:s6+s3], $0x80, v4, vm0, $0xb8;
	[tilespmem:$0x18100] =	vst v63  }
0xe3: {  	s24 =	simm.s32 $0xA100  }
0xe4: {  	[tilespmem:s24], [sflag:$0x2] =	stream.indirect_vreg.gather [hbm4b:s1+s3], $0x80, v3, vm0, $0xb8;
	[tilespmem:$0x18100] =	vst v63  }
0xe5: {  	s24 =	simm.s32 $0xA900  }
0xe6: {  	[tilespmem:s24], [sflag:$0x2] =	stream.indirect_vreg.gather [hbm4b:s4+s3], $0x80, v3, vm0, $0xb8;
	[tilespmem:$0x18100] =	vst v63  }
0xe7: {  	s24 =	simm.s32 $0xB100  }
0xe8: {  	[tilespmem:s24], [sflag:$0x2] =	stream.indirect_vreg.gather [hbm4b:s5+s3], $0x80, v3, vm0, $0xb8;
	[tilespmem:$0x18100] =	vst v63  }
0xe9: {  	s24 =	simm.s32 $0xB900  }
0xea: {  	[tilespmem:s24], [sflag:$0x2] =	stream.indirect_vreg.gather [hbm4b:s6+s3], $0x80, v3, vm0, $0xb8;
	[tilespmem:$0x18100] =	vst v63  }
0xeb: {  	v3 =	vld [tilespmem:$0x90];
	_ =	sdelay $0x4  }
0xec: {  	v57 =	vshll.u32 v3, $0x3  }
0xed: {  	v3 =	vand.u32 $0x7, v3;
	v4 =	vand.u32 $0xFFFFFFC0, v57  }
0xee: {  	v3 =	vor.u32 v3, v4  }
0xef: {  	v4 =	vperm.xlane v3, v0;
	_ =	sdelay $0x1  }
0xf0: {  	v4 =	vadd.s32 v1, v4;
	_ =	sdelay $0x3  }
0xf1: {  	s24 =	simm.s32 $0xC100  }
0xf2: {  	[tilespmem:s24], [sflag:$0x2] =	stream.indirect_vreg.gather [hbm4b:s1+s3], $0x80, v4, vm0, $0xb8;
	[tilespmem:$0x18100] =	vst v63  }
0xf3: {  	v3 =	vperm.xlane v3, v2;
	s24 =	simm.s32 $0xC900  }
0xf4: {  	[tilespmem:s24], [sflag:$0x2] =	stream.indirect_vreg.gather [hbm4b:s4+s3], $0x80, v4, vm0, $0xb8;
	[tilespmem:$0x18100] =	vst v63  }
0xf5: {  	v3 =	vadd.s32 v1, v3;
	s24 =	simm.s32 $0xD100  }
0xf6: {  	[tilespmem:s24], [sflag:$0x2] =	stream.indirect_vreg.gather [hbm4b:s5+s3], $0x80, v4, vm0, $0xb8;
	[tilespmem:$0x18100] =	vst v63  }
0xf7: {  	s24 =	simm.s32 $0xD900  }
0xf8: {  	[tilespmem:s24], [sflag:$0x2] =	stream.indirect_vreg.gather [hbm4b:s6+s3], $0x80, v4, vm0, $0xb8;
	[tilespmem:$0x18100] =	vst v63  }
0xf9: {  	s24 =	simm.s32 $0xE100  }
0xfa: {  	[tilespmem:s24], [sflag:$0x2] =	stream.indirect_vreg.gather [hbm4b:s1+s3], $0x80, v3, vm0, $0xb8;
	[tilespmem:$0x18100] =	vst v63  }
0xfb: {  	s24 =	simm.s32 $0xE900  }
0xfc: {  	[tilespmem:s24], [sflag:$0x2] =	stream.indirect_vreg.gather [hbm4b:s4+s3], $0x80, v3, vm0, $0xb8;
	[tilespmem:$0x18100] =	vst v63  }
0xfd: {  	s24 =	simm.s32 $0xF100  }
0xfe: {  	[tilespmem:s24], [sflag:$0x2] =	stream.indirect_vreg.gather [hbm4b:s5+s3], $0x80, v3, vm0, $0xb8;
	[tilespmem:$0x18100] =	vst v63  }
0xff: {  	s24 =	simm.s32 $0xF900  }
0x100: {  	[tilespmem:s24], [sflag:$0x2] =	stream.indirect_vreg.gather [hbm4b:s6+s3], $0x80, v3, vm0, $0xb8;
	[tilespmem:$0x18100] =	vst v63  }
0x101: {  	_ =	swait.ge [sflag:s31], $0x8000  }
0x102: {  	[sflag:s31] =	ssyncset.done $0x0  }
0x103: {  	s24 =	rddreg [dreg:$0x7];
	[sflag:s31] =	ssyncadd.s32 $0xFFFF8000  }
0x104: {  	[hbm4b:s24+s3] =	stream.linear.scatter [tilespmem:s2], [sflag:$0x6], $0x8000, $0x38;
	[tilespmem:$0x18100] =	vst v63  }
0x105: {  	_ =	swait.ge [sflag:s23], $0x8000  }
0x106: {  	[sflag:s23] =	ssyncset.done $0x0  }
0x107: {  	[sflag:s23] =	ssyncadd.s32 $0xFFFF8000  }
0x108: {  	v3 =	vld [tilespmem:$0xA0];
	_ =	sdelay $0x4  }
0x109: {  	v58 =	vshll.u32 v3, $0x3  }
0x10a: {  	v3 =	vand.u32 $0x7, v3;
	v4 =	vand.u32 $0xFFFFFFC0, v58  }
0x10b: {  	v3 =	vor.u32 v3, v4  }
0x10c: {  	v4 =	vperm.xlane v3, v0;
	_ =	sdelay $0x1  }
0x10d: {  	v4 =	vadd.s32 v1, v4;
	_ =	sdelay $0x4  }
0x10e: {  	[tilespmem:s2], [sflag:$0x3] =	stream.indirect_vreg.gather [hbm4b:s1+s3], $0x80, v4, vm0, $0xb8;
	[tilespmem:$0x18100] =	vst v63  }
0x10f: {  	v3 =	vperm.xlane v3, v2  }
0x110: {  	[tilespmem:s22], [sflag:$0x3] =	stream.indirect_vreg.gather [hbm4b:s4+s3], $0x80, v4, vm0, $0xb8;
	[tilespmem:$0x18100] =	vst v63  }
0x111: {  	v3 =	vadd.s32 v1, v3  }
0x112: {  	[tilespmem:s8], [sflag:$0x3] =	stream.indirect_vreg.gather [hbm4b:s5+s3], $0x80, v4, vm0, $0xb8;
	[tilespmem:$0x18100] =	vst v63  }
0x113: {  	_ = 	snop  }
0x114: {  	[tilespmem:s9], [sflag:$0x3] =	stream.indirect_vreg.gather [hbm4b:s6+s3], $0x80, v4, vm0, $0xb8;
	[tilespmem:$0x18100] =	vst v63  }
0x115: {  	_ = 	snop  }
0x116: {  	[tilespmem:s10], [sflag:$0x3] =	stream.indirect_vreg.gather [hbm4b:s1+s3], $0x80, v3, vm0, $0xb8;
	[tilespmem:$0x18100] =	vst v63  }
0x117: {  	_ = 	snop  }
0x118: {  	[tilespmem:s11], [sflag:$0x3] =	stream.indirect_vreg.gather [hbm4b:s4+s3], $0x80, v3, vm0, $0xb8;
	[tilespmem:$0x18100] =	vst v63  }
0x119: {  	_ = 	snop  }
0x11a: {  	[tilespmem:s12], [sflag:$0x3] =	stream.indirect_vreg.gather [hbm4b:s5+s3], $0x80, v3, vm0, $0xb8;
	[tilespmem:$0x18100] =	vst v63  }
0x11b: {  	_ = 	snop  }
0x11c: {  	[tilespmem:s13], [sflag:$0x3] =	stream.indirect_vreg.gather [hbm4b:s6+s3], $0x80, v3, vm0, $0xb8;
	[tilespmem:$0x18100] =	vst v63  }
0x11d: {  	v3 =	vld [tilespmem:$0xB0];
	_ =	sdelay $0x4  }
0x11e: {  	v59 =	vshll.u32 v3, $0x3  }
0x11f: {  	v3 =	vand.u32 $0x7, v3;
	v4 =	vand.u32 $0xFFFFFFC0, v59  }
0x120: {  	v3 =	vor.u32 v3, v4  }
0x121: {  	v4 =	vperm.xlane v3, v0;
	_ =	sdelay $0x1  }
0x122: {  	v4 =	vadd.s32 v1, v4;
	_ =	sdelay $0x4  }
0x123: {  	[tilespmem:s14], [sflag:$0x3] =	stream.indirect_vreg.gather [hbm4b:s1+s3], $0x80, v4, vm0, $0xb8;
	[tilespmem:$0x18100] =	vst v63  }
0x124: {  	v3 =	vperm.xlane v3, v2  }
0x125: {  	[tilespmem:s15], [sflag:$0x3] =	stream.indirect_vreg.gather [hbm4b:s4+s3], $0x80, v4, vm0, $0xb8;
	[tilespmem:$0x18100] =	vst v63  }
0x126: {  	v3 =	vadd.s32 v1, v3  }
0x127: {  	[tilespmem:s16], [sflag:$0x3] =	stream.indirect_vreg.gather [hbm4b:s5+s3], $0x80, v4, vm0, $0xb8;
	[tilespmem:$0x18100] =	vst v63  }
0x128: {  	_ = 	snop  }
0x129: {  	[tilespmem:s17], [sflag:$0x3] =	stream.indirect_vreg.gather [hbm4b:s6+s3], $0x80, v4, vm0, $0xb8;
	[tilespmem:$0x18100] =	vst v63  }
0x12a: {  	_ = 	snop  }
0x12b: {  	[tilespmem:s26], [sflag:$0x3] =	stream.indirect_vreg.gather [hbm4b:s1+s3], $0x80, v3, vm0, $0xb8;
	[tilespmem:$0x18100] =	vst v63  }
0x12c: {  	_ = 	snop  }
0x12d: {  	[tilespmem:s28], [sflag:$0x3] =	stream.indirect_vreg.gather [hbm4b:s4+s3], $0x80, v3, vm0, $0xb8;
	[tilespmem:$0x18100] =	vst v63  }
0x12e: {  	_ = 	snop  }
0x12f: {  	[tilespmem:s29], [sflag:$0x3] =	stream.indirect_vreg.gather [hbm4b:s5+s3], $0x80, v3, vm0, $0xb8;
	[tilespmem:$0x18100] =	vst v63  }
0x130: {  	_ = 	snop  }
0x131: {  	[tilespmem:s30], [sflag:$0x3] =	stream.indirect_vreg.gather [hbm4b:s6+s3], $0x80, v3, vm0, $0xb8;
	[tilespmem:$0x18100] =	vst v63  }
0x132: {  	_ =	swait.ge [sflag:s18], $0x8000  }
0x133: {  	[sflag:s18] =	ssyncset.done $0x0  }
0x134: {  	s8 =	rddreg [dreg:$0x8];
	[sflag:s18] =	ssyncadd.s32 $0xFFFF8000  }
0x135: {  	[hbm4b:s8+s3] =	stream.linear.scatter [tilespmem:s25], [sflag:$0x4], $0x8000, $0x38;
	[tilespmem:$0x18100] =	vst v63  }
0x136: {  	_ =	swait.ge [sflag:s19], $0x8000  }
0x137: {  	[sflag:s19] =	ssyncset.done $0x0  }
0x138: {  	[sflag:s19] =	ssyncadd.s32 $0xFFFF8000  }
0x139: {  	v3 =	vld [tilespmem:$0xC0];
	_ =	sdelay $0x4  }
0x13a: {  	v60 =	vshll.u32 v3, $0x3  }
0x13b: {  	v3 =	vand.u32 $0x7, v3;
	v4 =	vand.u32 $0xFFFFFFC0, v60  }
0x13c: {  	v3 =	vor.u32 v3, v4  }
0x13d: {  	v4 =	vperm.xlane v3, v0;
	_ =	sdelay $0x1  }
0x13e: {  	v4 =	vadd.s32 v1, v4;
	_ =	sdelay $0x4  }
0x13f: {  	[tilespmem:s25], [sflag:$0x1] =	stream.indirect_vreg.gather [hbm4b:s1+s3], $0x80, v4, vm0, $0xb8;
	[tilespmem:$0x18100] =	vst v63  }
0x140: {  	s24 =	simm.s32 $0x900;
	v3 =	vperm.xlane v3, v2  }
0x141: {  	[tilespmem:s24], [sflag:$0x1] =	stream.indirect_vreg.gather [hbm4b:s4+s3], $0x80, v4, vm0, $0xb8;
	[tilespmem:$0x18100] =	vst v63  }
0x142: {  	v3 =	vadd.s32 v1, v3;
	s24 =	simm.s32 $0x1100  }
0x143: {  	[tilespmem:s24], [sflag:$0x1] =	stream.indirect_vreg.gather [hbm4b:s5+s3], $0x80, v4, vm0, $0xb8;
	[tilespmem:$0x18100] =	vst v63  }
0x144: {  	s24 =	simm.s32 $0x1900  }
0x145: {  	[tilespmem:s24], [sflag:$0x1] =	stream.indirect_vreg.gather [hbm4b:s6+s3], $0x80, v4, vm0, $0xb8;
	[tilespmem:$0x18100] =	vst v63  }
0x146: {  	s24 =	simm.s32 $0x2100  }
0x147: {  	[tilespmem:s24], [sflag:$0x1] =	stream.indirect_vreg.gather [hbm4b:s1+s3], $0x80, v3, vm0, $0xb8;
	[tilespmem:$0x18100] =	vst v63  }
0x148: {  	s24 =	simm.s32 $0x2900  }
0x149: {  	[tilespmem:s24], [sflag:$0x1] =	stream.indirect_vreg.gather [hbm4b:s4+s3], $0x80, v3, vm0, $0xb8;
	[tilespmem:$0x18100] =	vst v63  }
0x14a: {  	s24 =	simm.s32 $0x3100  }
0x14b: {  	[tilespmem:s24], [sflag:$0x1] =	stream.indirect_vreg.gather [hbm4b:s5+s3], $0x80, v3, vm0, $0xb8;
	[tilespmem:$0x18100] =	vst v63  }
0x14c: {  	s24 =	simm.s32 $0x3900  }
0x14d: {  	[tilespmem:s24], [sflag:$0x1] =	stream.indirect_vreg.gather [hbm4b:s6+s3], $0x80, v3, vm0, $0xb8;
	[tilespmem:$0x18100] =	vst v63  }
0x14e: {  	v3 =	vld [tilespmem:$0xD0];
	_ =	sdelay $0x4  }
0x14f: {  	v61 =	vshll.u32 v3, $0x3  }
0x150: {  	v3 =	vand.u32 $0x7, v3;
	v4 =	vand.u32 $0xFFFFFFC0, v61  }
0x151: {  	v3 =	vor.u32 v3, v4  }
0x152: {  	v4 =	vperm.xlane v3, v0;
	_ =	sdelay $0x1  }
0x153: {  	v4 =	vadd.s32 v1, v4;
	_ =	sdelay $0x3  }
0x154: {  	s24 =	simm.s32 $0x4100  }
0x155: {  	[tilespmem:s24], [sflag:$0x1] =	stream.indirect_vreg.gather [hbm4b:s1+s3], $0x80, v4, vm0, $0xb8;
	[tilespmem:$0x18100] =	vst v63  }
0x156: {  	v3 =	vperm.xlane v3, v2;
	s24 =	simm.s32 $0x4900  }
0x157: {  	[tilespmem:s24], [sflag:$0x1] =	stream.indirect_vreg.gather [hbm4b:s4+s3], $0x80, v4, vm0, $0xb8;
	[tilespmem:$0x18100] =	vst v63  }
0x158: {  	v3 =	vadd.s32 v1, v3;
	s24 =	simm.s32 $0x5100  }
0x159: {  	[tilespmem:s24], [sflag:$0x1] =	stream.indirect_vreg.gather [hbm4b:s5+s3], $0x80, v4, vm0, $0xb8;
	[tilespmem:$0x18100] =	vst v63  }
0x15a: {  	s24 =	simm.s32 $0x5900  }
0x15b: {  	[tilespmem:s24], [sflag:$0x1] =	stream.indirect_vreg.gather [hbm4b:s6+s3], $0x80, v4, vm0, $0xb8;
	[tilespmem:$0x18100] =	vst v63  }
0x15c: {  	s24 =	simm.s32 $0x6100  }
0x15d: {  	[tilespmem:s24], [sflag:$0x1] =	stream.indirect_vreg.gather [hbm4b:s1+s3], $0x80, v3, vm0, $0xb8;
	[tilespmem:$0x18100] =	vst v63  }
0x15e: {  	s24 =	simm.s32 $0x6900  }
0x15f: {  	[tilespmem:s24], [sflag:$0x1] =	stream.indirect_vreg.gather [hbm4b:s4+s3], $0x80, v3, vm0, $0xb8;
	[tilespmem:$0x18100] =	vst v63  }
0x160: {  	s24 =	simm.s32 $0x7100  }
0x161: {  	[tilespmem:s24], [sflag:$0x1] =	stream.indirect_vreg.gather [hbm4b:s5+s3], $0x80, v3, vm0, $0xb8;
	[tilespmem:$0x18100] =	vst v63  }
0x162: {  	s24 =	simm.s32 $0x7900  }
0x163: {  	[tilespmem:s24], [sflag:$0x1] =	stream.indirect_vreg.gather [hbm4b:s6+s3], $0x80, v3, vm0, $0xb8;
	[tilespmem:$0x18100] =	vst v63  }
0x164: {  	_ =	swait.ge [sflag:s20], $0x8000  }
0x165: {  	[sflag:s20] =	ssyncset.done $0x0  }
0x166: {  	s8 =	rddreg [dreg:$0x9];
	[sflag:s20] =	ssyncadd.s32 $0xFFFF8000  }
0x167: {  	[hbm4b:s8+s3] =	stream.linear.scatter [tilespmem:s0], [sflag:$0x5], $0x8000, $0x38;
	[tilespmem:$0x18100] =	vst v63  }
0x168: {  	_ =	swait.ge [sflag:s21], $0x8000  }
0x169: {  	[sflag:s21] =	ssyncset.done $0x0  }
0x16a: {  	[sflag:s21] =	ssyncadd.s32 $0xFFFF8000  }
0x16b: {  	v3 =	vld [tilespmem:$0xE0];
	_ =	sdelay $0x4  }
0x16c: {  	v62 =	vshll.u32 v3, $0x3  }
0x16d: {  	v3 =	vand.u32 $0x7, v3;
	v4 =	vand.u32 $0xFFFFFFC0, v62  }
0x16e: {  	v3 =	vor.u32 v3, v4  }
0x16f: {  	v4 =	vperm.xlane v3, v0;
	_ =	sdelay $0x1  }
0x170: {  	v4 =	vadd.s32 v1, v4;
	_ =	sdelay $0x4  }
0x171: {  	[tilespmem:s0], [sflag:$0x2] =	stream.indirect_vreg.gather [hbm4b:s1+s3], $0x80, v4, vm0, $0xb8;
	[tilespmem:$0x18100] =	vst v63  }
0x172: {  	s24 =	simm.s32 $0x8900;
	v3 =	vperm.xlane v3, v2  }
0x173: {  	[tilespmem:s24], [sflag:$0x2] =	stream.indirect_vreg.gather [hbm4b:s4+s3], $0x80, v4, vm0, $0xb8;
	[tilespmem:$0x18100] =	vst v63  }
0x174: {  	v3 =	vadd.s32 v1, v3;
	s24 =	simm.s32 $0x9100  }
0x175: {  	[tilespmem:s24], [sflag:$0x2] =	stream.indirect_vreg.gather [hbm4b:s5+s3], $0x80, v4, vm0, $0xb8;
	[tilespmem:$0x18100] =	vst v63  }
0x176: {  	s24 =	simm.s32 $0x9900  }
0x177: {  	[tilespmem:s24], [sflag:$0x2] =	stream.indirect_vreg.gather [hbm4b:s6+s3], $0x80, v4, vm0, $0xb8;
	[tilespmem:$0x18100] =	vst v63  }
0x178: {  	s24 =	simm.s32 $0xA100  }
0x179: {  	[tilespmem:s24], [sflag:$0x2] =	stream.indirect_vreg.gather [hbm4b:s1+s3], $0x80, v3, vm0, $0xb8;
	[tilespmem:$0x18100] =	vst v63  }
0x17a: {  	s24 =	simm.s32 $0xA900  }
0x17b: {  	[tilespmem:s24], [sflag:$0x2] =	stream.indirect_vreg.gather [hbm4b:s4+s3], $0x80, v3, vm0, $0xb8;
	[tilespmem:$0x18100] =	vst v63  }
0x17c: {  	s24 =	simm.s32 $0xB100  }
0x17d: {  	[tilespmem:s24], [sflag:$0x2] =	stream.indirect_vreg.gather [hbm4b:s5+s3], $0x80, v3, vm0, $0xb8;
	[tilespmem:$0x18100] =	vst v63  }
0x17e: {  	s24 =	simm.s32 $0xB900  }
0x17f: {  	[tilespmem:s24], [sflag:$0x2] =	stream.indirect_vreg.gather [hbm4b:s6+s3], $0x80, v3, vm0, $0xb8;
	[tilespmem:$0x18100] =	vst v63  }
0x180: {  	v3 =	vld [tilespmem:$0xF0];
	_ =	sdelay $0x4  }
0x181: {  	v63 =	vshll.u32 v3, $0x3  }
0x182: {  	v3 =	vand.u32 $0x7, v3;
	v4 =	vand.u32 $0xFFFFFFC0, v63  }
0x183: {  	v3 =	vor.u32 v3, v4  }
0x184: {  	v4 =	vperm.xlane v3, v0;
	_ =	sdelay $0x1  }
0x185: {  	v4 =	vadd.s32 v1, v4;
	_ =	sdelay $0x3  }
0x186: {  	s24 =	simm.s32 $0xC100  }
0x187: {  	[tilespmem:s24], [sflag:$0x2] =	stream.indirect_vreg.gather [hbm4b:s1+s3], $0x80, v4, vm0, $0xb8;
	[tilespmem:$0x18100] =	vst v63  }
0x188: {  	v3 =	vperm.xlane v3, v2;
	s24 =	simm.s32 $0xC900  }
0x189: {  	[tilespmem:s24], [sflag:$0x2] =	stream.indirect_vreg.gather [hbm4b:s4+s3], $0x80, v4, vm0, $0xb8;
	[tilespmem:$0x18100] =	vst v63  }
0x18a: {  	v3 =	vadd.s32 v1, v3;
	s24 =	simm.s32 $0xD100  }
0x18b: {  	[tilespmem:s24], [sflag:$0x2] =	stream.indirect_vreg.gather [hbm4b:s5+s3], $0x80, v4, vm0, $0xb8;
	[tilespmem:$0x18100] =	vst v63  }
0x18c: {  	s24 =	simm.s32 $0xD900  }
0x18d: {  	[tilespmem:s24], [sflag:$0x2] =	stream.indirect_vreg.gather [hbm4b:s6+s3], $0x80, v4, vm0, $0xb8;
	[tilespmem:$0x18100] =	vst v63  }
0x18e: {  	s24 =	simm.s32 $0xE100  }
0x18f: {  	[tilespmem:s24], [sflag:$0x2] =	stream.indirect_vreg.gather [hbm4b:s1+s3], $0x80, v3, vm0, $0xb8;
	[tilespmem:$0x18100] =	vst v63  }
0x190: {  	s24 =	simm.s32 $0xE900  }
0x191: {  	[tilespmem:s24], [sflag:$0x2] =	stream.indirect_vreg.gather [hbm4b:s4+s3], $0x80, v3, vm0, $0xb8;
	[tilespmem:$0x18100] =	vst v63  }
0x192: {  	s24 =	simm.s32 $0xF100  }
0x193: {  	[tilespmem:s24], [sflag:$0x2] =	stream.indirect_vreg.gather [hbm4b:s5+s3], $0x80, v3, vm0, $0xb8;
	[tilespmem:$0x18100] =	vst v63  }
0x194: {  	s24 =	simm.s32 $0xF900  }
0x195: {  	[tilespmem:s24], [sflag:$0x2] =	stream.indirect_vreg.gather [hbm4b:s6+s3], $0x80, v3, vm0, $0xb8;
	[tilespmem:$0x18100] =	vst v63  }
0x196: {  	_ =	swait.ge [sflag:s31], $0x8000  }
0x197: {  	[sflag:s31] =	ssyncset.done $0x0  }
0x198: {  	s8 =	rddreg [dreg:$0xa];
	[sflag:s31] =	ssyncadd.s32 $0xFFFF8000  }
0x199: {  	[hbm4b:s8+s3] =	stream.linear.scatter [tilespmem:s2], [sflag:$0x6], $0x8000, $0x38;
	[tilespmem:$0x18100] =	vst v63  }
0x19a: {  	_ =	swait.ge [sflag:s18], $0x8000  }
0x19b: {  	[sflag:s18] =	ssyncset.done $0x0  }
0x19c: {  	s2 =	rddreg [dreg:$0xb];
	[sflag:s18] =	ssyncadd.s32 $0xFFFF8000  }
0x19d: {  	[hbm4b:s2+s3] =	stream.linear.scatter [tilespmem:s25], [sflag:$0x4], $0x8000, $0x38;
	[tilespmem:$0x18100] =	vst v63  }
0x19e: {  	_ =	swait.ge [sflag:s20], $0x8000  }
0x19f: {  	[sflag:s20] =	ssyncset.done $0x0  }
0x1a0: {  	s8 =	rddreg [dreg:$0xc];
	[sflag:s20] =	ssyncadd.s32 $0xFFFF8000  }
0x1a1: {  	[hbm4b:s8+s3] =	stream.linear.scatter [tilespmem:s0], [sflag:$0x5], $0x8000, $0x38;
	[tilespmem:$0x18100] =	vst v63  }
0x1a2: {  	_ =	swait.ge [sflag:s23], $0x8000  }
0x1a3: {  	[sflag:s23] =	ssyncset.done $0x0  }
0x1a4: {  	[sflag:s23] =	ssyncadd.s32 $0xFFFF8000  }
0x1a5: {  	p0 =	sne.s32 s7, $0x1;
	_ =	swait.ge [sflag:s19], $0x8000  }
.Ltmp0:
0x1a6: {  	[sflag:s19] =	ssyncset.done $0x0;
	(pc) =	sbr.rel @p0 .LBB2_1-.Ltmp0, $4  }
0x1a7: {  	[sflag:s19] =	ssyncadd.s32 $0xFFFF8000  }
0x1a8: {  	_ =	swait.ge [sflag:s21], $0x8000  }
0x1a9: {  	[sflag:s21] =	ssyncset.done $0x0  }
0x1aa: {  	s7 =	sadd.s32 $0xFFFFFFFF, s7;
	[sflag:s21] =	ssyncadd.s32 $0xFFFF8000  }
0x1ab: {  	_ =	sfence.sel $0x180000  }
0x1ac: {  	[bflag:$0x0] =	sbarrier.arrive $0xFFFF  }
0x1ad: {  	_ =	strace $0x90000050  }
0x1ae: {  	s0 =	stileid.u32;
	[bflag:$0x2] =	sbarrier.arrive $0xFFFF  }
0x1af: {  	p0 =	sne.s32 s0, $0x0;
	s0 =	rddreg [dreg:$0x3]  }
0x1b0: {  	s0 =	sadd.s32 @!p0 $0x100000, s0  }
0x1b1: {  	[sflag:s0] =	ssyncadd.tile.s32 @!p0 $0x1;
	_ =	shalt  }
.Lfunc_end2:
_tile_overlayer_lowered:
.L_overlay_start_2:
0x1b2: {  	(tag) =	ssettag $0x2  }
0x1b3: {  	s0 =	rddreg [dreg:$0x0];
	s2 =	stileid.u32  }
0x1b4: {  	s1 =	rddreg [dreg:$0x1];
	p0 =	sne.s32 s2, $0x0  }
0x1b5: {  	s3 =	rddreg [dreg:$0x2];
	[bflag:$0x3] =	sbarrier.arrive $0xFFFF;
	s2 =	simm.s32 @!p0 $0x1C07  }
0x1b6: {  	[timem:s3], [sflag:s2] =	dma.local @!p0 [hbm:s0], s1  }
0x1b7: {  	s0 =	simm.s32 @!p0 $0x7  }
0x1b8: {  	_ =	swait.ge @!p0 [sflag:s0], s1  }
0x1b9: {  	s1 =	ssub.s32 @!p0 $0x0, s1;
	[sflag:s0] =	ssyncset.done @!p0 $0x0  }
0x1ba: {  	[sflag:s0] =	ssyncadd.s32 @!p0 s1  }
0x1bb: {  	[bflag:$0x3] =	sbarrier.arrive $0xFFFF  }
0x1bc: {  	_ =	shalt  }

// kernel: kernel.9.cloned.1.call-start
scs
__scs_entry_jumppad:
0x0: {  	(pc) =	sbr.rel $0x88, $3  }
0x1: {  	(tag) =	ssettag $0x0;
	lr =	simm.s32 $0x1  }
0x2: {  	[smem:$0x3F98] =	sst lr;
	_ =	strace $0xD0000000  }
0x3: {  	_ = 	snop  }
0x4: {  	_ = 	snop  }
0x5: {  	_ = 	snop  }
0x6: {  	_ = 	snop  }
0x7: {  	_ = 	snop  }
__scs_overlays_trampoline_lowered:
0x8: {  	[smem:$0x3FA7] =	sst s0  }
0x9: {  	[smem:$0x3FA8] =	sst s1  }
0xa: {  	[smem:$0x3FA9] =	sst s2  }
0xb: {  	[smem:$0x3FAA] =	sst s3  }
0xc: {  	[smem:$0x3FAB] =	sst s4  }
0xd: {  	[smem:$0x3FAC] =	sst s5  }
0xe: {  	[smem:$0x3FAD] =	sst s6  }
0xf: {  	[smem:$0x3FAE] =	sst s7  }
0x10: {  	[smem:$0x3FAF] =	sst s8  }
0x11: {  	[smem:$0x3FB0] =	sst s9;
	s0 =	simm.s32 @!p0 $0x0  }
0x12: {  	s1 =	sld [smem:$0x3F96];
	s0 =	simm.s32 @p0 $0x1  }
0x13: {  	[smem:$0x3FB1] =	sst s0;
	s0 =	simm.s32 @!p1 $0x0  }
0x14: {  	s2 =	sld [smem:$0x3F95];
	s0 =	simm.s32 @p1 $0x1  }
0x15: {  	[smem:$0x3FB2] =	sst s0;
	s0 =	simm.s32 @!p2 $0x0  }
0x16: {  	s3 =	sld [smem:$0x3FDB];
	s0 =	simm.s32 @p2 $0x1  }
0x17: {  	s4 =	simm.s32 $0x1BF5;
	[smem:$0x3FB4] =	sst s0  }
0x18: {  	s0 =	sld [smem:$0x3F97];
	_ =	swait.ge [sflag:s4], $0x0  }
0x19: {  	s7 =	sld [smem:$0x3F98]  }
0x1a: {  	s8 =	sadd.s32 $0xFFFFE003, lr  }
0x1b: {  	s9 =	sadd.s32 $0xFFFFFEF7, lr;
	s5 =	simm.s32 $0xFFFFFFFF;
	p2 =	slt.u32 s8, $0xFFFFF086  }
0x1c: {  	p1 =	slt.u32 s9, $0xF7A;
	s5 =	simm.s32 @!p2 $0x0  }
0x1d: {  	s5 =	simm.s32 @p1 $0x1;
	p0 =	seq.s32 s7, s2  }
0x1e: {  	s7 =	smul.u32 @!p0 $0xF7A, s2;
	p2 =	seq.s32 @!p0 s5, $0x0  }
0x1f: {  	s9 =	smul.u32 $0xF7A, s1;
	s8 =	simm.s32 @!p0 $0x1BF5;
	p2 =	por !p2, p0  }
0x20: {  	[sflag:s8] =	ssyncset.s32 @!p0 $0xFFFFF086;
	s6 =	sadd.s32 @!p0 s3, s7;
	s7 =	simm.s32 @!p0 $0x108  }
0x21: {  	s3 =	sadd.s32 s3, s9;
	s6 =	sadd.s32 @!p0 $0x88, s6;
	s7 =	simm.s32 @p2 $0x1082  }
0x22: {  	[simem:s7], [sflag:s8] =	dma.local @!p0 [hbm:s6], $0xF7A  }
0x23: {  	s9 =	sor.u32 $0xD0000000, s2;
	s6 =	simm.s32 $0x108;
	_ =	swait.ge @!p0 [sflag:s8], $0x0  }
0x24: {  	s3 =	sadd.s32 $0x88, s3;
	s6 =	simm.s32 @!p1 $0x1082;
	[sflag:s4] =	ssyncset.s32 $0xFFFFF086  }
0x25: {  	[simem:s6], [sflag:s4] =	dma.local [hbm:s3], $0xF7A  }
0x26: {  	[smem:$0x3F98] =	sst s1;
	(tag) =	ssettag s2;
	_ =	strace s9  }
0x27: {  	s1 =	sld [smem:$0x3FA8]  }
0x28: {  	s2 =	sld [smem:$0x3FA9]  }
0x29: {  	s4 =	sld [smem:$0x3FAB]  }
0x2a: {  	p0 =	seq.s32 s5, $0x0;
	s5 =	sld [smem:$0x3FAC]  }
0x2b: {  	s6 =	sld [smem:$0x3FAD]  }
0x2c: {  	s7 =	sld [smem:$0x3FAE]  }
0x2d: {  	s3 =	simm.s32 $0x108;
	s8 =	sld [smem:$0x3FAF]  }
0x2e: {  	s3 =	simm.s32 @!p0 $0x1082;
	s9 =	sld [smem:$0x3FB0]  }
0x2f: {  	lr =	sadd.s32 s0, s3;
	s0 =	sld [smem:$0x3FA7]  }
0x30: {  	s3 =	sld [smem:$0x3FAA]  }
0x31: {  	[smem:$0x3FB3] =	sst s10  }
0x32: {  	s10 =	sld [smem:$0x3FB1];
	_ =	sdelay $0x3  }
0x33: {  	p0 =	seq.s32 s10, $0x1;
	s10 =	sld [smem:$0x3FB3];
	_ =	sdelay $0x3  }
0x34: {  	[smem:$0x3FB3] =	sst s10  }
0x35: {  	s10 =	sld [smem:$0x3FB2];
	_ =	sdelay $0x3  }
0x36: {  	p1 =	seq.s32 s10, $0x1;
	s10 =	sld [smem:$0x3FB3];
	_ =	sdelay $0x3  }
0x37: {  	[smem:$0x3FB3] =	sst s10  }
0x38: {  	s10 =	sld [smem:$0x3FB4]  }
0x39: {  	_ = 	snop;
	(pc) =	sbr.ind lr, $3  }
0x3a: {  	_ = 	snop  }
0x3b: {  	_ = 	snop  }
0x3c: {  	p2 =	seq.s32 s10, $0x1;
	s10 =	sld [smem:$0x3FB3]  }
0x3d: {  	_ =	shalt  }
0x3e: {  	_ =	shalt  }
0x3f: {  	_ =	shalt  }
0x40: {  	_ =	shalt  }
0x41: {  	_ =	shalt  }
0x42: {  	_ =	shalt  }
0x43: {  	_ =	shalt  }
0x44: {  	_ =	shalt  }
0x45: {  	_ =	shalt  }
0x46: {  	_ =	shalt  }
0x47: {  	_ =	shalt  }
0x48: {  	_ =	shalt  }
0x49: {  	_ =	shalt  }
0x4a: {  	_ =	shalt  }
0x4b: {  	_ =	shalt  }
0x4c: {  	_ =	shalt  }
0x4d: {  	_ =	shalt  }
0x4e: {  	_ =	shalt  }
0x4f: {  	_ =	shalt  }
0x50: {  	_ =	shalt  }
0x51: {  	_ =	shalt  }
0x52: {  	_ =	shalt  }
0x53: {  	_ =	shalt  }
0x54: {  	_ =	shalt  }
0x55: {  	_ =	shalt  }
0x56: {  	_ =	shalt  }
0x57: {  	_ =	shalt  }
0x58: {  	_ =	shalt  }
0x59: {  	_ =	shalt  }
0x5a: {  	_ =	shalt  }
0x5b: {  	_ =	shalt  }
0x5c: {  	_ =	shalt  }
0x5d: {  	_ =	shalt  }
0x5e: {  	_ =	shalt  }
0x5f: {  	_ =	shalt  }
0x60: {  	_ =	shalt  }
0x61: {  	_ =	shalt  }
0x62: {  	_ =	shalt  }
0x63: {  	_ =	shalt  }
0x64: {  	_ =	shalt  }
0x65: {  	_ =	shalt  }
0x66: {  	_ =	shalt  }
0x67: {  	_ =	shalt  }
0x68: {  	_ =	shalt  }
0x69: {  	_ =	shalt  }
0x6a: {  	_ =	shalt  }
0x6b: {  	_ =	shalt  }
0x6c: {  	_ =	shalt  }
0x6d: {  	_ =	shalt  }
0x6e: {  	_ =	shalt  }
0x6f: {  	_ =	shalt  }
0x70: {  	_ =	shalt  }
0x71: {  	_ =	shalt  }
0x72: {  	_ =	shalt  }
0x73: {  	_ =	shalt  }
0x74: {  	_ =	shalt  }
0x75: {  	_ =	shalt  }
0x76: {  	_ =	shalt  }
0x77: {  	_ =	shalt  }
0x78: {  	_ =	shalt  }
0x79: {  	_ =	shalt  }
0x7a: {  	_ =	shalt  }
0x7b: {  	_ =	shalt  }
0x7c: {  	_ =	shalt  }
0x7d: {  	_ =	shalt  }
0x7e: {  	_ =	shalt  }
0x7f: {  	_ =	shalt  }
0x80: {  	_ =	shalt  }
0x81: {  	_ =	shalt  }
0x82: {  	_ =	shalt  }
0x83: {  	_ =	shalt  }
0x84: {  	_ =	shalt  }
0x85: {  	_ =	shalt  }
0x86: {  	_ =	shalt  }
0x87: {  	_ =	shalt  }
.Lfunc_end0:
.L_simem_size_0:
called_computation.4_lowered:
.L_overlay_start_0:
0x88: {  	s2 =	sld [smem:$0x3FD9]  }
0x89: {  	s3 =	sld [smem:$0x3FFE];
	_ =	sdelay $0x1  }
0x8a: {  	s1 =	srdreg.scid  }
0x8b: {  	s0 =	sand.u32 $0x1, s1  }
0x8c: {  	s14 =	sshll.u32 s0, $0xA;
	s2 =	sadd.s32 s3, s2  }
0x8d: {  	s2 =	sadd.s32 s2, s14  }
0x8e: {  	[smem:$0x3FBF] =	sst s2  }
0x8f: {  	_ = 	snop  }
0x90: {  	s2 =	sld [smem:$0x3FD0];
	_ =	sdelay $0x2  }
0x91: {  	s15 =	simm.s32 $0xB;
	s4 =	simm.s32 $0x10  }
0x92: {  	[smem:s4], [sflag:s15] =	dma.local [hbm:s2], $0x1  }
0x93: {  	_ =	swait.eq [sflag:s15], $0x1  }
0x94: {  	[sflag:s15] =	ssyncset.done $0x0  }
0x95: {  	[sflag:s15] =	ssyncadd.s32 $0xFFFFFFFF  }
0x96: {  	s16 =	sld [smem:$0x10];
	(tm) =	ssettm $0x1  }
0x97: {  	s17 =	sld [smem:$0x3FFB];
	_ =	sdelay $0x3  }
0x98: {  	_ =	strace s17  }
0x99: {  	s3 =	sld [smem:$0x3FFC];
	_ =	sdelay $0x3  }
0x9a: {  	_ =	strace s3  }
0x9b: {  	s3 =	sld [smem:$0x3FFD];
	_ =	sdelay $0x3  }
0x9c: {  	_ =	strace s3  }
0x9d: {  	_ =	strace $0x8FFFFFFF  }
0x9e: {  	s18 =	sld [smem:$0x3FDB];
	_ =	sdelay $0x1  }
0x9f: {  	s19 =	simm.s32 $_scs_section_size  }
0xa0: {  	s5 =	simm.s32 $_size__tile_overlayer_lowered;
	s6 =	simm.s32 $_tile_overlayer_lowered  }
0xa1: {  	s22 =	simm.s32 $0x1BFF;
	s21 =	sshll.u32 s6, $0x1;
	s3 =	sadd.s32 s19, s18  }
0xa2: {  	s7 =	simm.s32 $0x0;
	s20 =	sshll.u32 s5, $0x1;
	s5 =	sadd.s32 s21, s3  }
0xa3: {  	[timem:s7], [sflag:s22] =	dma.local [hbm:s5], s20  }
0xa4: {  	_ =	swait.ge [sflag:s22], s20  }
0xa5: {  	s4 =	ssub.s32 $0x0, s20;
	[sflag:s22] =	ssyncset.done $0x0  }
0xa6: {  	[sflag:s22] =	ssyncadd.s32 s4;
	_ =	sdelay $0x1  }
0xa7: {  	s23 =	simm.s32 $0x1B8B  }
0xa8: {  	_ =	swait.ge [sflag:s23], $0x1  }
0xa9: {  	[sflag:s23] =	ssyncset.done $0x0  }
0xaa: {  	s25 =	simm.s32 $0x1B8E;
	s24 =	sld [smem:$0x3FFE];
	[sflag:s23] =	ssyncadd.s32 $0xFFFFFFFF  }
0xab: {  	s26 =	simm.s32 $execute0_lowered;
	[smem:$0x3FD2] =	sst s25  }
0xac: {  	s5 =	sshll.u32 s26, $0x1;
	_ =	strace $0x80000052;
	[dreg:$0x1] =	wrdreg $0xFFFFFFFF  }
0xad: {  	s28 =	simm.s32 $_size_execute0_lowered;
	s3 =	sadd.s32 s3, s5;
	[dreg:$0x0] =	wrdreg $0x0  }
0xae: {  	s5 =	sshll.u32 s28, $0x1;
	[dreg:$0x2] =	wrdreg s3  }
0xaf: {  	[dreg:$0x3] =	wrdreg s5  }
0xb0: {  	[dreg:$0x4] =	wrdreg $0xC0  }
0xb1: {  	_ =	task [dreg:s7], $0x5FFFF  }
0xb2: {  	[dreg:$0x1] =	wrdreg $0xFFFFFFFF  }
0xb3: {  	[dreg:$0x0] =	wrdreg $0x60  }
0xb4: {  	[dreg:$0x2] =	wrdreg s24  }
0xb5: {  	[dreg:$0x3] =	wrdreg s16  }
0xb6: {  	[dreg:$0x4] =	wrdreg $0x9  }
0xb7: {  	_ =	task.clear_ibuf [dreg:s7], $0x5FFFF;
	_ =	strace $0x90000052  }
0xb8: {  	s29 =	simm.s32 $0x9;
	_ =	strace $0x80000054  }
0xb9: {  	_ =	swait.ge [sflag:s29], $0x1  }
0xba: {  	[sflag:s29] =	ssyncadd.s32 $0xFFFFFFFF  }
0xbb: {  	_ =	strace $0x90000054  }
0xbc: {  	_ =	sfence  }
0xbd: {  	s30 =	sld [smem:$0x0];
	_ =	sdelay $0x2  }
0xbe: {  	s31 =	sshll.u32 s1, $0xD;
	s1 =	sshrl.u32 s1, $0x2  }
0xbf: {  	s3 =	sand.u32 $0x4000, s31;
	s1 =	sadd.s32 s1, s30  }
0xc0: {  	s0 =	sor.u32 s3, s0;
	s1 =	sshll.u32 s1, $0x11  }
0xc1: {  	s0 =	sor.u32 s1, s0  }
0xc2: {  	s0 =	sadd.s32 $0x8F2B, s0  }
0xc3: {  	[sflag:s0] =	ssyncadd.remote.s32 $0x1  }
0xc4: {  	_ =	sfence.sel $0xFFFF  }
0xc5: {  	[dreg:$0x0] =	wrdreg $0xFFFFFFFF;
	(pc) =	sbr.abs _section_cstart, $3  }
0xc6: {  	[dreg:$0x1] =	wrdreg $0xFFFFFFFF  }
0xc7: {  	_ =	task.clear_ibuf [dreg:s7], $0x2FFFF;
	_ =	strace $0x9FFFFFFF  }
0xc8: {  	(tm) =	ssettm $0x7FFFFFFF  }
0xc9: {  	_ =	shalt  }
tec
execute0_lowered:
.L_overlay_start_1:
0x0: {  	(tag) =	ssettag $0x1  }
0x1: {  	s0 =	rddreg [dreg:$0x0]  }
0x2: {  	s2 =	rddreg [dreg:$0x1];
	s1 =	simm.s32 $0x0  }
0x3: {  	s4 =	srdreg.scid;
	s6 =	stileid.u32;
	s16 =	simm.s32 $0x2  }
0x4: {  	s17 =	simm.s32 $0x12900;
	s18 =	simm.s32 $0x13900;
	s19 =	simm.s32 $0x14100  }
0x5: {  	s14 =	simm.s32 $0x14900;
	s20 =	simm.s32 $0x15100;
	s15 =	simm.s32 $0x15900  }
0x6: {  	s21 =	simm.s32 $0x16100;
	s22 =	simm.s32 $0x16900;
	s23 =	simm.s32 $0x17100  }
0x7: {  	s24 =	simm.s32 $0x17900;
	s28 =	simm.s32 $0x0;
	[smem:$0x7FF] =	sst s1  }
0x8: {  	s3 =	sadd.s32 $0xD08600, s0;
	s4 =	sand.u32 $0x1, s4;
	s6 =	sshll.u32 s6, $0x7  }
0x9: {  	s9 =	sadd.s32 $0x600, s0;
	s10 =	sadd.s32 $0x200, s0;
	s5 =	ssub.s32 $0x2, s4  }
0xa: {  	s8 =	sadd.s32 $0xD08900, s0;
	s4 =	sshll.u32 s4, $0x6;
	s7 =	sshrl.u32 s5, $0x1  }
0xb: {  	_ =	strace $0x80000053;
	s4 =	sor.u32 s4, s6;
	s5 =	ssub.s32 s5, s7  }
0xc: {  	s6 =	sshrl.u32 s4, $0x3;
	s7 =	sadd.s32 $0xD08800, s0;
	s11 =	sshll.u32 s4, $0x7  }
0xd: {  	s4 =	sor.u32 $0x20, s4;
	s25 =	sadd.s32 s9, s6;
	s6 =	sadd.s32 s10, s6  }
0xe: {  	s26 =	sadd.s32 s11, s3;
	s12 =	sshrl.u32 s4, $0x3;
	[dreg:$0x3] =	wrdreg s25  }
0xf: {  	s11 =	sadd.s32 s2, s11;
	s30 =	sshll.u32 s4, $0x7;
	[dreg:$0x4] =	wrdreg s6  }
0x10: {  	s31 =	smax.u32 s5, $0x1;
	s6 =	sadd.s32 $0xD08700, s0;
	[dreg:$0x6] =	wrdreg s11  }
0x11: {  	s13 =	sadd.s32 $0x100000, s26;
	s9 =	sadd.s32 s9, s12;
	[dreg:$0xb] =	wrdreg s31  }
0x12: {  	s29 =	sadd.s32 s10, s12;
	s0 =	sadd.s32 $0x101000, s26;
	[dreg:$0x5] =	wrdreg s13  }
0x13: {  	s10 =	simm.s32 $0x11100;
	s11 =	simm.s32 $0x11900;
	[dreg:$0x7] =	wrdreg s9  }
0x14: {  	v2 =	vlaneseq.u32;
	s12 =	simm.s32 $0x12100;
	s25 =	simm.s32 $0x100;
	[dreg:$0x8] =	wrdreg s29  }
0x15: {  	vm0 =	vmmov $0xffff;
	v1 =	vshrl.u32 v2, $0x3;
	s26 =	simm.s32 $0x1;
	[dreg:$0x9] =	wrdreg s0;
	s0 =	sadd.s32 s2, s30  }
0x16: {  	v0 =	vand.u32 $0x7, v2;
	v2 =	vor.u32 $0x8, v2;
	v1 =	vmul.u32 $0x8, v1;
	s9 =	simm.s32 $0x80;
	s13 =	simm.s32 $0x13100;
	[dreg:$0xa] =	wrdreg s0  }
.LBB2_1:
0x17: {  	s0 =	rddreg [dreg:$0x3]  }
0x18: {  	[tilespmem:s1], [sflag:$0x2] =	stream.linear.gather [hbm4b:s0+s1], $0x20, $0x38;
	[tilespmem:$0x18100] =	vst v63  }
0x19: {  	_ =	swait.ge [sflag:s16], $0x20  }
0x1a: {  	[sflag:s16] =	ssyncset.done $0x0  }
0x1b: {  	s2 =	rddreg [dreg:$0x4];
	[sflag:s16] =	ssyncadd.s32 $0xFFFFFFE0  }
0x1c: {  	[tilespmem:s9], [sflag:$0x2] =	stream.linear.gather [hbm4b:s2+s1], $0x20, $0x38;
	[tilespmem:$0x18100] =	vst v63  }
0x1d: {  	_ =	swait.ge [sflag:s16], $0x20  }
0x1e: {  	[sflag:s16] =	ssyncset.done $0x0  }
0x1f: {  	[sflag:s16] =	ssyncadd.s32 $0xFFFFFFE0  }
0x20: {  	v3 =	vld [tilespmem:$0x0];
	_ =	sdelay $0x4  }
0x21: {  	v4 =	vshll.u32 v3, $0x3  }
0x22: {  	v3 =	vand.u32 $0x7, v3;
	v4 =	vand.u32 $0xFFFFFFC0, v4  }
0x23: {  	v3 =	vor.u32 v3, v4  }
0x24: {  	v4 =	vperm.xlane v3, v0;
	_ =	sdelay $0x1  }
0x25: {  	v4 =	vadd.s32 v1, v4;
	_ =	sdelay $0x3  }
0x26: {  	s4 =	simm.s32 $0x8100  }
0x27: {  	[tilespmem:s4], [sflag:$0x1] =	stream.indirect_vreg.gather [hbm4b:s3+s1], $0x80, v4, vm0, $0xb8;
	[tilespmem:$0x18100] =	vst v63  }
0x28: {  	s5 =	simm.s32 $0x8900;
	v3 =	vperm.xlane v3, v2  }
0x29: {  	[tilespmem:s5], [sflag:$0x1] =	stream.indirect_vreg.gather [hbm4b:s6+s1], $0x80, v4, vm0, $0xb8;
	[tilespmem:$0x18100] =	vst v63  }
0x2a: {  	s30 =	simm.s32 $0x9100;
	v3 =	vadd.s32 v1, v3  }
0x2b: {  	[tilespmem:s30], [sflag:$0x1] =	stream.indirect_vreg.gather [hbm4b:s7+s1], $0x80, v4, vm0, $0xb8;
	[tilespmem:$0x18100] =	vst v63  }
0x2c: {  	s31 =	simm.s32 $0x9900  }
0x2d: {  	[tilespmem:s31], [sflag:$0x1] =	stream.indirect_vreg.gather [hbm4b:s8+s1], $0x80, v4, vm0, $0xb8;
	[tilespmem:$0x18100] =	vst v63  }
0x2e: {  	s2 =	simm.s32 $0xA100  }
0x2f: {  	[tilespmem:s2], [sflag:$0x1] =	stream.indirect_vreg.gather [hbm4b:s3+s1], $0x80, v3, vm0, $0xb8;
	[tilespmem:$0x18100] =	vst v63  }
0x30: {  	s4 =	simm.s32 $0xA900  }
0x31: {  	[tilespmem:s4], [sflag:$0x1] =	stream.indirect_vreg.gather [hbm4b:s6+s1], $0x80, v3, vm0, $0xb8;
	[tilespmem:$0x18100] =	vst v63  }
0x32: {  	s5 =	simm.s32 $0xB100  }
0x33: {  	[tilespmem:s5], [sflag:$0x1] =	stream.indirect_vreg.gather [hbm4b:s7+s1], $0x80, v3, vm0, $0xb8;
	[tilespmem:$0x18100] =	vst v63  }
0x34: {  	s30 =	simm.s32 $0xB900  }
0x35: {  	[tilespmem:s30], [sflag:$0x1] =	stream.indirect_vreg.gather [hbm4b:s8+s1], $0x80, v3, vm0, $0xb8;
	[tilespmem:$0x18100] =	vst v63  }
0x36: {  	v3 =	vld [tilespmem:$0x10];
	_ =	sdelay $0x4  }
0x37: {  	v61 =	vshll.u32 v3, $0x3  }
0x38: {  	v3 =	vand.u32 $0x7, v3;
	v4 =	vand.u32 $0xFFFFFFC0, v61  }
0x39: {  	v3 =	vor.u32 v3, v4  }
0x3a: {  	v4 =	vperm.xlane v3, v0;
	_ =	sdelay $0x1  }
0x3b: {  	v4 =	vadd.s32 v1, v4;
	_ =	sdelay $0x3  }
0x3c: {  	s31 =	simm.s32 $0xC100  }
0x3d: {  	[tilespmem:s31], [sflag:$0x1] =	stream.indirect_vreg.gather [hbm4b:s3+s1], $0x80, v4, vm0, $0xb8;
	[tilespmem:$0x18100] =	vst v63  }
0x3e: {  	s2 =	simm.s32 $0xC900;
	v3 =	vperm.xlane v3, v2  }
0x3f: {  	[tilespmem:s2], [sflag:$0x1] =	stream.indirect_vreg.gather [hbm4b:s6+s1], $0x80, v4, vm0, $0xb8;
	[tilespmem:$0x18100] =	vst v63  }
0x40: {  	s4 =	simm.s32 $0xD100;
	v3 =	vadd.s32 v1, v3  }
0x41: {  	[tilespmem:s4], [sflag:$0x1] =	stream.indirect_vreg.gather [hbm4b:s7+s1], $0x80, v4, vm0, $0xb8;
	[tilespmem:$0x18100] =	vst v63  }
0x42: {  	s5 =	simm.s32 $0xD900  }
0x43: {  	[tilespmem:s5], [sflag:$0x1] =	stream.indirect_vreg.gather [hbm4b:s8+s1], $0x80, v4, vm0, $0xb8;
	[tilespmem:$0x18100] =	vst v63  }
0x44: {  	s30 =	simm.s32 $0xE100  }
0x45: {  	[tilespmem:s30], [sflag:$0x1] =	stream.indirect_vreg.gather [hbm4b:s3+s1], $0x80, v3, vm0, $0xb8;
	[tilespmem:$0x18100] =	vst v63  }
0x46: {  	s31 =	simm.s32 $0xE900  }
0x47: {  	[tilespmem:s31], [sflag:$0x1] =	stream.indirect_vreg.gather [hbm4b:s6+s1], $0x80, v3, vm0, $0xb8;
	[tilespmem:$0x18100] =	vst v63  }
0x48: {  	s2 =	simm.s32 $0xF100  }
0x49: {  	[tilespmem:s2], [sflag:$0x1] =	stream.indirect_vreg.gather [hbm4b:s7+s1], $0x80, v3, vm0, $0xb8;
	[tilespmem:$0x18100] =	vst v63  }
0x4a: {  	s4 =	simm.s32 $0xF900  }
0x4b: {  	[tilespmem:s4], [sflag:$0x1] =	stream.indirect_vreg.gather [hbm4b:s8+s1], $0x80, v3, vm0, $0xb8;
	[tilespmem:$0x18100] =	vst v63  }
0x4c: {  	v3 =	vld [tilespmem:$0x80];
	_ =	sdelay $0x4  }
0x4d: {  	v62 =	vshll.u32 v3, $0x3  }
0x4e: {  	v3 =	vand.u32 $0x7, v3;
	v4 =	vand.u32 $0xFFFFFFC0, v62  }
0x4f: {  	v3 =	vor.u32 v3, v4  }
0x50: {  	v4 =	vperm.xlane v3, v0;
	_ =	sdelay $0x1  }
0x51: {  	v4 =	vadd.s32 v1, v4;
	_ =	sdelay $0x3  }
0x52: {  	s5 =	simm.s32 $0x10100  }
0x53: {  	[tilespmem:s5], [sflag:$0x1] =	stream.indirect_vreg.gather [hbm4b:s3+s1], $0x80, v4, vm0, $0xb8;
	[tilespmem:$0x18100] =	vst v63  }
0x54: {  	s30 =	simm.s32 $0x10900;
	v3 =	vperm.xlane v3, v2  }
0x55: {  	[tilespmem:s30], [sflag:$0x1] =	stream.indirect_vreg.gather [hbm4b:s6+s1], $0x80, v4, vm0, $0xb8;
	[tilespmem:$0x18100] =	vst v63  }
0x56: {  	v3 =	vadd.s32 v1, v3  }
0x57: {  	[tilespmem:s10], [sflag:$0x1] =	stream.indirect_vreg.gather [hbm4b:s7+s1], $0x80, v4, vm0, $0xb8;
	[tilespmem:$0x18100] =	vst v63  }
0x58: {  	_ = 	snop  }
0x59: {  	[tilespmem:s11], [sflag:$0x1] =	stream.indirect_vreg.gather [hbm4b:s8+s1], $0x80, v4, vm0, $0xb8;
	[tilespmem:$0x18100] =	vst v63  }
0x5a: {  	_ = 	snop  }
0x5b: {  	[tilespmem:s12], [sflag:$0x1] =	stream.indirect_vreg.gather [hbm4b:s3+s1], $0x80, v3, vm0, $0xb8;
	[tilespmem:$0x18100] =	vst v63  }
0x5c: {  	_ = 	snop  }
0x5d: {  	[tilespmem:s17], [sflag:$0x1] =	stream.indirect_vreg.gather [hbm4b:s6+s1], $0x80, v3, vm0, $0xb8;
	[tilespmem:$0x18100] =	vst v63  }
0x5e: {  	_ = 	snop  }
0x5f: {  	[tilespmem:s13], [sflag:$0x1] =	stream.indirect_vreg.gather [hbm4b:s7+s1], $0x80, v3, vm0, $0xb8;
	[tilespmem:$0x18100] =	vst v63  }
0x60: {  	_ = 	snop  }
0x61: {  	[tilespmem:s18], [sflag:$0x1] =	stream.indirect_vreg.gather [hbm4b:s8+s1], $0x80, v3, vm0, $0xb8;
	[tilespmem:$0x18100] =	vst v63  }
0x62: {  	v3 =	vld [tilespmem:$0x90];
	_ =	sdelay $0x4  }
0x63: {  	v63 =	vshll.u32 v3, $0x3  }
0x64: {  	v3 =	vand.u32 $0x7, v3;
	v4 =	vand.u32 $0xFFFFFFC0, v63  }
0x65: {  	v3 =	vor.u32 v3, v4  }
0x66: {  	v4 =	vperm.xlane v3, v0;
	_ =	sdelay $0x1  }
0x67: {  	v4 =	vadd.s32 v1, v4;
	_ =	sdelay $0x4  }
0x68: {  	[tilespmem:s19], [sflag:$0x1] =	stream.indirect_vreg.gather [hbm4b:s3+s1], $0x80, v4, vm0, $0xb8;
	[tilespmem:$0x18100] =	vst v63  }
0x69: {  	v3 =	vperm.xlane v3, v2  }
0x6a: {  	[tilespmem:s14], [sflag:$0x1] =	stream.indirect_vreg.gather [hbm4b:s6+s1], $0x80, v4, vm0, $0xb8;
	[tilespmem:$0x18100] =	vst v63  }
0x6b: {  	v3 =	vadd.s32 v1, v3  }
0x6c: {  	[tilespmem:s20], [sflag:$0x1] =	stream.indirect_vreg.gather [hbm4b:s7+s1], $0x80, v4, vm0, $0xb8;
	[tilespmem:$0x18100] =	vst v63  }
0x6d: {  	_ = 	snop  }
0x6e: {  	[tilespmem:s15], [sflag:$0x1] =	stream.indirect_vreg.gather [hbm4b:s8+s1], $0x80, v4, vm0, $0xb8;
	[tilespmem:$0x18100] =	vst v63  }
0x6f: {  	_ = 	snop  }
0x70: {  	[tilespmem:s21], [sflag:$0x1] =	stream.indirect_vreg.gather [hbm4b:s3+s1], $0x80, v3, vm0, $0xb8;
	[tilespmem:$0x18100] =	vst v63  }
0x71: {  	_ = 	snop  }
0x72: {  	[tilespmem:s22], [sflag:$0x1] =	stream.indirect_vreg.gather [hbm4b:s6+s1], $0x80, v3, vm0, $0xb8;
	[tilespmem:$0x18100] =	vst v63  }
0x73: {  	_ = 	snop  }
0x74: {  	[tilespmem:s23], [sflag:$0x1] =	stream.indirect_vreg.gather [hbm4b:s7+s1], $0x80, v3, vm0, $0xb8;
	[tilespmem:$0x18100] =	vst v63  }
0x75: {  	_ = 	snop  }
0x76: {  	[tilespmem:s24], [sflag:$0x1] =	stream.indirect_vreg.gather [hbm4b:s8+s1], $0x80, v3, vm0, $0xb8;
	[tilespmem:$0x18100] =	vst v63  }
0x77: {  	s31 =	rddreg [dreg:$0x5]  }
0x78: {  	[tilespmem:s25], [sflag:$0x2] =	stream.linear.gather [hbm4b:s31+s1], $0x8000, $0x38;
	[tilespmem:$0x18100] =	vst v63  }
0x79: {  	_ =	swait.ge [sflag:s16], $0x8000  }
0x7a: {  	[sflag:s16] =	ssyncset.done $0x0  }
0x7b: {  	[sflag:s16] =	ssyncadd.s32 $0xFFFF8000  }
0x7c: {  	_ =	swait.ge [sflag:s26], $0x8000  }
0x7d: {  	[sflag:s26] =	ssyncset.done $0x0  }
0x7e: {  	[sflag:s26] =	ssyncadd.s32 $0xFFFF8000  }
0x7f: {  	_ =	swait.ge [sflag:s26], $0x8000  }
0x80: {  	[sflag:s26] =	ssyncset.done $0x0  }
0x81: {  	s29 =	simm.s32 $0x0;
	[sflag:s26] =	ssyncadd.s32 $0xFFFF8000  }
.LBB2_2:
0x82: {  	s0 =	sshll.u32 s29, $0xA;
	s2 =	sshll.u32 s29, $0x7  }
0x83: {  	s4 =	simm.s32 $0x0;
	s0 =	sand.u32 $0x6000, s0;
	s2 =	sand.u32 $0x380, s2  }
0x84: {  	s30 =	sor.u32 s0, s2;
	s2 =	sand.u32 $0x1C00, s4  }
0x85: {  	s5 =	sand.u32 $0x70, s4;
	s0 =	sor.u32 s2, s30  }
0x86: {  	s31 =	sor.u32 s5, s0  }
0x87: {  	v3 =	vld [tilespmem:s31+$0x8100]  }
0x88: {  	v4 =	vld [tilespmem:s31+$0x100];
	_ =	sdelay $0x1  }
0x89: {  	v5 =	vld [tilespmem:s31+$0x10100];
	_ =	sdelay $0x2  }
0x8a: {  	s0 =	simm.s32 $0x80;
	v3 =	vadd.f32 v3, v4  }
0x8b: {  	s4 =	simm.s32 $0x10;
	s5 =	sand.u32 $0x1C00, s0  }
0x8c: {  	s4 =	sand.u32 $0x70, s4;
	s2 =	simm.s32 $0x20;
	s5 =	sor.u32 s5, s30;
	v3 =	vadd.f32 v5, v3  }
.LBB2_3:
0x8d: {  	p0 =	sne.s32 s2, $0x3F0;
	s4 =	sor.u32 s4, s5  }
0x8e: {  	v4 =	vld [tilespmem:s4+$0x8100];
	[tilespmem:s31+$0x100] =	vst v3;
	s31 =	smov.u32 s4  }
0x8f: {  	v3 =	vld [tilespmem:s31+$0x100];
	_ =	sdelay $0x1  }
0x90: {  	v5 =	vld [tilespmem:s31+$0x10100]  }
.Ltmp0:
0x91: {  	(pc) =	sbr.rel @p0 .LBB2_3-.Ltmp0, $4  }
0x92: {  	_ = 	snop  }
0x93: {  	s0 =	sadd.s32 $0x80, s0;
	v3 =	vadd.f32 v4, v3  }
0x94: {  	s5 =	sand.u32 $0x1C00, s0  }
0x95: {  	s4 =	sand.u32 $0x70, s2;
	s2 =	sadd.s32 $0x10, s2;
	s5 =	sor.u32 s5, s30;
	v3 =	vadd.f32 v5, v3  }
0x96: {  	s0 =	sor.u32 s4, s5  }
0x97: {  	v4 =	vld [tilespmem:s0+$0x8100];
	[tilespmem:s31+$0x100] =	vst v3  }
0x98: {  	v3 =	vld [tilespmem:s0+$0x100];
	_ =	sdelay $0x1  }
0x99: {  	v5 =	vld [tilespmem:s0+$0x10100]  }
0x9a: {  	s29 =	sadd.s32 $0x1, s29  }
0x9b: {  	p0 =	sne.s32 s29, $0x20  }
.Ltmp1:
0x9c: {  	v3 =	vadd.f32 v4, v3;
	(pc) =	sbr.rel @p0 .LBB2_2-.Ltmp1, $3  }
0x9d: {  	_ = 	snop  }
0x9e: {  	v3 =	vadd.f32 v5, v3;
	_ =	sdelay $0x1  }
0x9f: {  	[tilespmem:s0+$0x100] =	vst v3  }
0xa0: {  	s29 =	simm.s32 $0x0;
	s0 =	rddreg [dreg:$0x6]  }
0xa1: {  	[hbm4b:s0+s29] =	stream.linear.scatter [tilespmem:s25], [sflag:$0x2], $0x8000, $0x38;
	[tilespmem:$0x18100] =	vst v63  }
0xa2: {  	_ =	swait.ge [sflag:s16], $0x8000  }
0xa3: {  	[sflag:s16] =	ssyncset.done $0x0  }
0xa4: {  	s31 =	rddreg [dreg:$0x7];
	[sflag:s16] =	ssyncadd.s32 $0xFFFF8000  }
0xa5: {  	[tilespmem:s29], [sflag:$0x2] =	stream.linear.gather [hbm4b:s31+s29], $0x20, $0x38;
	[tilespmem:$0x18100] =	vst v63  }
0xa6: {  	_ =	swait.ge [sflag:s16], $0x20  }
0xa7: {  	[sflag:s16] =	ssyncset.done $0x0  }
0xa8: {  	s2 =	rddreg [dreg:$0x8];
	[sflag:s16] =	ssyncadd.s32 $0xFFFFFFE0  }
0xa9: {  	[tilespmem:s9], [sflag:$0x2] =	stream.linear.gather [hbm4b:s2+s29], $0x20, $0x38;
	[tilespmem:$0x18100] =	vst v63  }
0xaa: {  	_ =	swait.ge [sflag:s16], $0x20  }
0xab: {  	[sflag:s16] =	ssyncset.done $0x0  }
0xac: {  	[sflag:s16] =	ssyncadd.s32 $0xFFFFFFE0  }
0xad: {  	v3 =	vld [tilespmem:$0x0];
	_ =	sdelay $0x4  }
0xae: {  	v4 =	vshll.u32 v3, $0x3  }
0xaf: {  	v3 =	vand.u32 $0x7, v3;
	v4 =	vand.u32 $0xFFFFFFC0, v4  }
0xb0: {  	v3 =	vor.u32 v3, v4  }
0xb1: {  	v4 =	vperm.xlane v3, v0;
	_ =	sdelay $0x1  }
0xb2: {  	v4 =	vadd.s32 v1, v4;
	_ =	sdelay $0x3  }
0xb3: {  	s4 =	simm.s32 $0x8100  }
0xb4: {  	[tilespmem:s4], [sflag:$0x1] =	stream.indirect_vreg.gather [hbm4b:s3+s29], $0x80, v4, vm0, $0xb8;
	[tilespmem:$0x18100] =	vst v63  }
0xb5: {  	s5 =	simm.s32 $0x8900;
	v3 =	vperm.xlane v3, v2  }
0xb6: {  	[tilespmem:s5], [sflag:$0x1] =	stream.indirect_vreg.gather [hbm4b:s6+s29], $0x80, v4, vm0, $0xb8;
	[tilespmem:$0x18100] =	vst v63  }
0xb7: {  	s9 =	simm.s32 $0x9100;
	v3 =	vadd.s32 v1, v3  }
0xb8: {  	[tilespmem:s9], [sflag:$0x1] =	stream.indirect_vreg.gather [hbm4b:s7+s29], $0x80, v4, vm0, $0xb8;
	[tilespmem:$0x18100] =	vst v63  }
0xb9: {  	s31 =	simm.s32 $0x9900  }
0xba: {  	[tilespmem:s31], [sflag:$0x1] =	stream.indirect_vreg.gather [hbm4b:s8+s29], $0x80, v4, vm0, $0xb8;
	[tilespmem:$0x18100] =	vst v63  }
0xbb: {  	s2 =	simm.s32 $0xA100  }
0xbc: {  	[tilespmem:s2], [sflag:$0x1] =	stream.indirect_vreg.gather [hbm4b:s3+s29], $0x80, v3, vm0, $0xb8;
	[tilespmem:$0x18100] =	vst v63  }
0xbd: {  	s4 =	simm.s32 $0xA900  }
0xbe: {  	[tilespmem:s4], [sflag:$0x1] =	stream.indirect_vreg.gather [hbm4b:s6+s29], $0x80, v3, vm0, $0xb8;
	[tilespmem:$0x18100] =	vst v63  }
0xbf: {  	s5 =	simm.s32 $0xB100  }
0xc0: {  	[tilespmem:s5], [sflag:$0x1] =	stream.indirect_vreg.gather [hbm4b:s7+s29], $0x80, v3, vm0, $0xb8;
	[tilespmem:$0x18100] =	vst v63  }
0xc1: {  	s9 =	simm.s32 $0xB900  }
0xc2: {  	[tilespmem:s9], [sflag:$0x1] =	stream.indirect_vreg.gather [hbm4b:s8+s29], $0x80, v3, vm0, $0xb8;
	[tilespmem:$0x18100] =	vst v63  }
0xc3: {  	v3 =	vld [tilespmem:$0x10];
	_ =	sdelay $0x4  }
0xc4: {  	v61 =	vshll.u32 v3, $0x3  }
0xc5: {  	v3 =	vand.u32 $0x7, v3;
	v4 =	vand.u32 $0xFFFFFFC0, v61  }
0xc6: {  	v3 =	vor.u32 v3, v4  }
0xc7: {  	v4 =	vperm.xlane v3, v0;
	_ =	sdelay $0x1  }
0xc8: {  	v4 =	vadd.s32 v1, v4;
	_ =	sdelay $0x3  }
0xc9: {  	s31 =	simm.s32 $0xC100  }
0xca: {  	[tilespmem:s31], [sflag:$0x1] =	stream.indirect_vreg.gather [hbm4b:s3+s29], $0x80, v4, vm0, $0xb8;
	[tilespmem:$0x18100] =	vst v63  }
0xcb: {  	s2 =	simm.s32 $0xC900;
	v3 =	vperm.xlane v3, v2  }
0xcc: {  	[tilespmem:s2], [sflag:$0x1] =	stream.indirect_vreg.gather [hbm4b:s6+s29], $0x80, v4, vm0, $0xb8;
	[tilespmem:$0x18100] =	vst v63  }
0xcd: {  	s4 =	simm.s32 $0xD100;
	v3 =	vadd.s32 v1, v3  }
0xce: {  	[tilespmem:s4], [sflag:$0x1] =	stream.indirect_vreg.gather [hbm4b:s7+s29], $0x80, v4, vm0, $0xb8;
	[tilespmem:$0x18100] =	vst v63  }
0xcf: {  	s5 =	simm.s32 $0xD900  }
0xd0: {  	[tilespmem:s5], [sflag:$0x1] =	stream.indirect_vreg.gather [hbm4b:s8+s29], $0x80, v4, vm0, $0xb8;
	[tilespmem:$0x18100] =	vst v63  }
0xd1: {  	s9 =	simm.s32 $0xE100  }
0xd2: {  	[tilespmem:s9], [sflag:$0x1] =	stream.indirect_vreg.gather [hbm4b:s3+s29], $0x80, v3, vm0, $0xb8;
	[tilespmem:$0x18100] =	vst v63  }
0xd3: {  	s31 =	simm.s32 $0xE900  }
0xd4: {  	[tilespmem:s31], [sflag:$0x1] =	stream.indirect_vreg.gather [hbm4b:s6+s29], $0x80, v3, vm0, $0xb8;
	[tilespmem:$0x18100] =	vst v63  }
0xd5: {  	s2 =	simm.s32 $0xF100  }
0xd6: {  	[tilespmem:s2], [sflag:$0x1] =	stream.indirect_vreg.gather [hbm4b:s7+s29], $0x80, v3, vm0, $0xb8;
	[tilespmem:$0x18100] =	vst v63  }
0xd7: {  	s4 =	simm.s32 $0xF900  }
0xd8: {  	[tilespmem:s4], [sflag:$0x1] =	stream.indirect_vreg.gather [hbm4b:s8+s29], $0x80, v3, vm0, $0xb8;
	[tilespmem:$0x18100] =	vst v63  }
0xd9: {  	v3 =	vld [tilespmem:$0x80];
	_ =	sdelay $0x4  }
0xda: {  	v62 =	vshll.u32 v3, $0x3  }
0xdb: {  	v3 =	vand.u32 $0x7, v3;
	v4 =	vand.u32 $0xFFFFFFC0, v62  }
0xdc: {  	v3 =	vor.u32 v3, v4  }
0xdd: {  	v4 =	vperm.xlane v3, v0;
	_ =	sdelay $0x1  }
0xde: {  	v4 =	vadd.s32 v1, v4;
	_ =	sdelay $0x3  }
0xdf: {  	s5 =	simm.s32 $0x10100  }
0xe0: {  	[tilespmem:s5], [sflag:$0x1] =	stream.indirect_vreg.gather [hbm4b:s3+s29], $0x80, v4, vm0, $0xb8;
	[tilespmem:$0x18100] =	vst v63  }
0xe1: {  	s9 =	simm.s32 $0x10900;
	v3 =	vperm.xlane v3, v2  }
0xe2: {  	[tilespmem:s9], [sflag:$0x1] =	stream.indirect_vreg.gather [hbm4b:s6+s29], $0x80, v4, vm0, $0xb8;
	[tilespmem:$0x18100] =	vst v63  }
0xe3: {  	v3 =	vadd.s32 v1, v3  }
0xe4: {  	[tilespmem:s10], [sflag:$0x1] =	stream.indirect_vreg.gather [hbm4b:s7+s29], $0x80, v4, vm0, $0xb8;
	[tilespmem:$0x18100] =	vst v63  }
0xe5: {  	_ = 	snop  }
0xe6: {  	[tilespmem:s11], [sflag:$0x1] =	stream.indirect_vreg.gather [hbm4b:s8+s29], $0x80, v4, vm0, $0xb8;
	[tilespmem:$0x18100] =	vst v63  }
0xe7: {  	_ = 	snop  }
0xe8: {  	[tilespmem:s12], [sflag:$0x1] =	stream.indirect_vreg.gather [hbm4b:s3+s29], $0x80, v3, vm0, $0xb8;
	[tilespmem:$0x18100] =	vst v63  }
0xe9: {  	_ = 	snop  }
0xea: {  	[tilespmem:s17], [sflag:$0x1] =	stream.indirect_vreg.gather [hbm4b:s6+s29], $0x80, v3, vm0, $0xb8;
	[tilespmem:$0x18100] =	vst v63  }
0xeb: {  	_ = 	snop  }
0xec: {  	[tilespmem:s13], [sflag:$0x1] =	stream.indirect_vreg.gather [hbm4b:s7+s29], $0x80, v3, vm0, $0xb8;
	[tilespmem:$0x18100] =	vst v63  }
0xed: {  	_ = 	snop  }
0xee: {  	[tilespmem:s18], [sflag:$0x1] =	stream.indirect_vreg.gather [hbm4b:s8+s29], $0x80, v3, vm0, $0xb8;
	[tilespmem:$0x18100] =	vst v63  }
0xef: {  	v3 =	vld [tilespmem:$0x90];
	_ =	sdelay $0x4  }
0xf0: {  	v63 =	vshll.u32 v3, $0x3  }
0xf1: {  	v3 =	vand.u32 $0x7, v3;
	v4 =	vand.u32 $0xFFFFFFC0, v63  }
0xf2: {  	v3 =	vor.u32 v3, v4  }
0xf3: {  	v4 =	vperm.xlane v3, v0;
	_ =	sdelay $0x1  }
0xf4: {  	v4 =	vadd.s32 v1, v4;
	_ =	sdelay $0x4  }
0xf5: {  	[tilespmem:s19], [sflag:$0x1] =	stream.indirect_vreg.gather [hbm4b:s3+s29], $0x80, v4, vm0, $0xb8;
	[tilespmem:$0x18100] =	vst v63  }
0xf6: {  	v3 =	vperm.xlane v3, v2  }
0xf7: {  	[tilespmem:s14], [sflag:$0x1] =	stream.indirect_vreg.gather [hbm4b:s6+s29], $0x80, v4, vm0, $0xb8;
	[tilespmem:$0x18100] =	vst v63  }
0xf8: {  	v3 =	vadd.s32 v1, v3  }
0xf9: {  	[tilespmem:s20], [sflag:$0x1] =	stream.indirect_vreg.gather [hbm4b:s7+s29], $0x80, v4, vm0, $0xb8;
	[tilespmem:$0x18100] =	vst v63  }
0xfa: {  	_ = 	snop  }
0xfb: {  	[tilespmem:s15], [sflag:$0x1] =	stream.indirect_vreg.gather [hbm4b:s8+s29], $0x80, v4, vm0, $0xb8;
	[tilespmem:$0x18100] =	vst v63  }
0xfc: {  	_ = 	snop  }
0xfd: {  	[tilespmem:s21], [sflag:$0x1] =	stream.indirect_vreg.gather [hbm4b:s3+s29], $0x80, v3, vm0, $0xb8;
	[tilespmem:$0x18100] =	vst v63  }
0xfe: {  	_ = 	snop  }
0xff: {  	[tilespmem:s22], [sflag:$0x1] =	stream.indirect_vreg.gather [hbm4b:s6+s29], $0x80, v3, vm0, $0xb8;
	[tilespmem:$0x18100] =	vst v63  }
0x100: {  	_ = 	snop  }
0x101: {  	[tilespmem:s23], [sflag:$0x1] =	stream.indirect_vreg.gather [hbm4b:s7+s29], $0x80, v3, vm0, $0xb8;
	[tilespmem:$0x18100] =	vst v63  }
0x102: {  	_ = 	snop  }
0x103: {  	[tilespmem:s24], [sflag:$0x1] =	stream.indirect_vreg.gather [hbm4b:s8+s29], $0x80, v3, vm0, $0xb8;
	[tilespmem:$0x18100] =	vst v63  }
0x104: {  	s31 =	rddreg [dreg:$0x9]  }
0x105: {  	[tilespmem:s25], [sflag:$0x2] =	stream.linear.gather [hbm4b:s31+s29], $0x8000, $0x38;
	[tilespmem:$0x18100] =	vst v63  }
0x106: {  	_ =	swait.ge [sflag:s16], $0x8000  }
0x107: {  	[sflag:s16] =	ssyncset.done $0x0  }
0x108: {  	[sflag:s16] =	ssyncadd.s32 $0xFFFF8000  }
0x109: {  	_ =	swait.ge [sflag:s26], $0x8000  }
0x10a: {  	[sflag:s26] =	ssyncset.done $0x0  }
0x10b: {  	[sflag:s26] =	ssyncadd.s32 $0xFFFF8000  }
0x10c: {  	_ =	swait.ge [sflag:s26], $0x8000  }
0x10d: {  	[sflag:s26] =	ssyncset.done $0x0  }
0x10e: {  	s30 =	simm.s32 $0x0;
	[sflag:s26] =	ssyncadd.s32 $0xFFFF8000  }
.LBB2_6:
0x10f: {  	s0 =	sshll.u32 s30, $0xA;
	s2 =	sshll.u32 s30, $0x7  }
0x110: {  	s0 =	sand.u32 $0x6000, s0;
	s2 =	sand.u32 $0x380, s2  }
0x111: {  	s5 =	sand.u32 $0x1C00, s29;
	s31 =	sor.u32 s0, s2  }
0x112: {  	s9 =	sand.u32 $0x70, s29;
	s0 =	sor.u32 s5, s31  }
0x113: {  	s0 =	sor.u32 s9, s0  }
0x114: {  	v3 =	vld [tilespmem:s0+$0x8100]  }
0x115: {  	v4 =	vld [tilespmem:s0+$0x100];
	_ =	sdelay $0x1  }
0x116: {  	v5 =	vld [tilespmem:s0+$0x10100];
	_ =	sdelay $0x2  }
0x117: {  	s2 =	simm.s32 $0x80;
	v3 =	vadd.f32 v3, v4  }
0x118: {  	s4 =	simm.s32 $0x10;
	s9 =	sand.u32 $0x1C00, s2  }
0x119: {  	s5 =	sand.u32 $0x70, s4;
	s4 =	simm.s32 $0x20;
	s9 =	sor.u32 s9, s31;
	v3 =	vadd.f32 v5, v3  }
.LBB2_7:
0x11a: {  	p0 =	sne.s32 s4, $0x3F0;
	s5 =	sor.u32 s5, s9  }
0x11b: {  	v4 =	vld [tilespmem:s5+$0x8100];
	[tilespmem:s0+$0x100] =	vst v3;
	s0 =	smov.u32 s5  }
0x11c: {  	v3 =	vld [tilespmem:s0+$0x100];
	_ =	sdelay $0x1  }
0x11d: {  	v5 =	vld [tilespmem:s0+$0x10100]  }
.Ltmp2:
0x11e: {  	(pc) =	sbr.rel @p0 .LBB2_7-.Ltmp2, $4  }
0x11f: {  	_ = 	snop  }
0x120: {  	s2 =	sadd.s32 $0x80, s2;
	v3 =	vadd.f32 v4, v3  }
0x121: {  	s9 =	sand.u32 $0x1C00, s2  }
0x122: {  	s5 =	sand.u32 $0x70, s4;
	s4 =	sadd.s32 $0x10, s4;
	s9 =	sor.u32 s9, s31;
	v3 =	vadd.f32 v5, v3  }
0x123: {  	s2 =	sor.u32 s5, s9  }
0x124: {  	v4 =	vld [tilespmem:s2+$0x8100];
	[tilespmem:s0+$0x100] =	vst v3  }
0x125: {  	v3 =	vld [tilespmem:s2+$0x100];
	_ =	sdelay $0x1  }
0x126: {  	v5 =	vld [tilespmem:s2+$0x10100]  }
0x127: {  	s30 =	sadd.s32 $0x1, s30  }
0x128: {  	p0 =	sne.s32 s30, $0x20  }
.Ltmp3:
0x129: {  	v3 =	vadd.f32 v4, v3;
	(pc) =	sbr.rel @p0 .LBB2_6-.Ltmp3, $3  }
0x12a: {  	_ = 	snop  }
0x12b: {  	v3 =	vadd.f32 v5, v3;
	_ =	sdelay $0x1  }
0x12c: {  	[tilespmem:s2+$0x100] =	vst v3  }
0x12d: {  	s0 =	rddreg [dreg:$0xa]  }
0x12e: {  	[hbm4b:s0+s1] =	stream.linear.scatter [tilespmem:s25], [sflag:$0x2], $0x8000, $0x38;
	[tilespmem:$0x18100] =	vst v63  }
0x12f: {  	_ =	swait.ge [sflag:s16], $0x8000  }
0x130: {  	s28 =	sadd.s32 $0x1, s28;
	s31 =	rddreg [dreg:$0xb]  }
0x131: {  	p0 =	sne.s32 s28, s31  }
.Ltmp4:
0x132: {  	_ = 	snop;
	(pc) =	sbr.rel @p0 .LBB2_1-.Ltmp4, $3  }
0x133: {  	_ =	sdelay $0x1  }
0x134: {  	[sflag:s16] =	ssyncset.done $0x0  }
0x135: {  	s9 =	simm.s32 $0x80;
	[sflag:s16] =	ssyncadd.s32 $0xFFFF8000  }
0x136: {  	_ =	sfence.sel $0x180000  }
0x137: {  	[bflag:$0x0] =	sbarrier.arrive $0xFFFF  }
0x138: {  	_ =	strace $0x90000053  }
0x139: {  	s0 =	stileid.u32;
	[bflag:$0x2] =	sbarrier.arrive $0xFFFF  }
0x13a: {  	p0 =	sne.s32 s0, $0x0;
	s0 =	rddreg [dreg:$0x2]  }
0x13b: {  	s0 =	sadd.s32 @!p0 $0x100000, s0  }
0x13c: {  	[sflag:s0] =	ssyncadd.tile.s32 @!p0 $0x1;
	_ =	shalt  }
.Lfunc_end2:
_tile_overlayer_lowered:
.L_overlay_start_2:
0x13d: {  	(tag) =	ssettag $0x2  }
0x13e: {  	s0 =	rddreg [dreg:$0x0];
	s2 =	stileid.u32  }
0x13f: {  	s1 =	rddreg [dreg:$0x1];
	p0 =	sne.s32 s2, $0x0  }
0x140: {  	s3 =	rddreg [dreg:$0x2];
	[bflag:$0x3] =	sbarrier.arrive $0xFFFF;
	s2 =	simm.s32 @!p0 $0x1C02  }
0x141: {  	[timem:s3], [sflag:s2] =	dma.local @!p0 [hbm:s0], s1  }
0x142: {  	s0 =	simm.s32 @!p0 $0x2  }
0x143: {  	_ =	swait.ge @!p0 [sflag:s0], s1  }
0x144: {  	s1 =	ssub.s32 @!p0 $0x0, s1;
	[sflag:s0] =	ssyncset.done @!p0 $0x0  }
0x145: {  	[sflag:s0] =	ssyncadd.s32 @!p0 s1  }
0x146: {  	[bflag:$0x3] =	sbarrier.arrive $0xFFFF  }
0x147: {  	_ =	shalt  }

// kernel: scatter_offload_async_start
scs
__scs_entry_jumppad:
0x0: {  	(pc) =	sbr.rel $0x88, $3  }
0x1: {  	(tag) =	ssettag $0x0;
	lr =	simm.s32 $0x1  }
0x2: {  	[smem:$0x3F98] =	sst lr;
	_ =	strace $0xD0000000  }
0x3: {  	_ = 	snop  }
0x4: {  	_ = 	snop  }
0x5: {  	_ = 	snop  }
0x6: {  	_ = 	snop  }
0x7: {  	_ = 	snop  }
__scs_overlays_trampoline_lowered:
0x8: {  	[smem:$0x3FA7] =	sst s0  }
0x9: {  	[smem:$0x3FA8] =	sst s1  }
0xa: {  	[smem:$0x3FA9] =	sst s2  }
0xb: {  	[smem:$0x3FAA] =	sst s3  }
0xc: {  	[smem:$0x3FAB] =	sst s4  }
0xd: {  	[smem:$0x3FAC] =	sst s5  }
0xe: {  	[smem:$0x3FAD] =	sst s6  }
0xf: {  	[smem:$0x3FAE] =	sst s7  }
0x10: {  	[smem:$0x3FAF] =	sst s8  }
0x11: {  	[smem:$0x3FB0] =	sst s9;
	s0 =	simm.s32 @!p0 $0x0  }
0x12: {  	s1 =	sld [smem:$0x3F96];
	s0 =	simm.s32 @p0 $0x1  }
0x13: {  	[smem:$0x3FB1] =	sst s0;
	s0 =	simm.s32 @!p1 $0x0  }
0x14: {  	s2 =	sld [smem:$0x3F95];
	s0 =	simm.s32 @p1 $0x1  }
0x15: {  	[smem:$0x3FB2] =	sst s0;
	s0 =	simm.s32 @!p2 $0x0  }
0x16: {  	s3 =	sld [smem:$0x3FDB];
	s0 =	simm.s32 @p2 $0x1  }
0x17: {  	s4 =	simm.s32 $0x1BF5;
	[smem:$0x3FB4] =	sst s0  }
0x18: {  	s0 =	sld [smem:$0x3F97];
	_ =	swait.ge [sflag:s4], $0x0  }
0x19: {  	s7 =	sld [smem:$0x3F98]  }
0x1a: {  	s8 =	sadd.s32 $0xFFFFE003, lr  }
0x1b: {  	s9 =	sadd.s32 $0xFFFFFEF7, lr;
	s5 =	simm.s32 $0xFFFFFFFF;
	p2 =	slt.u32 s8, $0xFFFFF086  }
0x1c: {  	p1 =	slt.u32 s9, $0xF7A;
	s5 =	simm.s32 @!p2 $0x0  }
0x1d: {  	s5 =	simm.s32 @p1 $0x1;
	p0 =	seq.s32 s7, s2  }
0x1e: {  	s7 =	smul.u32 @!p0 $0xF7A, s2;
	p2 =	seq.s32 @!p0 s5, $0x0  }
0x1f: {  	s9 =	smul.u32 $0xF7A, s1;
	s8 =	simm.s32 @!p0 $0x1BF5;
	p2 =	por !p2, p0  }
0x20: {  	[sflag:s8] =	ssyncset.s32 @!p0 $0xFFFFF086;
	s6 =	sadd.s32 @!p0 s3, s7;
	s7 =	simm.s32 @!p0 $0x108  }
0x21: {  	s3 =	sadd.s32 s3, s9;
	s6 =	sadd.s32 @!p0 $0x88, s6;
	s7 =	simm.s32 @p2 $0x1082  }
0x22: {  	[simem:s7], [sflag:s8] =	dma.local @!p0 [hbm:s6], $0xF7A  }
0x23: {  	s9 =	sor.u32 $0xD0000000, s2;
	s6 =	simm.s32 $0x108;
	_ =	swait.ge @!p0 [sflag:s8], $0x0  }
0x24: {  	s3 =	sadd.s32 $0x88, s3;
	s6 =	simm.s32 @!p1 $0x1082;
	[sflag:s4] =	ssyncset.s32 $0xFFFFF086  }
0x25: {  	[simem:s6], [sflag:s4] =	dma.local [hbm:s3], $0xF7A  }
0x26: {  	[smem:$0x3F98] =	sst s1;
	(tag) =	ssettag s2;
	_ =	strace s9  }
0x27: {  	s1 =	sld [smem:$0x3FA8]  }
0x28: {  	s2 =	sld [smem:$0x3FA9]  }
0x29: {  	s4 =	sld [smem:$0x3FAB]  }
0x2a: {  	p0 =	seq.s32 s5, $0x0;
	s5 =	sld [smem:$0x3FAC]  }
0x2b: {  	s6 =	sld [smem:$0x3FAD]  }
0x2c: {  	s7 =	sld [smem:$0x3FAE]  }
0x2d: {  	s3 =	simm.s32 $0x108;
	s8 =	sld [smem:$0x3FAF]  }
0x2e: {  	s3 =	simm.s32 @!p0 $0x1082;
	s9 =	sld [smem:$0x3FB0]  }
0x2f: {  	lr =	sadd.s32 s0, s3;
	s0 =	sld [smem:$0x3FA7]  }
0x30: {  	s3 =	sld [smem:$0x3FAA]  }
0x31: {  	[smem:$0x3FB3] =	sst s10  }
0x32: {  	s10 =	sld [smem:$0x3FB1];
	_ =	sdelay $0x3  }
0x33: {  	p0 =	seq.s32 s10, $0x1;
	s10 =	sld [smem:$0x3FB3];
	_ =	sdelay $0x3  }
0x34: {  	[smem:$0x3FB3] =	sst s10  }
0x35: {  	s10 =	sld [smem:$0x3FB2];
	_ =	sdelay $0x3  }
0x36: {  	p1 =	seq.s32 s10, $0x1;
	s10 =	sld [smem:$0x3FB3];
	_ =	sdelay $0x3  }
0x37: {  	[smem:$0x3FB3] =	sst s10  }
0x38: {  	s10 =	sld [smem:$0x3FB4]  }
0x39: {  	_ = 	snop;
	(pc) =	sbr.ind lr, $3  }
0x3a: {  	_ = 	snop  }
0x3b: {  	_ = 	snop  }
0x3c: {  	p2 =	seq.s32 s10, $0x1;
	s10 =	sld [smem:$0x3FB3]  }
0x3d: {  	_ =	shalt  }
0x3e: {  	_ =	shalt  }
0x3f: {  	_ =	shalt  }
0x40: {  	_ =	shalt  }
0x41: {  	_ =	shalt  }
0x42: {  	_ =	shalt  }
0x43: {  	_ =	shalt  }
0x44: {  	_ =	shalt  }
0x45: {  	_ =	shalt  }
0x46: {  	_ =	shalt  }
0x47: {  	_ =	shalt  }
0x48: {  	_ =	shalt  }
0x49: {  	_ =	shalt  }
0x4a: {  	_ =	shalt  }
0x4b: {  	_ =	shalt  }
0x4c: {  	_ =	shalt  }
0x4d: {  	_ =	shalt  }
0x4e: {  	_ =	shalt  }
0x4f: {  	_ =	shalt  }
0x50: {  	_ =	shalt  }
0x51: {  	_ =	shalt  }
0x52: {  	_ =	shalt  }
0x53: {  	_ =	shalt  }
0x54: {  	_ =	shalt  }
0x55: {  	_ =	shalt  }
0x56: {  	_ =	shalt  }
0x57: {  	_ =	shalt  }
0x58: {  	_ =	shalt  }
0x59: {  	_ =	shalt  }
0x5a: {  	_ =	shalt  }
0x5b: {  	_ =	shalt  }
0x5c: {  	_ =	shalt  }
0x5d: {  	_ =	shalt  }
0x5e: {  	_ =	shalt  }
0x5f: {  	_ =	shalt  }
0x60: {  	_ =	shalt  }
0x61: {  	_ =	shalt  }
0x62: {  	_ =	shalt  }
0x63: {  	_ =	shalt  }
0x64: {  	_ =	shalt  }
0x65: {  	_ =	shalt  }
0x66: {  	_ =	shalt  }
0x67: {  	_ =	shalt  }
0x68: {  	_ =	shalt  }
0x69: {  	_ =	shalt  }
0x6a: {  	_ =	shalt  }
0x6b: {  	_ =	shalt  }
0x6c: {  	_ =	shalt  }
0x6d: {  	_ =	shalt  }
0x6e: {  	_ =	shalt  }
0x6f: {  	_ =	shalt  }
0x70: {  	_ =	shalt  }
0x71: {  	_ =	shalt  }
0x72: {  	_ =	shalt  }
0x73: {  	_ =	shalt  }
0x74: {  	_ =	shalt  }
0x75: {  	_ =	shalt  }
0x76: {  	_ =	shalt  }
0x77: {  	_ =	shalt  }
0x78: {  	_ =	shalt  }
0x79: {  	_ =	shalt  }
0x7a: {  	_ =	shalt  }
0x7b: {  	_ =	shalt  }
0x7c: {  	_ =	shalt  }
0x7d: {  	_ =	shalt  }
0x7e: {  	_ =	shalt  }
0x7f: {  	_ =	shalt  }
0x80: {  	_ =	shalt  }
0x81: {  	_ =	shalt  }
0x82: {  	_ =	shalt  }
0x83: {  	_ =	shalt  }
0x84: {  	_ =	shalt  }
0x85: {  	_ =	shalt  }
0x86: {  	_ =	shalt  }
0x87: {  	_ =	shalt  }
.Lfunc_end0:
.L_simem_size_0:
called_computation_lowered:
.L_overlay_start_0:
0x88: {  	s0 =	sld [smem:$0x3FD9]  }
0x89: {  	s1 =	sld [smem:$0x3FFE];
	_ =	sdelay $0x3  }
0x8a: {  	s0 =	sadd.s32 s1, s0  }
0x8b: {  	[smem:$0x3FBF] =	sst s0  }
0x8c: {  	_ = 	snop  }
0x8d: {  	s0 =	sld [smem:$0x3FD0];
	_ =	sdelay $0x2  }
0x8e: {  	s13 =	simm.s32 $0xB;
	s2 =	simm.s32 $0x10  }
0x8f: {  	[smem:s2], [sflag:s13] =	dma.local [hbm:s0], $0x1  }
0x90: {  	_ =	swait.eq [sflag:s13], $0x1  }
0x91: {  	[sflag:s13] =	ssyncset.done $0x0  }
0x92: {  	s14 =	sld [smem:$0x10];
	[sflag:s13] =	ssyncadd.s32 $0xFFFFFFFF  }
0x93: {  	s15 =	sld [smem:$0x11];
	(tm) =	ssettm $0x1  }
0x94: {  	s16 =	sld [smem:$0x3FFB];
	_ =	sdelay $0x3  }
0x95: {  	_ =	strace s16  }
0x96: {  	s2 =	sld [smem:$0x3FFC];
	_ =	sdelay $0x3  }
0x97: {  	_ =	strace s2  }
0x98: {  	s2 =	sld [smem:$0x3FFD];
	_ =	sdelay $0x3  }
0x99: {  	_ =	strace s2  }
0x9a: {  	_ =	strace $0x8FFFFFFF  }
0x9b: {  	s17 =	sld [smem:$0x3FDB];
	_ =	sdelay $0x1  }
0x9c: {  	s3 =	simm.s32 $_scs_section_size  }
0x9d: {  	s4 =	simm.s32 $_size__tile_overlayer_lowered;
	s5 =	simm.s32 $_tile_overlayer_lowered  }
0x9e: {  	s20 =	simm.s32 $0x1BFF;
	s19 =	sshll.u32 s5, $0x1;
	s2 =	sadd.s32 s3, s17  }
0x9f: {  	s6 =	simm.s32 $0x0;
	s18 =	sshll.u32 s4, $0x1;
	s4 =	sadd.s32 s19, s2  }
0xa0: {  	[timem:s6], [sflag:s20] =	dma.local [hbm:s4], s18  }
0xa1: {  	_ =	swait.ge [sflag:s20], s18  }
0xa2: {  	s3 =	ssub.s32 $0x0, s18;
	[sflag:s20] =	ssyncset.done $0x0  }
0xa3: {  	[sflag:s20] =	ssyncadd.s32 s3;
	_ =	sdelay $0x1  }
0xa4: {  	s21 =	simm.s32 $0x1B8B  }
0xa5: {  	_ =	swait.ge [sflag:s21], $0x1  }
0xa6: {  	[sflag:s21] =	ssyncset.done $0x0  }
0xa7: {  	s23 =	simm.s32 $0x1B8E;
	s22 =	sld [smem:$0x3FFE];
	[sflag:s21] =	ssyncadd.s32 $0xFFFFFFFF  }
0xa8: {  	s24 =	simm.s32 $execute0_lowered;
	[smem:$0x3FD2] =	sst s23  }
0xa9: {  	s4 =	sshll.u32 s24, $0x1;
	_ =	strace $0x80000049;
	[dreg:$0x1] =	wrdreg $0xFFFFFFFF  }
0xaa: {  	s25 =	simm.s32 $_size_execute0_lowered;
	s2 =	sadd.s32 s2, s4;
	[dreg:$0x0] =	wrdreg $0x0  }
0xab: {  	s4 =	sshll.u32 s25, $0x1;
	[dreg:$0x2] =	wrdreg s2  }
0xac: {  	[dreg:$0x3] =	wrdreg s4  }
0xad: {  	[dreg:$0x4] =	wrdreg $0xC0  }
0xae: {  	_ =	task [dreg:s6], $0x5FFFF  }
0xaf: {  	[dreg:$0x1] =	wrdreg $0xFFFFFFFF  }
0xb0: {  	[dreg:$0x0] =	wrdreg $0x60  }
0xb1: {  	[dreg:$0x2] =	wrdreg s15  }
0xb2: {  	[dreg:$0x3] =	wrdreg s14  }
0xb3: {  	[dreg:$0x4] =	wrdreg s22  }
0xb4: {  	[dreg:$0x5] =	wrdreg $0x9  }
0xb5: {  	_ =	task.clear_ibuf [dreg:s6], $0x6FFFF;
	_ =	strace $0x90000049  }
0xb6: {  	s26 =	simm.s32 $0x9;
	_ =	strace $0x8000004B  }
0xb7: {  	_ =	swait.ge [sflag:s26], $0x1  }
0xb8: {  	[sflag:s26] =	ssyncadd.s32 $0xFFFFFFFF  }
0xb9: {  	_ =	strace $0x9000004B  }
0xba: {  	_ =	sfence  }
0xbb: {  	s28 =	sld [smem:$0x0];
	_ =	sdelay $0x1  }
0xbc: {  	s29 =	srdreg.scid  }
0xbd: {  	s30 =	sshll.u32 s29, $0xD;
	s31 =	sshrl.u32 s29, $0x2  }
0xbe: {  	s1 =	sand.u32 $0x1, s29;
	s2 =	sand.u32 $0x4000, s30;
	s0 =	sadd.s32 s31, s28  }
0xbf: {  	s1 =	sor.u32 s2, s1;
	s0 =	sshll.u32 s0, $0x11  }
0xc0: {  	s0 =	sor.u32 s0, s1  }
0xc1: {  	s0 =	sadd.s32 $0x8F2B, s0  }
0xc2: {  	[sflag:s0] =	ssyncadd.remote.s32 $0x1  }
0xc3: {  	_ =	sfence.sel $0xFFFF  }
0xc4: {  	[dreg:$0x0] =	wrdreg $0xFFFFFFFF;
	(pc) =	sbr.abs _section_cstart, $3  }
0xc5: {  	[dreg:$0x1] =	wrdreg $0xFFFFFFFF  }
0xc6: {  	_ =	task.clear_ibuf [dreg:s6], $0x2FFFF;
	_ =	strace $0x9FFFFFFF  }
0xc7: {  	(tm) =	ssettm $0x7FFFFFFF  }
tec
execute0_lowered:
.L_overlay_start_1:
0x0: {  	(tag) =	ssettag $0x1  }
0x1: {  	s1 =	rddreg [dreg:$0x0]  }
0x2: {  	s5 =	rddreg [dreg:$0x1]  }
0x3: {  	s6 =	rddreg [dreg:$0x2]  }
0x4: {  	s0 =	rddreg [dreg:$0x3];
	s7 =	stileid.u32  }
0x5: {  	_ =	strace $0x8000004A;
	s3 =	simm.s32 $0x3E;
	p0 =	sne.s32 s7, $0x0  }
0x6: {  	[sflag:s3] =	ssyncpa.u1 $0x0;
	s4 =	simm.s32 @!p0 $0x1C3E;
	s2 =	simm.s32 @!p0 $0x0  }
0x7: {  	[spmem:s2], [sflag:s4] =	dma.local @!p0 [hbm:s1], $0x10  }
0x8: {  	s4 =	simm.s32 @!p0 $0x3E  }
0x9: {  	_ =	swait.ge @!p0 [sflag:s4], $0x10  }
0xa: {  	[sflag:s4] =	ssyncset.done @!p0 $0x0  }
0xb: {  	[sflag:s4] =	ssyncadd.s32 @!p0 $0xFFFFFFF0  }
0xc: {  	s9 =	simm.s32 $0x108;
	s6 =	sadd.s32 $0xA00, s6;
	[bflag:$0x0] =	sbarrier.arrive $0xFFFF  }
0xd: {  	s7 =	sshll.u32 s7, $0x5;
	[sflag:s3] =	ssyncpa.u1 $0x1;
	s3 =	simm.s32 $0x1  }
0xe: {  	s8 =	sadd.s32 s5, s7;
	s4 =	simm.s32 $0x2;
	[sflag:s3] =	ssyncpa.u1 $0x0  }
0xf: {  	s5 =	simm.s32 $0x0;
	(ifvalue) =	ssetifvalue $0x80;
	[sflag:s4] =	ssyncpa.u1 $0x0  }
0x10: {  	[tilespmem:s9], [sflag:$0x2] =	stream.linear.gather [hbm4b:s8+s5], $0x100, $0x38;
	[tilespmem:$0x408] =	vst v63  }
0x11: {  	s23 =	simm.s32 $0x308;
	s6 =	sadd.s32 s6, s7  }
0x12: {  	[tilespmem:s23], [sflag:$0x2] =	stream.linear.gather [hbm4b:s6+s5], $0x100, $0x38;
	[tilespmem:$0x408] =	vst v63  }
0x13: {  	_ =	swait.ge [sflag:s4], $0x200  }
0x14: {  	[sflag:s4] =	ssyncset.done $0x0  }
0x15: {  	[sflag:s4] =	ssyncadd.s32 $0xFFFFFE00  }
0x16: {  	v0 =	vld.msk [tilespmem:s9+$0x0 ss:$0x1], $0xffff;
	_ =	sdelay $0x4  }
0x17: {  	v0 =	vmin.u32 v0, $0x80;
	_ =	sdelay $0x3  }
0x18: {  	vm0 =	vmmov $0xffff;
	s24 =	simm.s32 $0x118  }
0x19: {  	[spmem:s5] =	stream.indirect_vreg.scatter.add.s32 [tilespmem:s23], [sflag:$0x1], $0x1, v0, vm0, $0x4038;
	[tilespmem:$0x408] =	vst v63  }
0x1a: {  	v0 =	vld.msk [tilespmem:s24+$0x0 ss:$0x1], $0xffff;
	_ =	sdelay $0x4  }
0x1b: {  	v0 =	vmin.u32 v0, $0x80;
	_ =	sdelay $0x3  }
0x1c: {  	s25 =	simm.s32 $0x318;
	s26 =	simm.s32 $0x128  }
0x1d: {  	[spmem:s5] =	stream.indirect_vreg.scatter.add.s32 [tilespmem:s25], [sflag:$0x1], $0x1, v0, vm0, $0x4038;
	[tilespmem:$0x408] =	vst v63  }
0x1e: {  	v0 =	vld.msk [tilespmem:s26+$0x0 ss:$0x1], $0xffff;
	_ =	sdelay $0x4  }
0x1f: {  	v0 =	vmin.u32 v0, $0x80;
	_ =	sdelay $0x3  }
0x20: {  	s28 =	simm.s32 $0x328;
	s29 =	simm.s32 $0x138  }
0x21: {  	[spmem:s5] =	stream.indirect_vreg.scatter.add.s32 [tilespmem:s28], [sflag:$0x1], $0x1, v0, vm0, $0x4038;
	[tilespmem:$0x408] =	vst v63  }
0x22: {  	v0 =	vld.msk [tilespmem:s29+$0x0 ss:$0x1], $0xffff;
	_ =	sdelay $0x4  }
0x23: {  	v0 =	vmin.u32 v0, $0x80;
	_ =	sdelay $0x3  }
0x24: {  	s30 =	simm.s32 $0x338;
	s31 =	simm.s32 $0x148  }
0x25: {  	[spmem:s5] =	stream.indirect_vreg.scatter.add.s32 [tilespmem:s30], [sflag:$0x1], $0x1, v0, vm0, $0x4038;
	[tilespmem:$0x408] =	vst v63  }
0x26: {  	v0 =	vld.msk [tilespmem:s31+$0x0 ss:$0x1], $0xffff;
	_ =	sdelay $0x4  }
0x27: {  	v0 =	vmin.u32 v0, $0x80;
	_ =	sdelay $0x3  }
0x28: {  	s7 =	simm.s32 $0x348;
	s8 =	simm.s32 $0x158  }
0x29: {  	[spmem:s5] =	stream.indirect_vreg.scatter.add.s32 [tilespmem:s7], [sflag:$0x1], $0x1, v0, vm0, $0x4038;
	[tilespmem:$0x408] =	vst v63  }
0x2a: {  	v0 =	vld.msk [tilespmem:s8+$0x0 ss:$0x1], $0xffff;
	_ =	sdelay $0x4  }
0x2b: {  	v0 =	vmin.u32 v0, $0x80;
	_ =	sdelay $0x3  }
0x2c: {  	s10 =	simm.s32 $0x168;
	s9 =	simm.s32 $0x358  }
0x2d: {  	[spmem:s5] =	stream.indirect_vreg.scatter.add.s32 [tilespmem:s9], [sflag:$0x1], $0x1, v0, vm0, $0x4038;
	[tilespmem:$0x408] =	vst v63  }
0x2e: {  	v0 =	vld.msk [tilespmem:s10+$0x0 ss:$0x1], $0xffff;
	_ =	sdelay $0x4  }
0x2f: {  	v0 =	vmin.u32 v0, $0x80;
	_ =	sdelay $0x3  }
0x30: {  	s11 =	simm.s32 $0x368;
	s12 =	simm.s32 $0x178  }
0x31: {  	[spmem:s5] =	stream.indirect_vreg.scatter.add.s32 [tilespmem:s11], [sflag:$0x1], $0x1, v0, vm0, $0x4038;
	[tilespmem:$0x408] =	vst v63  }
0x32: {  	v0 =	vld.msk [tilespmem:s12+$0x0 ss:$0x1], $0xffff;
	_ =	sdelay $0x4  }
0x33: {  	v0 =	vmin.u32 v0, $0x80;
	_ =	sdelay $0x3  }
0x34: {  	s13 =	simm.s32 $0x378;
	s14 =	simm.s32 $0x188  }
0x35: {  	[spmem:s5] =	stream.indirect_vreg.scatter.add.s32 [tilespmem:s13], [sflag:$0x1], $0x1, v0, vm0, $0x4038;
	[tilespmem:$0x408] =	vst v63  }
0x36: {  	v0 =	vld.msk [tilespmem:s14+$0x0 ss:$0x1], $0xffff;
	_ =	sdelay $0x4  }
0x37: {  	v0 =	vmin.u32 v0, $0x80;
	_ =	sdelay $0x3  }
0x38: {  	s15 =	simm.s32 $0x388;
	s16 =	simm.s32 $0x198  }
0x39: {  	[spmem:s5] =	stream.indirect_vreg.scatter.add.s32 [tilespmem:s15], [sflag:$0x1], $0x1, v0, vm0, $0x4038;
	[tilespmem:$0x408] =	vst v63  }
0x3a: {  	v0 =	vld.msk [tilespmem:s16+$0x0 ss:$0x1], $0xffff;
	_ =	sdelay $0x4  }
0x3b: {  	v0 =	vmin.u32 v0, $0x80;
	_ =	sdelay $0x3  }
0x3c: {  	s17 =	simm.s32 $0x398;
	s18 =	simm.s32 $0x1A8  }
0x3d: {  	[spmem:s5] =	stream.indirect_vreg.scatter.add.s32 [tilespmem:s17], [sflag:$0x1], $0x1, v0, vm0, $0x4038;
	[tilespmem:$0x408] =	vst v63  }
0x3e: {  	v0 =	vld.msk [tilespmem:s18+$0x0 ss:$0x1], $0xffff;
	_ =	sdelay $0x4  }
0x3f: {  	v0 =	vmin.u32 v0, $0x80;
	_ =	sdelay $0x3  }
0x40: {  	s19 =	simm.s32 $0x3A8;
	s20 =	simm.s32 $0x1B8  }
0x41: {  	[spmem:s5] =	stream.indirect_vreg.scatter.add.s32 [tilespmem:s19], [sflag:$0x1], $0x1, v0, vm0, $0x4038;
	[tilespmem:$0x408] =	vst v63  }
0x42: {  	v0 =	vld.msk [tilespmem:s20+$0x0 ss:$0x1], $0xffff;
	_ =	sdelay $0x4  }
0x43: {  	v0 =	vmin.u32 v0, $0x80;
	_ =	sdelay $0x3  }
0x44: {  	s21 =	simm.s32 $0x3B8;
	s22 =	simm.s32 $0x1C8  }
0x45: {  	[spmem:s5] =	stream.indirect_vreg.scatter.add.s32 [tilespmem:s21], [sflag:$0x1], $0x1, v0, vm0, $0x4038;
	[tilespmem:$0x408] =	vst v63  }
0x46: {  	v0 =	vld.msk [tilespmem:s22+$0x0 ss:$0x1], $0xffff;
	_ =	sdelay $0x4  }
0x47: {  	v0 =	vmin.u32 v0, $0x80;
	_ =	sdelay $0x3  }
0x48: {  	s23 =	simm.s32 $0x3C8;
	s24 =	simm.s32 $0x1D8  }
0x49: {  	[spmem:s5] =	stream.indirect_vreg.scatter.add.s32 [tilespmem:s23], [sflag:$0x1], $0x1, v0, vm0, $0x4038;
	[tilespmem:$0x408] =	vst v63  }
0x4a: {  	v0 =	vld.msk [tilespmem:s24+$0x0 ss:$0x1], $0xffff;
	_ =	sdelay $0x4  }
0x4b: {  	v0 =	vmin.u32 v0, $0x80;
	_ =	sdelay $0x3  }
0x4c: {  	s25 =	simm.s32 $0x3D8;
	s26 =	simm.s32 $0x1E8  }
0x4d: {  	[spmem:s5] =	stream.indirect_vreg.scatter.add.s32 [tilespmem:s25], [sflag:$0x1], $0x1, v0, vm0, $0x4038;
	[tilespmem:$0x408] =	vst v63  }
0x4e: {  	v0 =	vld.msk [tilespmem:s26+$0x0 ss:$0x1], $0xffff;
	_ =	sdelay $0x4  }
0x4f: {  	v0 =	vmin.u32 v0, $0x80;
	_ =	sdelay $0x3  }
0x50: {  	s28 =	simm.s32 $0x3E8;
	s29 =	simm.s32 $0x1F8  }
0x51: {  	[spmem:s5] =	stream.indirect_vreg.scatter.add.s32 [tilespmem:s28], [sflag:$0x1], $0x1, v0, vm0, $0x4038;
	[tilespmem:$0x408] =	vst v63  }
0x52: {  	v0 =	vld.msk [tilespmem:s29+$0x0 ss:$0x1], $0xffff;
	_ =	sdelay $0x4  }
0x53: {  	v0 =	vmin.u32 v0, $0x80;
	_ =	sdelay $0x3  }
0x54: {  	s30 =	simm.s32 $0x3F8  }
0x55: {  	[spmem:s5] =	stream.indirect_vreg.scatter.add.s32 [tilespmem:s30], [sflag:$0x1], $0x1, v0, vm0, $0x4038;
	[tilespmem:$0x408] =	vst v63  }
0x56: {  	_ =	swait.ge [sflag:s3], $0x100  }
0x57: {  	[sflag:s3] =	ssyncset.done $0x0  }
0x58: {  	[sflag:s3] =	ssyncadd.s32 $0xFFFFFF00  }
0x59: {  	_ =	sfence.sel $0x180000  }
0x5a: {  	[bflag:$0x0] =	sbarrier.arrive $0xFFFF  }
0x5b: {  	[sflag:s4] =	ssyncpa.u1 $0x1  }
0x5c: {  	[sflag:s3] =	ssyncpa.u1 $0x1  }
0x5d: {  	_ =	sfence.stream.spmem  }
0x5e: {  	s31 =	simm.s32 $0x3D;
	[bflag:$0x0] =	sbarrier.arrive $0xFFFF  }
0x5f: {  	s3 =	simm.s32 @p0 $0x3D;
	[sflag:s31] =	ssyncpa.u1 $0x0  }
0x60: {  	[sflag:s3] =	ssyncpa.u1 @p0 $0x1  }
0x61: {  	[bflag:$0x0] =	sbarrier.arrive @p0 $0xFFFF  }
0x62: {  	_ =	strace @p0 $0x9000004A  }
0x63: {  	s3 =	simm.s32 @!p0 $0x1C3D;
	[bflag:$0x2] =	sbarrier.arrive @p0 $0xFFFF  }
0x64: {  	[hbm:s1], [sflag:s3] =	dma.local @!p0 [spmem:s2], $0x10  }
0x65: {  	s1 =	simm.s32 @!p0 $0x3D  }
0x66: {  	_ =	swait.ge @!p0 [sflag:s1], $0x10  }
0x67: {  	[sflag:s1] =	ssyncset.done @!p0 $0x0  }
0x68: {  	[sflag:s1] =	ssyncadd.s32 @!p0 $0xFFFFFFF0  }
0x69: {  	[sflag:s1] =	ssyncpa.u1 @!p0 $0x1  }
0x6a: {  	[bflag:$0x0] =	sbarrier.arrive @!p0 $0xFFFF  }
0x6b: {  	_ =	strace @!p0 $0x9000004A  }
0x6c: {  	s0 =	sadd.s32 @!p0 $0x100000, s0;
	[bflag:$0x2] =	sbarrier.arrive @!p0 $0xFFFF  }
0x6d: {  	[sflag:s0] =	ssyncadd.tile.s32 @!p0 $0x1;
	_ =	shalt  }
.Lfunc_end2:
_tile_overlayer_lowered:
.L_overlay_start_2:
0x6e: {  	(tag) =	ssettag $0x2  }
0x6f: {  	s0 =	rddreg [dreg:$0x0];
	s2 =	stileid.u32  }
0x70: {  	s1 =	rddreg [dreg:$0x1];
	p0 =	sne.s32 s2, $0x0  }
0x71: {  	s3 =	rddreg [dreg:$0x2];
	[bflag:$0x3] =	sbarrier.arrive $0xFFFF;
	s2 =	simm.s32 @!p0 $0x1C01  }
0x72: {  	[timem:s3], [sflag:s2] =	dma.local @!p0 [hbm:s0], s1  }
0x73: {  	s0 =	simm.s32 @!p0 $0x1  }
0x74: {  	_ =	swait.ge @!p0 [sflag:s0], s1  }
0x75: {  	s1 =	ssub.s32 @!p0 $0x0, s1;
	[sflag:s0] =	ssyncset.done @!p0 $0x0  }
0x76: {  	[sflag:s0] =	ssyncadd.s32 @!p0 s1  }
0x77: {  	[bflag:$0x3] =	sbarrier.arrive $0xFFFF  }
0x78: {  	_ =	shalt  }

</sc_bundles>
